<compile_context>
chip_gen: v7x
topology: tpu7x:2x2x1
jax: 0.10.2.dev20260603
libtpu: 0.0.44.dev20260713+nightly
codegen_flags: <defaults>
</compile_context>

<pallas_src>
import functools

import jax
import jax.numpy as jnp
from jax import lax
from jax.experimental import pallas as pl
from jax.experimental.pallas import tpu as pltpu
from jax.experimental.pallas import tpu_sc as plsc

N = 10000
D = 128
E = 320000

NC = 2
NS = 16
NW = NC * NS
CH = 128
K = 80
E_PAD = NW * CH * K
N_PAD = 10240
ZR = N_PAD // NS
DFR = N_PAD * 16 // 128


_MESH = plsc.VectorSubcoreMesh(core_axis_name="c", subcore_axis_name="s")


def _unpack_row(pk_v, j, idx_v, r, shift, mask):
    for u in range(CH // 16):
        v = pk_v[j, pl.ds(u * 16, 16)]
        if shift:
            v = lax.shift_right_logical(v, shift)
        if mask:
            v = lax.bitwise_and(v, mask)
        idx_v[r, pl.ds(u * 16, 16)] = v


def _sc_segsum_body(h_hbm, pk_hbm, zero_hbm, agg_out,
                    pk_v, idx_v, rows_a, rows_b, agg_sh, sem_a, sem_b):
    c = lax.axis_index("c")
    s = lax.axis_index("s")
    w = c * NS + s
    for r in range(ZR // 128):
        pltpu.sync_copy(zero_hbm, agg_sh.at[pl.ds(s * ZR + r * 128, 128)])
    pltpu.sync_copy(pk_hbm.at[w], pk_v)
    plsc.subcore_barrier()

    _unpack_row(pk_v, 0, idx_v, 0, 0, 16383)
    pltpu.async_copy(h_hbm.at[idx_v.at[0]], rows_a, sem_a)
    _unpack_row(pk_v, 1, idx_v, 1, 0, 16383)
    pltpu.async_copy(h_hbm.at[idx_v.at[1]], rows_b, sem_b)

    def pair(t, carry):
        ja = 2 * t
        pltpu.make_async_copy(h_hbm.at[idx_v.at[0]], rows_a, sem_a).wait()
        _unpack_row(pk_v, ja, idx_v, 2, 14, 0)
        pltpu.sync_copy(rows_a, agg_sh.at[idx_v.at[2]], add=True)
        _unpack_row(pk_v, (ja + 2) % K, idx_v, 0, 0, 16383)
        pltpu.async_copy(h_hbm.at[idx_v.at[0]], rows_a, sem_a)
        jb = ja + 1
        pltpu.make_async_copy(h_hbm.at[idx_v.at[1]], rows_b, sem_b).wait()
        _unpack_row(pk_v, jb, idx_v, 3, 14, 0)
        pltpu.sync_copy(rows_b, agg_sh.at[idx_v.at[3]], add=True)
        _unpack_row(pk_v, (jb + 2) % K, idx_v, 1, 0, 16383)
        pltpu.async_copy(h_hbm.at[idx_v.at[1]], rows_b, sem_b)
        return carry

    lax.fori_loop(0, K // 2, pair, 0)
    pltpu.make_async_copy(h_hbm.at[idx_v.at[0]], rows_a, sem_a).wait()
    pltpu.make_async_copy(h_hbm.at[idx_v.at[1]], rows_b, sem_b).wait()
    plsc.subcore_barrier()
    pltpu.sync_copy(agg_sh.at[pl.ds(s * ZR, ZR)],
                    agg_out.at[c, pl.ds(s * ZR, ZR)])


_sc_segsum_call = pl.kernel(
    _sc_segsum_body,
    out_type=[jax.ShapeDtypeStruct((NC, N_PAD, D), jnp.float32)],
    mesh=_MESH,
    scratch_types=[
        pltpu.VMEM((K, CH), jnp.int32),
        pltpu.VMEM((4, CH), jnp.int32),
        pltpu.VMEM((CH, D), jnp.float32),
        pltpu.VMEM((CH, D), jnp.float32),
        pltpu.VMEM_SHARED((N_PAD, D), jnp.float32),
        pltpu.SemaphoreType.DMA,
        pltpu.SemaphoreType.DMA,
    ],
)



def _sc_deg_body(pk_hbm, ones_hbm, zero_hbm, deg_out, pk_v, dst_v, ones_v,
                 deg_sh):
    c = lax.axis_index("c")
    s = lax.axis_index("s")
    w = c * NS + s
    for r in range(ZR // 128):
        pltpu.sync_copy(zero_hbm, deg_sh.at[pl.ds(s * ZR + r * 128, 128)])
    pltpu.sync_copy(ones_hbm, ones_v)
    pltpu.sync_copy(pk_hbm.at[w], pk_v)

    def row(j, carry):
        for u in range(CH // 16):
            v = pk_v[j, pl.ds(u * 16, 16)]
            dst_v[j, pl.ds(u * 16, 16)] = lax.shift_right_logical(v, 14)
        return carry

    lax.fori_loop(0, K, row, 0)
    plsc.subcore_barrier()

    def chunk(j, carry):
        pltpu.sync_copy(ones_v, deg_sh.at[dst_v.at[j]], add=True)
        return carry

    lax.fori_loop(0, K, chunk, 0)
    plsc.subcore_barrier()
    pltpu.sync_copy(deg_sh.at[pl.ds(s * ZR, ZR)],
                    deg_out.at[c, pl.ds(s * ZR, ZR)])


_sc_deg_call = pl.kernel(
    _sc_deg_body,
    out_type=[jax.ShapeDtypeStruct((NC, N_PAD, D), jnp.float32)],
    mesh=_MESH,
    scratch_types=[
        pltpu.VMEM((K, CH), jnp.int32),
        pltpu.VMEM((K, CH), jnp.int32),
        pltpu.VMEM((CH, D), jnp.float32),
        pltpu.VMEM_SHARED((N_PAD, D), jnp.float32),
    ],
)


BLK = 1000


def _tc_layer(parts, deg, h, WlT, WrT, b, relu: bool):

    def body(p_ref, d_ref, h_ref, wl_ref, wr_ref, b_ref, o_ref):
        sum_ = p_ref[0] + p_ref[1]
        dg = d_ref[0, :, 0:1] + d_ref[1, :, 0:1]
        agg = sum_ / jnp.maximum(dg, 1.0)
        acc = jnp.dot(agg, wl_ref[...], preferred_element_type=jnp.float32)
        acc = acc + jnp.dot(h_ref[...], wr_ref[...],
                            preferred_element_type=jnp.float32)
        acc = acc + b_ref[...]
        if relu:
            acc = jnp.maximum(acc, 0.0)
        o_ref[...] = acc

    return pl.pallas_call(
        body,
        grid=(N // BLK,),
        in_specs=[
            pl.BlockSpec((NC, BLK, D), lambda i: (0, i, 0)),
            pl.BlockSpec((NC, BLK, D), lambda i: (0, i, 0)),
            pl.BlockSpec((BLK, D), lambda i: (i, 0)),
            pl.BlockSpec((D, D), lambda i: (0, 0)),
            pl.BlockSpec((D, D), lambda i: (0, 0)),
            pl.BlockSpec((1, D), lambda i: (0, 0)),
        ],
        out_specs=pl.BlockSpec((BLK, D), lambda i: (i, 0)),
        out_shape=jax.ShapeDtypeStruct((N, D), jnp.float32),
    )(parts, deg, h, WlT, WrT, b)


@jax.jit
def kernel(x, edge_index, W1_l, W1_r, b1, W2_l, W2_r, b2):
    src = edge_index[0].astype(jnp.int32)
    dst = edge_index[1].astype(jnp.int32)
    pad = E_PAD - E
    src_p = jnp.concatenate(
        [src, (jnp.arange(pad, dtype=jnp.int32) * 131) % N])
    dst_p = jnp.concatenate(
        [dst, N + (jnp.arange(pad, dtype=jnp.int32) % (N_PAD - N))])
    pk_p = ((dst_p << 14) | src_p).reshape(NW, K, CH)
    zero = jnp.zeros((CH, D), jnp.float32)
    ones_rows = jnp.ones((CH, D), jnp.float32)

    (deg,) = _sc_deg_call(pk_p, ones_rows, zero)
    (agg1,) = _sc_segsum_call(x, pk_p, zero)
    h = _tc_layer(agg1, deg, x, W1_l.T, W1_r.T, b1.reshape(1, D), relu=True)
    (agg2,) = _sc_segsum_call(h, pk_p, zero)
    out = _tc_layer(agg2, deg, h, W2_l.T, W2_r.T, b2.reshape(1, D),
                    relu=False)
    return out

# --- scband reference (transcript-rebuilt; emitter-appended) ---
"""Pipeline reference for scband-sage-7026566496443 (READ-ONLY COPY).

The authoritative reference and input builder live on the scoring server;
editing this copy changes nothing except your own understanding.
"""

import jax, jax.numpy as jnp
import numpy as np

N = 10000
E = 320000
D_IN = 128
D_H = 128
D_OUT = 128


def setup_inputs(seed: int = 0) -> dict:
    key = jax.random.key(seed)
    ks = jax.random.split(key, 8)
    x = jax.random.normal(ks[0], (N, D_IN), dtype=jnp.float32)
    edge_index = jax.random.randint(ks[1], (2, E), 0, N, dtype=jnp.int32).astype(jnp.int64)
    # SAGEConv layer 1 (in -> hidden): lin_l applied to mean-aggregated neighbors, lin_r to root
    W1_l = jax.random.normal(ks[2], (D_H, D_IN), dtype=jnp.float32) * (1.0 / np.sqrt(D_IN))
    W1_r = jax.random.normal(ks[3], (D_H, D_IN), dtype=jnp.float32) * (1.0 / np.sqrt(D_IN))
    b1 = jnp.zeros((D_H,), dtype=jnp.float32)
    # SAGEConv layer 2 (hidden -> out)
    W2_l = jax.random.normal(ks[4], (D_OUT, D_H), dtype=jnp.float32) * (1.0 / np.sqrt(D_H))
    W2_r = jax.random.normal(ks[5], (D_OUT, D_H), dtype=jnp.float32) * (1.0 / np.sqrt(D_H))
    b2 = jnp.zeros((D_OUT,), dtype=jnp.float32)
    return {"x": x, "edge_index": edge_index, "W1_l": W1_l, "W1_r": W1_r, "b1": b1,
            "W2_l": W2_l, "W2_r": W2_r, "b2": b2}


def reference(x, edge_index, W1_l, W1_r, b1, W2_l, W2_r, b2):
    src = edge_index[0]
    dst = edge_index[1]

    def sage_conv(h, Wl, Wr, b):
        # gather source-node features along edges
        msg = jnp.take(h, src, axis=0)
        # mean aggregation over incoming edges at dst
        agg = jax.ops.segment_sum(msg, dst, num_segments=N)
        deg = jax.ops.segment_sum(jnp.ones((E,), dtype=h.dtype), dst, num_segments=N)
        agg = agg / jnp.maximum(deg, 1.0)[:, None]
        # lin_l(agg) + lin_r(h) + bias
        return agg @ Wl.T + h @ Wr.T + b

    h = sage_conv(x, W1_l, W1_r, b1)
    h = jax.nn.relu(h)
    # dropout p=0.0 (eval mode): identity
    out = sage_conv(h, W2_l, W2_r, b2)
    return out

if __name__ == "__main__":
    import jax
    _d = setup_inputs()
    print(jax.jit(kernel)(*tuple(_d.values())))

</pallas_src>

<mosaic_0001>
#map = affine_map<(d0, d1) -> (0, 0, 0)>
#map1 = affine_map<(d0, d1) -> (0, 0)>
module attributes {stable_mosaic.version = 14 : i64} {
  func.func @_sc_deg_body(%arg0: i32, %arg1: i32, %arg2: memref<32x80x128xi32, #tpu.memory_space<hbm>>, %arg3: memref<128x128xf32, #tpu.memory_space<hbm>>, %arg4: memref<128x128xf32, #tpu.memory_space<hbm>>, %arg5: memref<2x10240x128xf32, #tpu.memory_space<hbm>>, %arg6: memref<80x128xi32, #tpu.memory_space<vmem>>, %arg7: memref<80x128xi32, #tpu.memory_space<vmem>>, %arg8: memref<128x128xf32, #tpu.memory_space<vmem>>, %arg9: memref<10240x128xf32, #tpu.memory_space<vmem_shared>>) attributes {dimension_semantics = [#tpu.dimension_semantics<core_parallel>, #tpu.dimension_semantics<subcore_parallel>], iteration_bounds = array<i64: 2, 16>, scalar_prefetch = 0 : i64, scratch_operands = 4 : i64, tpu.core_type = #tpu.core_type<sc_vector_subcore>, window_params = [{transform_indices = #map}, {transform_indices = #map1}, {transform_indices = #map1}, {transform_indices = #map}]} {
    %mul3A = arith.constant 16 : i32
    %mul3A_0 = arith.muli %arg0, %mul3A : i32
    %add3A = arith.addi %mul3A_0, %arg1 : i32
    %mul3A_1 = arith.constant 640 : i32
    %mul3A_2 = arith.muli %arg1, %mul3A_1 : i32
    %add3A_3 = arith.constant 0 : i32
    %add3A_4 = arith.addi %mul3A_2, %add3A_3 : i32
    "tpu.region"() ({
      %run_scoped3A = tpu.sem_alloc : memref<!tpu.dma_semaphore, #tpu.memory_space<semaphore_mem>>
      %dma_start3A = arith.constant 0 : i32
      %dma_start3A_37 = tpu.memref_slice %arg9[%add3A_4, %dma_start3A] : memref<10240x128xf32, #tpu.memory_space<vmem_shared>> -> memref<128x128xf32, #tpu.memory_space<vmem_shared>>
      tpu.enqueue_dma source(%arg4 : memref<128x128xf32, #tpu.memory_space<hbm>>) target(%dma_start3A_37 : memref<128x128xf32, #tpu.memory_space<vmem_shared>>) target_semaphore(%run_scoped3A : memref<!tpu.dma_semaphore, #tpu.memory_space<semaphore_mem>>)
      %dma_wait3A = arith.constant 0 : i32
      %dma_wait3A_38 = tpu.memref_slice %arg9[%add3A_4, %dma_wait3A] : memref<10240x128xf32, #tpu.memory_space<vmem_shared>> -> memref<128x128xf32, #tpu.memory_space<vmem_shared>>
      tpu.wait_dma2 semaphore(%run_scoped3A : memref<!tpu.dma_semaphore, #tpu.memory_space<semaphore_mem>>) src(%arg4 : memref<128x128xf32, #tpu.memory_space<hbm>>) dst(%dma_wait3A_38 : memref<128x128xf32, #tpu.memory_space<vmem_shared>>)
      tpu.yield
    }) : () -> ()
    %mul3A_5 = arith.constant 640 : i32
    %mul3A_6 = arith.muli %arg1, %mul3A_5 : i32
    %add3A_7 = arith.constant 128 : i32
    %add3A_8 = arith.addi %mul3A_6, %add3A_7 : i32
    "tpu.region"() ({
      %run_scoped3A = tpu.sem_alloc : memref<!tpu.dma_semaphore, #tpu.memory_space<semaphore_mem>>
      %dma_start3A = arith.constant 0 : i32
      %dma_start3A_37 = tpu.memref_slice %arg9[%add3A_8, %dma_start3A] : memref<10240x128xf32, #tpu.memory_space<vmem_shared>> -> memref<128x128xf32, #tpu.memory_space<vmem_shared>>
      tpu.enqueue_dma source(%arg4 : memref<128x128xf32, #tpu.memory_space<hbm>>) target(%dma_start3A_37 : memref<128x128xf32, #tpu.memory_space<vmem_shared>>) target_semaphore(%run_scoped3A : memref<!tpu.dma_semaphore, #tpu.memory_space<semaphore_mem>>)
      %dma_wait3A = arith.constant 0 : i32
      %dma_wait3A_38 = tpu.memref_slice %arg9[%add3A_8, %dma_wait3A] : memref<10240x128xf32, #tpu.memory_space<vmem_shared>> -> memref<128x128xf32, #tpu.memory_space<vmem_shared>>
      tpu.wait_dma2 semaphore(%run_scoped3A : memref<!tpu.dma_semaphore, #tpu.memory_space<semaphore_mem>>) src(%arg4 : memref<128x128xf32, #tpu.memory_space<hbm>>) dst(%dma_wait3A_38 : memref<128x128xf32, #tpu.memory_space<vmem_shared>>)
      tpu.yield
    }) : () -> ()
    %mul3A_9 = arith.constant 640 : i32
    %mul3A_10 = arith.muli %arg1, %mul3A_9 : i32
    %add3A_11 = arith.constant 256 : i32
    %add3A_12 = arith.addi %mul3A_10, %add3A_11 : i32
    "tpu.region"() ({
      %run_scoped3A = tpu.sem_alloc : memref<!tpu.dma_semaphore, #tpu.memory_space<semaphore_mem>>
      %dma_start3A = arith.constant 0 : i32
      %dma_start3A_37 = tpu.memref_slice %arg9[%add3A_12, %dma_start3A] : memref<10240x128xf32, #tpu.memory_space<vmem_shared>> -> memref<128x128xf32, #tpu.memory_space<vmem_shared>>
      tpu.enqueue_dma source(%arg4 : memref<128x128xf32, #tpu.memory_space<hbm>>) target(%dma_start3A_37 : memref<128x128xf32, #tpu.memory_space<vmem_shared>>) target_semaphore(%run_scoped3A : memref<!tpu.dma_semaphore, #tpu.memory_space<semaphore_mem>>)
      %dma_wait3A = arith.constant 0 : i32
      %dma_wait3A_38 = tpu.memref_slice %arg9[%add3A_12, %dma_wait3A] : memref<10240x128xf32, #tpu.memory_space<vmem_shared>> -> memref<128x128xf32, #tpu.memory_space<vmem_shared>>
      tpu.wait_dma2 semaphore(%run_scoped3A : memref<!tpu.dma_semaphore, #tpu.memory_space<semaphore_mem>>) src(%arg4 : memref<128x128xf32, #tpu.memory_space<hbm>>) dst(%dma_wait3A_38 : memref<128x128xf32, #tpu.memory_space<vmem_shared>>)
      tpu.yield
    }) : () -> ()
    %mul3A_13 = arith.constant 640 : i32
    %mul3A_14 = arith.muli %arg1, %mul3A_13 : i32
    %add3A_15 = arith.constant 384 : i32
    %add3A_16 = arith.addi %mul3A_14, %add3A_15 : i32
    "tpu.region"() ({
      %run_scoped3A = tpu.sem_alloc : memref<!tpu.dma_semaphore, #tpu.memory_space<semaphore_mem>>
      %dma_start3A = arith.constant 0 : i32
      %dma_start3A_37 = tpu.memref_slice %arg9[%add3A_16, %dma_start3A] : memref<10240x128xf32, #tpu.memory_space<vmem_shared>> -> memref<128x128xf32, #tpu.memory_space<vmem_shared>>
      tpu.enqueue_dma source(%arg4 : memref<128x128xf32, #tpu.memory_space<hbm>>) target(%dma_start3A_37 : memref<128x128xf32, #tpu.memory_space<vmem_shared>>) target_semaphore(%run_scoped3A : memref<!tpu.dma_semaphore, #tpu.memory_space<semaphore_mem>>)
      %dma_wait3A = arith.constant 0 : i32
      %dma_wait3A_38 = tpu.memref_slice %arg9[%add3A_16, %dma_wait3A] : memref<10240x128xf32, #tpu.memory_space<vmem_shared>> -> memref<128x128xf32, #tpu.memory_space<vmem_shared>>
      tpu.wait_dma2 semaphore(%run_scoped3A : memref<!tpu.dma_semaphore, #tpu.memory_space<semaphore_mem>>) src(%arg4 : memref<128x128xf32, #tpu.memory_space<hbm>>) dst(%dma_wait3A_38 : memref<128x128xf32, #tpu.memory_space<vmem_shared>>)
      tpu.yield
    }) : () -> ()
    %mul3A_17 = arith.constant 640 : i32
    %mul3A_18 = arith.muli %arg1, %mul3A_17 : i32
    %add3A_19 = arith.constant 512 : i32
    %add3A_20 = arith.addi %mul3A_18, %add3A_19 : i32
    "tpu.region"() ({
      %run_scoped3A = tpu.sem_alloc : memref<!tpu.dma_semaphore, #tpu.memory_space<semaphore_mem>>
      %dma_start3A = arith.constant 0 : i32
      %dma_start3A_37 = tpu.memref_slice %arg9[%add3A_20, %dma_start3A] : memref<10240x128xf32, #tpu.memory_space<vmem_shared>> -> memref<128x128xf32, #tpu.memory_space<vmem_shared>>
      tpu.enqueue_dma source(%arg4 : memref<128x128xf32, #tpu.memory_space<hbm>>) target(%dma_start3A_37 : memref<128x128xf32, #tpu.memory_space<vmem_shared>>) target_semaphore(%run_scoped3A : memref<!tpu.dma_semaphore, #tpu.memory_space<semaphore_mem>>)
      %dma_wait3A = arith.constant 0 : i32
      %dma_wait3A_38 = tpu.memref_slice %arg9[%add3A_20, %dma_wait3A] : memref<10240x128xf32, #tpu.memory_space<vmem_shared>> -> memref<128x128xf32, #tpu.memory_space<vmem_shared>>
      tpu.wait_dma2 semaphore(%run_scoped3A : memref<!tpu.dma_semaphore, #tpu.memory_space<semaphore_mem>>) src(%arg4 : memref<128x128xf32, #tpu.memory_space<hbm>>) dst(%dma_wait3A_38 : memref<128x128xf32, #tpu.memory_space<vmem_shared>>)
      tpu.yield
    }) : () -> ()
    "tpu.region"() ({
      %run_scoped3A = tpu.sem_alloc : memref<!tpu.dma_semaphore, #tpu.memory_space<semaphore_mem>>
      tpu.enqueue_dma source(%arg3 : memref<128x128xf32, #tpu.memory_space<hbm>>) target(%arg8 : memref<128x128xf32, #tpu.memory_space<vmem>>) target_semaphore(%run_scoped3A : memref<!tpu.dma_semaphore, #tpu.memory_space<semaphore_mem>>)
      tpu.wait_dma2 semaphore(%run_scoped3A : memref<!tpu.dma_semaphore, #tpu.memory_space<semaphore_mem>>) src(%arg3 : memref<128x128xf32, #tpu.memory_space<hbm>>) dst(%arg8 : memref<128x128xf32, #tpu.memory_space<vmem>>)
      tpu.yield
    }) : () -> ()
    "tpu.region"() ({
      %run_scoped3A = tpu.sem_alloc : memref<!tpu.dma_semaphore, #tpu.memory_space<semaphore_mem>>
      %dma_start3A = arith.constant 0 : i32
      %dma_start3A_37 = arith.constant 0 : i32
      %dma_start3A_38 = tpu.memref_slice %arg2[%add3A, %dma_start3A, %dma_start3A_37] : memref<32x80x128xi32, #tpu.memory_space<hbm>> -> memref<1x80x128xi32, #tpu.memory_space<hbm>>
      %dma_start3A_39 = tpu.memref_squeeze %dma_start3A_38 : memref<1x80x128xi32, #tpu.memory_space<hbm>> -> memref<80x128xi32, #tpu.memory_space<hbm>>
      %dma_start3A_40 = arith.constant 0 : i32
      %dma_start3A_41 = arith.constant 0 : i32
      %dma_start3A_42 = tpu.memref_slice %arg2[%add3A, %dma_start3A_40, %dma_start3A_41] : memref<32x80x128xi32, #tpu.memory_space<hbm>> -> memref<1x80x128xi32, #tpu.memory_space<hbm>>
      %dma_start3A_43 = tpu.memref_squeeze %dma_start3A_42 : memref<1x80x128xi32, #tpu.memory_space<hbm>> -> memref<80x128xi32, #tpu.memory_space<hbm>>
      tpu.enqueue_dma source(%dma_start3A_43 : memref<80x128xi32, #tpu.memory_space<hbm>>) target(%arg6 : memref<80x128xi32, #tpu.memory_space<vmem>>) target_semaphore(%run_scoped3A : memref<!tpu.dma_semaphore, #tpu.memory_space<semaphore_mem>>)
      %dma_wait3A = arith.constant 0 : i32
      %dma_wait3A_44 = arith.constant 0 : i32
      %dma_wait3A_45 = tpu.memref_slice %arg2[%add3A, %dma_wait3A, %dma_wait3A_44] : memref<32x80x128xi32, #tpu.memory_space<hbm>> -> memref<1x80x128xi32, #tpu.memory_space<hbm>>
      %dma_wait3A_46 = tpu.memref_squeeze %dma_wait3A_45 : memref<1x80x128xi32, #tpu.memory_space<hbm>> -> memref<80x128xi32, #tpu.memory_space<hbm>>
      %dma_wait3A_47 = arith.constant 0 : i32
      %dma_wait3A_48 = arith.constant 0 : i32
      %dma_wait3A_49 = tpu.memref_slice %arg2[%add3A, %dma_wait3A_47, %dma_wait3A_48] : memref<32x80x128xi32, #tpu.memory_space<hbm>> -> memref<1x80x128xi32, #tpu.memory_space<hbm>>
      %dma_wait3A_50 = tpu.memref_squeeze %dma_wait3A_49 : memref<1x80x128xi32, #tpu.memory_space<hbm>> -> memref<80x128xi32, #tpu.memory_space<hbm>>
      tpu.wait_dma2 semaphore(%run_scoped3A : memref<!tpu.dma_semaphore, #tpu.memory_space<semaphore_mem>>) src(%dma_wait3A_50 : memref<80x128xi32, #tpu.memory_space<hbm>>) dst(%arg6 : memref<80x128xi32, #tpu.memory_space<vmem>>)
      tpu.yield
    }) : () -> ()
    %scan3A = arith.constant 0 : i32
    %scan3A_21 = arith.constant 0 : i32
    %scan3A_22 = arith.constant 80 : i32
    %scan3A_23 = arith.addi %scan3A_21, %scan3A_22 : i32
    %scan3A_24 = arith.constant 1 : i32
    scf.for %scan3A_37 = %scan3A_21 to %scan3A_23 step %scan3A_24  : i32 {
      %get3A = arith.index_cast %scan3A_37 : i32 to index
      %get3A_38 = arith.constant 0 : index
      %get3A_39 = tpu.vector_load %arg6[%get3A, %get3A_38] {strides = array<i32>} : memref<80x128xi32, #tpu.memory_space<vmem>>, vector<1x16xi32>,
      %get3A_40 = vector.shape_cast %get3A_39 : vector<1x16xi32> to vector<16xi32>
      %shift_right_logical3A = arith.constant 14 : i32
      %shift_right_logical3A_41 = vector.broadcast %shift_right_logical3A : i32 to vector<16xi32>
      %shift_right_logical3A_42 = arith.shrui %get3A_40, %shift_right_logical3A_41 : vector<16xi32>
      %swap3A = arith.index_cast %scan3A_37 : i32 to index
      %swap3A_43 = arith.constant 0 : index
      %swap3A_44 = tpu.vector_load %arg7[%swap3A, %swap3A_43] {strides = array<i32>} : memref<80x128xi32, #tpu.memory_space<vmem>>, vector<1x16xi32>,
      %swap3A_45 = vector.shape_cast %swap3A_44 : vector<1x16xi32> to vector<16xi32>
      %swap3A_46 = vector.shape_cast %shift_right_logical3A_42 : vector<16xi32> to vector<1x16xi32>
      tpu.vector_store %arg7[%swap3A, %swap3A_43], %swap3A_46 {strides = array<i32>} : memref<80x128xi32, #tpu.memory_space<vmem>>, vector<1x16xi32>,
      %get3A_47 = arith.index_cast %scan3A_37 : i32 to index
      %get3A_48 = arith.constant 16 : index
      %get3A_49 = tpu.vector_load %arg6[%get3A_47, %get3A_48] {strides = array<i32>} : memref<80x128xi32, #tpu.memory_space<vmem>>, vector<1x16xi32>,
      %get3A_50 = vector.shape_cast %get3A_49 : vector<1x16xi32> to vector<16xi32>
      %shift_right_logical3A_51 = arith.constant 14 : i32
      %shift_right_logical3A_52 = vector.broadcast %shift_right_logical3A_51 : i32 to vector<16xi32>
      %shift_right_logical3A_53 = arith.shrui %get3A_50, %shift_right_logical3A_52 : vector<16xi32>
      %swap3A_54 = arith.index_cast %scan3A_37 : i32 to index
      %swap3A_55 = arith.constant 16 : index
      %swap3A_56 = tpu.vector_load %arg7[%swap3A_54, %swap3A_55] {strides = array<i32>} : memref<80x128xi32, #tpu.memory_space<vmem>>, vector<1x16xi32>,
      %swap3A_57 = vector.shape_cast %swap3A_56 : vector<1x16xi32> to vector<16xi32>
      %swap3A_58 = vector.shape_cast %shift_right_logical3A_53 : vector<16xi32> to vector<1x16xi32>
      tpu.vector_store %arg7[%swap3A_54, %swap3A_55], %swap3A_58 {strides = array<i32>} : memref<80x128xi32, #tpu.memory_space<vmem>>, vector<1x16xi32>,
      %get3A_59 = arith.index_cast %scan3A_37 : i32 to index
      %get3A_60 = arith.constant 32 : index
      %get3A_61 = tpu.vector_load %arg6[%get3A_59, %get3A_60] {strides = array<i32>} : memref<80x128xi32, #tpu.memory_space<vmem>>, vector<1x16xi32>,
      %get3A_62 = vector.shape_cast %get3A_61 : vector<1x16xi32> to vector<16xi32>
      %shift_right_logical3A_63 = arith.constant 14 : i32
      %shift_right_logical3A_64 = vector.broadcast %shift_right_logical3A_63 : i32 to vector<16xi32>
      %shift_right_logical3A_65 = arith.shrui %get3A_62, %shift_right_logical3A_64 : vector<16xi32>
      %swap3A_66 = arith.index_cast %scan3A_37 : i32 to index
      %swap3A_67 = arith.constant 32 : index
      %swap3A_68 = tpu.vector_load %arg7[%swap3A_66, %swap3A_67] {strides = array<i32>} : memref<80x128xi32, #tpu.memory_space<vmem>>, vector<1x16xi32>,
      %swap3A_69 = vector.shape_cast %swap3A_68 : vector<1x16xi32> to vector<16xi32>
      %swap3A_70 = vector.shape_cast %shift_right_logical3A_65 : vector<16xi32> to vector<1x16xi32>
      tpu.vector_store %arg7[%swap3A_66, %swap3A_67], %swap3A_70 {strides = array<i32>} : memref<80x128xi32, #tpu.memory_space<vmem>>, vector<1x16xi32>,
      %get3A_71 = arith.index_cast %scan3A_37 : i32 to index
      %get3A_72 = arith.constant 48 : index
      %get3A_73 = tpu.vector_load %arg6[%get3A_71, %get3A_72] {strides = array<i32>} : memref<80x128xi32, #tpu.memory_space<vmem>>, vector<1x16xi32>,
      %get3A_74 = vector.shape_cast %get3A_73 : vector<1x16xi32> to vector<16xi32>
      %shift_right_logical3A_75 = arith.constant 14 : i32
      %shift_right_logical3A_76 = vector.broadcast %shift_right_logical3A_75 : i32 to vector<16xi32>
      %shift_right_logical3A_77 = arith.shrui %get3A_74, %shift_right_logical3A_76 : vector<16xi32>
      %swap3A_78 = arith.index_cast %scan3A_37 : i32 to index
      %swap3A_79 = arith.constant 48 : index
      %swap3A_80 = tpu.vector_load %arg7[%swap3A_78, %swap3A_79] {strides = array<i32>} : memref<80x128xi32, #tpu.memory_space<vmem>>, vector<1x16xi32>,
      %swap3A_81 = vector.shape_cast %swap3A_80 : vector<1x16xi32> to vector<16xi32>
      %swap3A_82 = vector.shape_cast %shift_right_logical3A_77 : vector<16xi32> to vector<1x16xi32>
      tpu.vector_store %arg7[%swap3A_78, %swap3A_79], %swap3A_82 {strides = array<i32>} : memref<80x128xi32, #tpu.memory_space<vmem>>, vector<1x16xi32>,
      %get3A_83 = arith.index_cast %scan3A_37 : i32 to index
      %get3A_84 = arith.constant 64 : index
      %get3A_85 = tpu.vector_load %arg6[%get3A_83, %get3A_84] {strides = array<i32>} : memref<80x128xi32, #tpu.memory_space<vmem>>, vector<1x16xi32>,
      %get3A_86 = vector.shape_cast %get3A_85 : vector<1x16xi32> to vector<16xi32>
      %shift_right_logical3A_87 = arith.constant 14 : i32
      %shift_right_logical3A_88 = vector.broadcast %shift_right_logical3A_87 : i32 to vector<16xi32>
      %shift_right_logical3A_89 = arith.shrui %get3A_86, %shift_right_logical3A_88 : vector<16xi32>
      %swap3A_90 = arith.index_cast %scan3A_37 : i32 to index
      %swap3A_91 = arith.constant 64 : index
      %swap3A_92 = tpu.vector_load %arg7[%swap3A_90, %swap3A_91] {strides = array<i32>} : memref<80x128xi32, #tpu.memory_space<vmem>>, vector<1x16xi32>,
      %swap3A_93 = vector.shape_cast %swap3A_92 : vector<1x16xi32> to vector<16xi32>
      %swap3A_94 = vector.shape_cast %shift_right_logical3A_89 : vector<16xi32> to vector<1x16xi32>
      tpu.vector_store %arg7[%swap3A_90, %swap3A_91], %swap3A_94 {strides = array<i32>} : memref<80x128xi32, #tpu.memory_space<vmem>>, vector<1x16xi32>,
      %get3A_95 = arith.index_cast %scan3A_37 : i32 to index
      %get3A_96 = arith.constant 80 : index
      %get3A_97 = tpu.vector_load %arg6[%get3A_95, %get3A_96] {strides = array<i32>} : memref<80x128xi32, #tpu.memory_space<vmem>>, vector<1x16xi32>,
      %get3A_98 = vector.shape_cast %get3A_97 : vector<1x16xi32> to vector<16xi32>
      %shift_right_logical3A_99 = arith.constant 14 : i32
      %shift_right_logical3A_100 = vector.broadcast %shift_right_logical3A_99 : i32 to vector<16xi32>
      %shift_right_logical3A_101 = arith.shrui %get3A_98, %shift_right_logical3A_100 : vector<16xi32>
      %swap3A_102 = arith.index_cast %scan3A_37 : i32 to index
      %swap3A_103 = arith.constant 80 : index
      %swap3A_104 = tpu.vector_load %arg7[%swap3A_102, %swap3A_103] {strides = array<i32>} : memref<80x128xi32, #tpu.memory_space<vmem>>, vector<1x16xi32>,
      %swap3A_105 = vector.shape_cast %swap3A_104 : vector<1x16xi32> to vector<16xi32>
      %swap3A_106 = vector.shape_cast %shift_right_logical3A_101 : vector<16xi32> to vector<1x16xi32>
      tpu.vector_store %arg7[%swap3A_102, %swap3A_103], %swap3A_106 {strides = array<i32>} : memref<80x128xi32, #tpu.memory_space<vmem>>, vector<1x16xi32>,
      %get3A_107 = arith.index_cast %scan3A_37 : i32 to index
      %get3A_108 = arith.constant 96 : index
      %get3A_109 = tpu.vector_load %arg6[%get3A_107, %get3A_108] {strides = array<i32>} : memref<80x128xi32, #tpu.memory_space<vmem>>, vector<1x16xi32>,
      %get3A_110 = vector.shape_cast %get3A_109 : vector<1x16xi32> to vector<16xi32>
      %shift_right_logical3A_111 = arith.constant 14 : i32
      %shift_right_logical3A_112 = vector.broadcast %shift_right_logical3A_111 : i32 to vector<16xi32>
      %shift_right_logical3A_113 = arith.shrui %get3A_110, %shift_right_logical3A_112 : vector<16xi32>
      %swap3A_114 = arith.index_cast %scan3A_37 : i32 to index
      %swap3A_115 = arith.constant 96 : index
      %swap3A_116 = tpu.vector_load %arg7[%swap3A_114, %swap3A_115] {strides = array<i32>} : memref<80x128xi32, #tpu.memory_space<vmem>>, vector<1x16xi32>,
      %swap3A_117 = vector.shape_cast %swap3A_116 : vector<1x16xi32> to vector<16xi32>
      %swap3A_118 = vector.shape_cast %shift_right_logical3A_113 : vector<16xi32> to vector<1x16xi32>
      tpu.vector_store %arg7[%swap3A_114, %swap3A_115], %swap3A_118 {strides = array<i32>} : memref<80x128xi32, #tpu.memory_space<vmem>>, vector<1x16xi32>,
      %get3A_119 = arith.index_cast %scan3A_37 : i32 to index
      %get3A_120 = arith.constant 112 : index
      %get3A_121 = tpu.vector_load %arg6[%get3A_119, %get3A_120] {strides = array<i32>} : memref<80x128xi32, #tpu.memory_space<vmem>>, vector<1x16xi32>,
      %get3A_122 = vector.shape_cast %get3A_121 : vector<1x16xi32> to vector<16xi32>
      %shift_right_logical3A_123 = arith.constant 14 : i32
      %shift_right_logical3A_124 = vector.broadcast %shift_right_logical3A_123 : i32 to vector<16xi32>
      %shift_right_logical3A_125 = arith.shrui %get3A_122, %shift_right_logical3A_124 : vector<16xi32>
      %swap3A_126 = arith.index_cast %scan3A_37 : i32 to index
      %swap3A_127 = arith.constant 112 : index
      %swap3A_128 = tpu.vector_load %arg7[%swap3A_126, %swap3A_127] {strides = array<i32>} : memref<80x128xi32, #tpu.memory_space<vmem>>, vector<1x16xi32>,
      %swap3A_129 = vector.shape_cast %swap3A_128 : vector<1x16xi32> to vector<16xi32>
      %swap3A_130 = vector.shape_cast %shift_right_logical3A_125 : vector<16xi32> to vector<1x16xi32>
      tpu.vector_store %arg7[%swap3A_126, %swap3A_127], %swap3A_130 {strides = array<i32>} : memref<80x128xi32, #tpu.memory_space<vmem>>, vector<1x16xi32>,
    }
    %scan3A_25 = arith.constant 80 : i32
    %barrier3A = arith.constant 0 : index
    tpu.barrier barrier_id(%barrier3A)
    %scan3A_26 = arith.constant 0 : i32
    %scan3A_27 = arith.constant 0 : i32
    %scan3A_28 = arith.constant 80 : i32
    %scan3A_29 = arith.addi %scan3A_27, %scan3A_28 : i32
    %scan3A_30 = arith.constant 1 : i32
    scf.for %scan3A_37 = %scan3A_27 to %scan3A_29 step %scan3A_30  : i32 {
      "tpu.region"() ({
        %run_scoped3A = tpu.sem_alloc : memref<!tpu.dma_semaphore, #tpu.memory_space<semaphore_mem>>
        %dma_start3A = arith.constant 0 : i32
        %dma_start3A_38 = tpu.memref_slice %arg7[%scan3A_37, %dma_start3A] : memref<80x128xi32, #tpu.memory_space<vmem>> -> memref<1x128xi32, #tpu.memory_space<vmem>>
        %dma_start3A_39 = tpu.memref_squeeze %dma_start3A_38 : memref<1x128xi32, #tpu.memory_space<vmem>> -> memref<128xi32, #tpu.memory_space<vmem>>
        %dma_start3A_40 = arith.constant 0 : i32
        %dma_start3A_41 = arith.constant 0 : i32
        %dma_start3A_42 = tpu.memref_slice %arg9[%dma_start3A_40, %dma_start3A_41] : memref<10240x128xf32, #tpu.memory_space<vmem_shared>> -> memref<10240x128xf32, #tpu.memory_space<vmem_shared>>
        tpu.enqueue_indirect_dma source(%arg8 : memref<128x128xf32, #tpu.memory_space<vmem>>) target(%dma_start3A_42 : memref<10240x128xf32, #tpu.memory_space<vmem_shared>>) offsets(%dma_start3A_39 : memref<128xi32, #tpu.memory_space<vmem>>) semaphore(%run_scoped3A : memref<!tpu.dma_semaphore, #tpu.memory_space<semaphore_mem>>) {add = true}
        %dma_wait3A = arith.constant 0 : i32
        %dma_wait3A_43 = tpu.memref_slice %arg7[%scan3A_37, %dma_wait3A] : memref<80x128xi32, #tpu.memory_space<vmem>> -> memref<1x128xi32, #tpu.memory_space<vmem>>
        %dma_wait3A_44 = tpu.memref_squeeze %dma_wait3A_43 : memref<1x128xi32, #tpu.memory_space<vmem>> -> memref<128xi32, #tpu.memory_space<vmem>>
        %dma_wait3A_45 = arith.constant 0 : i32
        %dma_wait3A_46 = arith.constant 0 : i32
        %dma_wait3A_47 = tpu.memref_slice %arg9[%dma_wait3A_45, %dma_wait3A_46] : memref<10240x128xf32, #tpu.memory_space<vmem_shared>> -> memref<10240x128xf32, #tpu.memory_space<vmem_shared>>
        tpu.wait_indirect_dma semaphore(%run_scoped3A : memref<!tpu.dma_semaphore, #tpu.memory_space<semaphore_mem>>) src(%arg8 : memref<128x128xf32, #tpu.memory_space<vmem>>) dst(%dma_wait3A_47 : memref<10240x128xf32, #tpu.memory_space<vmem_shared>>)
        tpu.yield
      }) : () -> ()
    }
    %scan3A_31 = arith.constant 80 : i32
    %barrier3A_32 = arith.constant 0 : index
    tpu.barrier barrier_id(%barrier3A_32)
    %mul3A_33 = arith.constant 640 : i32
    %mul3A_34 = arith.muli %arg1, %mul3A_33 : i32
    %mul3A_35 = arith.constant 640 : i32
    %mul3A_36 = arith.muli %arg1, %mul3A_35 : i32
    "tpu.region"() ({
      %run_scoped3A = tpu.sem_alloc : memref<!tpu.dma_semaphore, #tpu.memory_space<semaphore_mem>>
      %dma_start3A = arith.constant 0 : i32
      %dma_start3A_37 = tpu.memref_slice %arg5[%arg0, %mul3A_36, %dma_start3A] : memref<2x10240x128xf32, #tpu.memory_space<hbm>> -> memref<1x640x128xf32, #tpu.memory_space<hbm>>
      %dma_start3A_38 = tpu.memref_squeeze %dma_start3A_37 : memref<1x640x128xf32, #tpu.memory_space<hbm>> -> memref<640x128xf32, #tpu.memory_space<hbm>>
      %dma_start3A_39 = arith.constant 0 : i32
      %dma_start3A_40 = tpu.memref_slice %arg9[%mul3A_34, %dma_start3A_39] : memref<10240x128xf32, #tpu.memory_space<vmem_shared>> -> memref<640x128xf32, #tpu.memory_space<vmem_shared>>
      tpu.enqueue_dma source(%dma_start3A_40 : memref<640x128xf32, #tpu.memory_space<vmem_shared>>) target(%dma_start3A_38 : memref<640x128xf32, #tpu.memory_space<hbm>>) target_semaphore(%run_scoped3A : memref<!tpu.dma_semaphore, #tpu.memory_space<semaphore_mem>>)
      %dma_wait3A = arith.constant 0 : i32
      %dma_wait3A_41 = tpu.memref_slice %arg5[%arg0, %mul3A_36, %dma_wait3A] : memref<2x10240x128xf32, #tpu.memory_space<hbm>> -> memref<1x640x128xf32, #tpu.memory_space<hbm>>
      %dma_wait3A_42 = tpu.memref_squeeze %dma_wait3A_41 : memref<1x640x128xf32, #tpu.memory_space<hbm>> -> memref<640x128xf32, #tpu.memory_space<hbm>>
      %dma_wait3A_43 = arith.constant 0 : i32
      %dma_wait3A_44 = tpu.memref_slice %arg9[%mul3A_34, %dma_wait3A_43] : memref<10240x128xf32, #tpu.memory_space<vmem_shared>> -> memref<640x128xf32, #tpu.memory_space<vmem_shared>>
      tpu.wait_dma2 semaphore(%run_scoped3A : memref<!tpu.dma_semaphore, #tpu.memory_space<semaphore_mem>>) src(%dma_wait3A_44 : memref<640x128xf32, #tpu.memory_space<vmem_shared>>) dst(%dma_wait3A_42 : memref<640x128xf32, #tpu.memory_space<hbm>>)
      tpu.yield
    }) : () -> ()
    return
  }
}

#map = affine_map<(d0, d1) -> (0, 0)>
#map1 = affine_map<(d0, d1) -> (0, 0, 0)>
module attributes {stable_mosaic.version = 14 : i64} {
  func.func @_sc_segsum_body(%arg0: i32, %arg1: i32, %arg2: memref<10000x128xf32, #tpu.memory_space<hbm>>, %arg3: memref<32x80x128xi32, #tpu.memory_space<hbm>>, %arg4: memref<128x128xf32, #tpu.memory_space<hbm>>, %arg5: memref<2x10240x128xf32, #tpu.memory_space<hbm>>, %arg6: memref<80x128xi32, #tpu.memory_space<vmem>>, %arg7: memref<4x128xi32, #tpu.memory_space<vmem>>, %arg8: memref<128x128xf32, #tpu.memory_space<vmem>>, %arg9: memref<128x128xf32, #tpu.memory_space<vmem>>, %arg10: memref<10240x128xf32, #tpu.memory_space<vmem_shared>>, %arg11: memref<!tpu.dma_semaphore, #tpu.memory_space<semaphore_mem>>, %arg12: memref<!tpu.dma_semaphore, #tpu.memory_space<semaphore_mem>>) attributes {dimension_semantics = [#tpu.dimension_semantics<core_parallel>, #tpu.dimension_semantics<subcore_parallel>], iteration_bounds = array<i64: 2, 16>, scalar_prefetch = 0 : i64, scratch_operands = 7 : i64, tpu.core_type = #tpu.core_type<sc_vector_subcore>, window_params = [{transform_indices = #map}, {transform_indices = #map1}, {transform_indices = #map}, {transform_indices = #map1}]} {
    %mul3A = arith.constant 16 : i32
    %mul3A_0 = arith.muli %arg0, %mul3A : i32
    %add3A = arith.addi %mul3A_0, %arg1 : i32
    %mul3A_1 = arith.constant 640 : i32
    %mul3A_2 = arith.muli %arg1, %mul3A_1 : i32
    %add3A_3 = arith.constant 0 : i32
    %add3A_4 = arith.addi %mul3A_2, %add3A_3 : i32
    "tpu.region"() ({
      %run_scoped3A = tpu.sem_alloc : memref<!tpu.dma_semaphore, #tpu.memory_space<semaphore_mem>>
      %dma_start3A_278 = arith.constant 0 : i32
      %dma_start3A_279 = tpu.memref_slice %arg10[%add3A_4, %dma_start3A_278] : memref<10240x128xf32, #tpu.memory_space<vmem_shared>> -> memref<128x128xf32, #tpu.memory_space<vmem_shared>>
      tpu.enqueue_dma source(%arg4 : memref<128x128xf32, #tpu.memory_space<hbm>>) target(%dma_start3A_279 : memref<128x128xf32, #tpu.memory_space<vmem_shared>>) target_semaphore(%run_scoped3A : memref<!tpu.dma_semaphore, #tpu.memory_space<semaphore_mem>>)
      %dma_wait3A_280 = arith.constant 0 : i32
      %dma_wait3A_281 = tpu.memref_slice %arg10[%add3A_4, %dma_wait3A_280] : memref<10240x128xf32, #tpu.memory_space<vmem_shared>> -> memref<128x128xf32, #tpu.memory_space<vmem_shared>>
      tpu.wait_dma2 semaphore(%run_scoped3A : memref<!tpu.dma_semaphore, #tpu.memory_space<semaphore_mem>>) src(%arg4 : memref<128x128xf32, #tpu.memory_space<hbm>>) dst(%dma_wait3A_281 : memref<128x128xf32, #tpu.memory_space<vmem_shared>>)
      tpu.yield
    }) : () -> ()
    %mul3A_5 = arith.constant 640 : i32
    %mul3A_6 = arith.muli %arg1, %mul3A_5 : i32
    %add3A_7 = arith.constant 128 : i32
    %add3A_8 = arith.addi %mul3A_6, %add3A_7 : i32
    "tpu.region"() ({
      %run_scoped3A = tpu.sem_alloc : memref<!tpu.dma_semaphore, #tpu.memory_space<semaphore_mem>>
      %dma_start3A_278 = arith.constant 0 : i32
      %dma_start3A_279 = tpu.memref_slice %arg10[%add3A_8, %dma_start3A_278] : memref<10240x128xf32, #tpu.memory_space<vmem_shared>> -> memref<128x128xf32, #tpu.memory_space<vmem_shared>>
      tpu.enqueue_dma source(%arg4 : memref<128x128xf32, #tpu.memory_space<hbm>>) target(%dma_start3A_279 : memref<128x128xf32, #tpu.memory_space<vmem_shared>>) target_semaphore(%run_scoped3A : memref<!tpu.dma_semaphore, #tpu.memory_space<semaphore_mem>>)
      %dma_wait3A_280 = arith.constant 0 : i32
      %dma_wait3A_281 = tpu.memref_slice %arg10[%add3A_8, %dma_wait3A_280] : memref<10240x128xf32, #tpu.memory_space<vmem_shared>> -> memref<128x128xf32, #tpu.memory_space<vmem_shared>>
      tpu.wait_dma2 semaphore(%run_scoped3A : memref<!tpu.dma_semaphore, #tpu.memory_space<semaphore_mem>>) src(%arg4 : memref<128x128xf32, #tpu.memory_space<hbm>>) dst(%dma_wait3A_281 : memref<128x128xf32, #tpu.memory_space<vmem_shared>>)
      tpu.yield
    }) : () -> ()
    %mul3A_9 = arith.constant 640 : i32
    %mul3A_10 = arith.muli %arg1, %mul3A_9 : i32
    %add3A_11 = arith.constant 256 : i32
    %add3A_12 = arith.addi %mul3A_10, %add3A_11 : i32
    "tpu.region"() ({
      %run_scoped3A = tpu.sem_alloc : memref<!tpu.dma_semaphore, #tpu.memory_space<semaphore_mem>>
      %dma_start3A_278 = arith.constant 0 : i32
      %dma_start3A_279 = tpu.memref_slice %arg10[%add3A_12, %dma_start3A_278] : memref<10240x128xf32, #tpu.memory_space<vmem_shared>> -> memref<128x128xf32, #tpu.memory_space<vmem_shared>>
      tpu.enqueue_dma source(%arg4 : memref<128x128xf32, #tpu.memory_space<hbm>>) target(%dma_start3A_279 : memref<128x128xf32, #tpu.memory_space<vmem_shared>>) target_semaphore(%run_scoped3A : memref<!tpu.dma_semaphore, #tpu.memory_space<semaphore_mem>>)
      %dma_wait3A_280 = arith.constant 0 : i32
      %dma_wait3A_281 = tpu.memref_slice %arg10[%add3A_12, %dma_wait3A_280] : memref<10240x128xf32, #tpu.memory_space<vmem_shared>> -> memref<128x128xf32, #tpu.memory_space<vmem_shared>>
      tpu.wait_dma2 semaphore(%run_scoped3A : memref<!tpu.dma_semaphore, #tpu.memory_space<semaphore_mem>>) src(%arg4 : memref<128x128xf32, #tpu.memory_space<hbm>>) dst(%dma_wait3A_281 : memref<128x128xf32, #tpu.memory_space<vmem_shared>>)
      tpu.yield
    }) : () -> ()
    %mul3A_13 = arith.constant 640 : i32
    %mul3A_14 = arith.muli %arg1, %mul3A_13 : i32
    %add3A_15 = arith.constant 384 : i32
    %add3A_16 = arith.addi %mul3A_14, %add3A_15 : i32
    "tpu.region"() ({
      %run_scoped3A = tpu.sem_alloc : memref<!tpu.dma_semaphore, #tpu.memory_space<semaphore_mem>>
      %dma_start3A_278 = arith.constant 0 : i32
      %dma_start3A_279 = tpu.memref_slice %arg10[%add3A_16, %dma_start3A_278] : memref<10240x128xf32, #tpu.memory_space<vmem_shared>> -> memref<128x128xf32, #tpu.memory_space<vmem_shared>>
      tpu.enqueue_dma source(%arg4 : memref<128x128xf32, #tpu.memory_space<hbm>>) target(%dma_start3A_279 : memref<128x128xf32, #tpu.memory_space<vmem_shared>>) target_semaphore(%run_scoped3A : memref<!tpu.dma_semaphore, #tpu.memory_space<semaphore_mem>>)
      %dma_wait3A_280 = arith.constant 0 : i32
      %dma_wait3A_281 = tpu.memref_slice %arg10[%add3A_16, %dma_wait3A_280] : memref<10240x128xf32, #tpu.memory_space<vmem_shared>> -> memref<128x128xf32, #tpu.memory_space<vmem_shared>>
      tpu.wait_dma2 semaphore(%run_scoped3A : memref<!tpu.dma_semaphore, #tpu.memory_space<semaphore_mem>>) src(%arg4 : memref<128x128xf32, #tpu.memory_space<hbm>>) dst(%dma_wait3A_281 : memref<128x128xf32, #tpu.memory_space<vmem_shared>>)
      tpu.yield
    }) : () -> ()
    %mul3A_17 = arith.constant 640 : i32
    %mul3A_18 = arith.muli %arg1, %mul3A_17 : i32
    %add3A_19 = arith.constant 512 : i32
    %add3A_20 = arith.addi %mul3A_18, %add3A_19 : i32
    "tpu.region"() ({
      %run_scoped3A = tpu.sem_alloc : memref<!tpu.dma_semaphore, #tpu.memory_space<semaphore_mem>>
      %dma_start3A_278 = arith.constant 0 : i32
      %dma_start3A_279 = tpu.memref_slice %arg10[%add3A_20, %dma_start3A_278] : memref<10240x128xf32, #tpu.memory_space<vmem_shared>> -> memref<128x128xf32, #tpu.memory_space<vmem_shared>>
      tpu.enqueue_dma source(%arg4 : memref<128x128xf32, #tpu.memory_space<hbm>>) target(%dma_start3A_279 : memref<128x128xf32, #tpu.memory_space<vmem_shared>>) target_semaphore(%run_scoped3A : memref<!tpu.dma_semaphore, #tpu.memory_space<semaphore_mem>>)
      %dma_wait3A_280 = arith.constant 0 : i32
      %dma_wait3A_281 = tpu.memref_slice %arg10[%add3A_20, %dma_wait3A_280] : memref<10240x128xf32, #tpu.memory_space<vmem_shared>> -> memref<128x128xf32, #tpu.memory_space<vmem_shared>>
      tpu.wait_dma2 semaphore(%run_scoped3A : memref<!tpu.dma_semaphore, #tpu.memory_space<semaphore_mem>>) src(%arg4 : memref<128x128xf32, #tpu.memory_space<hbm>>) dst(%dma_wait3A_281 : memref<128x128xf32, #tpu.memory_space<vmem_shared>>)
      tpu.yield
    }) : () -> ()
    "tpu.region"() ({
      %run_scoped3A = tpu.sem_alloc : memref<!tpu.dma_semaphore, #tpu.memory_space<semaphore_mem>>
      %dma_start3A_278 = arith.constant 0 : i32
      %dma_start3A_279 = arith.constant 0 : i32
      %dma_start3A_280 = tpu.memref_slice %arg3[%add3A, %dma_start3A_278, %dma_start3A_279] : memref<32x80x128xi32, #tpu.memory_space<hbm>> -> memref<1x80x128xi32, #tpu.memory_space<hbm>>
      %dma_start3A_281 = tpu.memref_squeeze %dma_start3A_280 : memref<1x80x128xi32, #tpu.memory_space<hbm>> -> memref<80x128xi32, #tpu.memory_space<hbm>>
      %dma_start3A_282 = arith.constant 0 : i32
      %dma_start3A_283 = arith.constant 0 : i32
      %dma_start3A_284 = tpu.memref_slice %arg3[%add3A, %dma_start3A_282, %dma_start3A_283] : memref<32x80x128xi32, #tpu.memory_space<hbm>> -> memref<1x80x128xi32, #tpu.memory_space<hbm>>
      %dma_start3A_285 = tpu.memref_squeeze %dma_start3A_284 : memref<1x80x128xi32, #tpu.memory_space<hbm>> -> memref<80x128xi32, #tpu.memory_space<hbm>>
      tpu.enqueue_dma source(%dma_start3A_285 : memref<80x128xi32, #tpu.memory_space<hbm>>) target(%arg6 : memref<80x128xi32, #tpu.memory_space<vmem>>) target_semaphore(%run_scoped3A : memref<!tpu.dma_semaphore, #tpu.memory_space<semaphore_mem>>)
      %dma_wait3A_286 = arith.constant 0 : i32
      %dma_wait3A_287 = arith.constant 0 : i32
      %dma_wait3A_288 = tpu.memref_slice %arg3[%add3A, %dma_wait3A_286, %dma_wait3A_287] : memref<32x80x128xi32, #tpu.memory_space<hbm>> -> memref<1x80x128xi32, #tpu.memory_space<hbm>>
      %dma_wait3A_289 = tpu.memref_squeeze %dma_wait3A_288 : memref<1x80x128xi32, #tpu.memory_space<hbm>> -> memref<80x128xi32, #tpu.memory_space<hbm>>
      %dma_wait3A_290 = arith.constant 0 : i32
      %dma_wait3A_291 = arith.constant 0 : i32
      %dma_wait3A_292 = tpu.memref_slice %arg3[%add3A, %dma_wait3A_290, %dma_wait3A_291] : memref<32x80x128xi32, #tpu.memory_space<hbm>> -> memref<1x80x128xi32, #tpu.memory_space<hbm>>
      %dma_wait3A_293 = tpu.memref_squeeze %dma_wait3A_292 : memref<1x80x128xi32, #tpu.memory_space<hbm>> -> memref<80x128xi32, #tpu.memory_space<hbm>>
      tpu.wait_dma2 semaphore(%run_scoped3A : memref<!tpu.dma_semaphore, #tpu.memory_space<semaphore_mem>>) src(%dma_wait3A_293 : memref<80x128xi32, #tpu.memory_space<hbm>>) dst(%arg6 : memref<80x128xi32, #tpu.memory_space<vmem>>)
      tpu.yield
    }) : () -> ()
    %barrier3A = arith.constant 0 : index
    tpu.barrier barrier_id(%barrier3A)
    %get3A = arith.constant 0 : i32
    %get3A_21 = arith.index_cast %get3A : i32 to index
    %get3A_22 = arith.constant 0 : index
    %get3A_23 = tpu.vector_load %arg6[%get3A_21, %get3A_22] {strides = array<i32>} : memref<80x128xi32, #tpu.memory_space<vmem>>, vector<1x16xi32>,
    %get3A_24 = vector.shape_cast %get3A_23 : vector<1x16xi32> to vector<16xi32>
    %and3A = arith.constant 16383 : i32
    %and3A_25 = vector.broadcast %and3A : i32 to vector<16xi32>
    %and3A_26 = arith.andi %get3A_24, %and3A_25 : vector<16xi32>
    %swap3A = arith.constant 0 : i32
    %swap3A_27 = arith.index_cast %swap3A : i32 to index
    %swap3A_28 = arith.constant 0 : index
    %swap3A_29 = tpu.vector_load %arg7[%swap3A_27, %swap3A_28] {strides = array<i32>} : memref<4x128xi32, #tpu.memory_space<vmem>>, vector<1x16xi32>,
    %swap3A_30 = vector.shape_cast %swap3A_29 : vector<1x16xi32> to vector<16xi32>
    %swap3A_31 = vector.shape_cast %and3A_26 : vector<16xi32> to vector<1x16xi32>
    tpu.vector_store %arg7[%swap3A_27, %swap3A_28], %swap3A_31 {strides = array<i32>} : memref<4x128xi32, #tpu.memory_space<vmem>>, vector<1x16xi32>,
    %get3A_32 = arith.constant 0 : i32
    %get3A_33 = arith.index_cast %get3A_32 : i32 to index
    %get3A_34 = arith.constant 16 : index
    %get3A_35 = tpu.vector_load %arg6[%get3A_33, %get3A_34] {strides = array<i32>} : memref<80x128xi32, #tpu.memory_space<vmem>>, vector<1x16xi32>,
    %get3A_36 = vector.shape_cast %get3A_35 : vector<1x16xi32> to vector<16xi32>
    %and3A_37 = arith.constant 16383 : i32
    %and3A_38 = vector.broadcast %and3A_37 : i32 to vector<16xi32>
    %and3A_39 = arith.andi %get3A_36, %and3A_38 : vector<16xi32>
    %swap3A_40 = arith.constant 0 : i32
    %swap3A_41 = arith.index_cast %swap3A_40 : i32 to index
    %swap3A_42 = arith.constant 16 : index
    %swap3A_43 = tpu.vector_load %arg7[%swap3A_41, %swap3A_42] {strides = array<i32>} : memref<4x128xi32, #tpu.memory_space<vmem>>, vector<1x16xi32>,
    %swap3A_44 = vector.shape_cast %swap3A_43 : vector<1x16xi32> to vector<16xi32>
    %swap3A_45 = vector.shape_cast %and3A_39 : vector<16xi32> to vector<1x16xi32>
    tpu.vector_store %arg7[%swap3A_41, %swap3A_42], %swap3A_45 {strides = array<i32>} : memref<4x128xi32, #tpu.memory_space<vmem>>, vector<1x16xi32>,
    %get3A_46 = arith.constant 0 : i32
    %get3A_47 = arith.index_cast %get3A_46 : i32 to index
    %get3A_48 = arith.constant 32 : index
    %get3A_49 = tpu.vector_load %arg6[%get3A_47, %get3A_48] {strides = array<i32>} : memref<80x128xi32, #tpu.memory_space<vmem>>, vector<1x16xi32>,
    %get3A_50 = vector.shape_cast %get3A_49 : vector<1x16xi32> to vector<16xi32>
    %and3A_51 = arith.constant 16383 : i32
    %and3A_52 = vector.broadcast %and3A_51 : i32 to vector<16xi32>
    %and3A_53 = arith.andi %get3A_50, %and3A_52 : vector<16xi32>
    %swap3A_54 = arith.constant 0 : i32
    %swap3A_55 = arith.index_cast %swap3A_54 : i32 to index
    %swap3A_56 = arith.constant 32 : index
    %swap3A_57 = tpu.vector_load %arg7[%swap3A_55, %swap3A_56] {strides = array<i32>} : memref<4x128xi32, #tpu.memory_space<vmem>>, vector<1x16xi32>,
    %swap3A_58 = vector.shape_cast %swap3A_57 : vector<1x16xi32> to vector<16xi32>
    %swap3A_59 = vector.shape_cast %and3A_53 : vector<16xi32> to vector<1x16xi32>
    tpu.vector_store %arg7[%swap3A_55, %swap3A_56], %swap3A_59 {strides = array<i32>} : memref<4x128xi32, #tpu.memory_space<vmem>>, vector<1x16xi32>,
    %get3A_60 = arith.constant 0 : i32
    %get3A_61 = arith.index_cast %get3A_60 : i32 to index
    %get3A_62 = arith.constant 48 : index
    %get3A_63 = tpu.vector_load %arg6[%get3A_61, %get3A_62] {strides = array<i32>} : memref<80x128xi32, #tpu.memory_space<vmem>>, vector<1x16xi32>,
    %get3A_64 = vector.shape_cast %get3A_63 : vector<1x16xi32> to vector<16xi32>
    %and3A_65 = arith.constant 16383 : i32
    %and3A_66 = vector.broadcast %and3A_65 : i32 to vector<16xi32>
    %and3A_67 = arith.andi %get3A_64, %and3A_66 : vector<16xi32>
    %swap3A_68 = arith.constant 0 : i32
    %swap3A_69 = arith.index_cast %swap3A_68 : i32 to index
    %swap3A_70 = arith.constant 48 : index
    %swap3A_71 = tpu.vector_load %arg7[%swap3A_69, %swap3A_70] {strides = array<i32>} : memref<4x128xi32, #tpu.memory_space<vmem>>, vector<1x16xi32>,
    %swap3A_72 = vector.shape_cast %swap3A_71 : vector<1x16xi32> to vector<16xi32>
    %swap3A_73 = vector.shape_cast %and3A_67 : vector<16xi32> to vector<1x16xi32>
    tpu.vector_store %arg7[%swap3A_69, %swap3A_70], %swap3A_73 {strides = array<i32>} : memref<4x128xi32, #tpu.memory_space<vmem>>, vector<1x16xi32>,
    %get3A_74 = arith.constant 0 : i32
    %get3A_75 = arith.index_cast %get3A_74 : i32 to index
    %get3A_76 = arith.constant 64 : index
    %get3A_77 = tpu.vector_load %arg6[%get3A_75, %get3A_76] {strides = array<i32>} : memref<80x128xi32, #tpu.memory_space<vmem>>, vector<1x16xi32>,
    %get3A_78 = vector.shape_cast %get3A_77 : vector<1x16xi32> to vector<16xi32>
    %and3A_79 = arith.constant 16383 : i32
    %and3A_80 = vector.broadcast %and3A_79 : i32 to vector<16xi32>
    %and3A_81 = arith.andi %get3A_78, %and3A_80 : vector<16xi32>
    %swap3A_82 = arith.constant 0 : i32
    %swap3A_83 = arith.index_cast %swap3A_82 : i32 to index
    %swap3A_84 = arith.constant 64 : index
    %swap3A_85 = tpu.vector_load %arg7[%swap3A_83, %swap3A_84] {strides = array<i32>} : memref<4x128xi32, #tpu.memory_space<vmem>>, vector<1x16xi32>,
    %swap3A_86 = vector.shape_cast %swap3A_85 : vector<1x16xi32> to vector<16xi32>
    %swap3A_87 = vector.shape_cast %and3A_81 : vector<16xi32> to vector<1x16xi32>
    tpu.vector_store %arg7[%swap3A_83, %swap3A_84], %swap3A_87 {strides = array<i32>} : memref<4x128xi32, #tpu.memory_space<vmem>>, vector<1x16xi32>,
    %get3A_88 = arith.constant 0 : i32
    %get3A_89 = arith.index_cast %get3A_88 : i32 to index
    %get3A_90 = arith.constant 80 : index
    %get3A_91 = tpu.vector_load %arg6[%get3A_89, %get3A_90] {strides = array<i32>} : memref<80x128xi32, #tpu.memory_space<vmem>>, vector<1x16xi32>,
    %get3A_92 = vector.shape_cast %get3A_91 : vector<1x16xi32> to vector<16xi32>
    %and3A_93 = arith.constant 16383 : i32
    %and3A_94 = vector.broadcast %and3A_93 : i32 to vector<16xi32>
    %and3A_95 = arith.andi %get3A_92, %and3A_94 : vector<16xi32>
    %swap3A_96 = arith.constant 0 : i32
    %swap3A_97 = arith.index_cast %swap3A_96 : i32 to index
    %swap3A_98 = arith.constant 80 : index
    %swap3A_99 = tpu.vector_load %arg7[%swap3A_97, %swap3A_98] {strides = array<i32>} : memref<4x128xi32, #tpu.memory_space<vmem>>, vector<1x16xi32>,
    %swap3A_100 = vector.shape_cast %swap3A_99 : vector<1x16xi32> to vector<16xi32>
    %swap3A_101 = vector.shape_cast %and3A_95 : vector<16xi32> to vector<1x16xi32>
    tpu.vector_store %arg7[%swap3A_97, %swap3A_98], %swap3A_101 {strides = array<i32>} : memref<4x128xi32, #tpu.memory_space<vmem>>, vector<1x16xi32>,
    %get3A_102 = arith.constant 0 : i32
    %get3A_103 = arith.index_cast %get3A_102 : i32 to index
    %get3A_104 = arith.constant 96 : index
    %get3A_105 = tpu.vector_load %arg6[%get3A_103, %get3A_104] {strides = array<i32>} : memref<80x128xi32, #tpu.memory_space<vmem>>, vector<1x16xi32>,
    %get3A_106 = vector.shape_cast %get3A_105 : vector<1x16xi32> to vector<16xi32>
    %and3A_107 = arith.constant 16383 : i32
    %and3A_108 = vector.broadcast %and3A_107 : i32 to vector<16xi32>
    %and3A_109 = arith.andi %get3A_106, %and3A_108 : vector<16xi32>
    %swap3A_110 = arith.constant 0 : i32
    %swap3A_111 = arith.index_cast %swap3A_110 : i32 to index
    %swap3A_112 = arith.constant 96 : index
    %swap3A_113 = tpu.vector_load %arg7[%swap3A_111, %swap3A_112] {strides = array<i32>} : memref<4x128xi32, #tpu.memory_space<vmem>>, vector<1x16xi32>,
    %swap3A_114 = vector.shape_cast %swap3A_113 : vector<1x16xi32> to vector<16xi32>
    %swap3A_115 = vector.shape_cast %and3A_109 : vector<16xi32> to vector<1x16xi32>
    tpu.vector_store %arg7[%swap3A_111, %swap3A_112], %swap3A_115 {strides = array<i32>} : memref<4x128xi32, #tpu.memory_space<vmem>>, vector<1x16xi32>,
    %get3A_116 = arith.constant 0 : i32
    %get3A_117 = arith.index_cast %get3A_116 : i32 to index
    %get3A_118 = arith.constant 112 : index
    %get3A_119 = tpu.vector_load %arg6[%get3A_117, %get3A_118] {strides = array<i32>} : memref<80x128xi32, #tpu.memory_space<vmem>>, vector<1x16xi32>,
    %get3A_120 = vector.shape_cast %get3A_119 : vector<1x16xi32> to vector<16xi32>
    %and3A_121 = arith.constant 16383 : i32
    %and3A_122 = vector.broadcast %and3A_121 : i32 to vector<16xi32>
    %and3A_123 = arith.andi %get3A_120, %and3A_122 : vector<16xi32>
    %swap3A_124 = arith.constant 0 : i32
    %swap3A_125 = arith.index_cast %swap3A_124 : i32 to index
    %swap3A_126 = arith.constant 112 : index
    %swap3A_127 = tpu.vector_load %arg7[%swap3A_125, %swap3A_126] {strides = array<i32>} : memref<4x128xi32, #tpu.memory_space<vmem>>, vector<1x16xi32>,
    %swap3A_128 = vector.shape_cast %swap3A_127 : vector<1x16xi32> to vector<16xi32>
    %swap3A_129 = vector.shape_cast %and3A_123 : vector<16xi32> to vector<1x16xi32>
    tpu.vector_store %arg7[%swap3A_125, %swap3A_126], %swap3A_129 {strides = array<i32>} : memref<4x128xi32, #tpu.memory_space<vmem>>, vector<1x16xi32>,
    %dma_start3A = arith.constant 0 : i32
    %dma_start3A_130 = arith.constant 0 : i32
    %dma_start3A_131 = tpu.memref_slice %arg7[%dma_start3A, %dma_start3A_130] : memref<4x128xi32, #tpu.memory_space<vmem>> -> memref<1x128xi32, #tpu.memory_space<vmem>>
    %dma_start3A_132 = tpu.memref_squeeze %dma_start3A_131 : memref<1x128xi32, #tpu.memory_space<vmem>> -> memref<128xi32, #tpu.memory_space<vmem>>
    %dma_start3A_133 = arith.constant 0 : i32
    %dma_start3A_134 = arith.constant 0 : i32
    %dma_start3A_135 = tpu.memref_slice %arg2[%dma_start3A_133, %dma_start3A_134] : memref<10000x128xf32, #tpu.memory_space<hbm>> -> memref<10000x128xf32, #tpu.memory_space<hbm>>
    tpu.enqueue_indirect_dma source(%dma_start3A_135 : memref<10000x128xf32, #tpu.memory_space<hbm>>) target(%arg8 : memref<128x128xf32, #tpu.memory_space<vmem>>) offsets(%dma_start3A_132 : memref<128xi32, #tpu.memory_space<vmem>>) semaphore(%arg11 : memref<!tpu.dma_semaphore, #tpu.memory_space<semaphore_mem>>)
    %get3A_136 = arith.constant 1 : i32
    %get3A_137 = arith.index_cast %get3A_136 : i32 to index
    %get3A_138 = arith.constant 0 : index
    %get3A_139 = tpu.vector_load %arg6[%get3A_137, %get3A_138] {strides = array<i32>} : memref<80x128xi32, #tpu.memory_space<vmem>>, vector<1x16xi32>,
    %get3A_140 = vector.shape_cast %get3A_139 : vector<1x16xi32> to vector<16xi32>
    %and3A_141 = arith.constant 16383 : i32
    %and3A_142 = vector.broadcast %and3A_141 : i32 to vector<16xi32>
    %and3A_143 = arith.andi %get3A_140, %and3A_142 : vector<16xi32>
    %swap3A_144 = arith.constant 1 : i32
    %swap3A_145 = arith.index_cast %swap3A_144 : i32 to index
    %swap3A_146 = arith.constant 0 : index
    %swap3A_147 = tpu.vector_load %arg7[%swap3A_145, %swap3A_146] {strides = array<i32>} : memref<4x128xi32, #tpu.memory_space<vmem>>, vector<1x16xi32>,
    %swap3A_148 = vector.shape_cast %swap3A_147 : vector<1x16xi32> to vector<16xi32>
    %swap3A_149 = vector.shape_cast %and3A_143 : vector<16xi32> to vector<1x16xi32>
    tpu.vector_store %arg7[%swap3A_145, %swap3A_146], %swap3A_149 {strides = array<i32>} : memref<4x128xi32, #tpu.memory_space<vmem>>, vector<1x16xi32>,
    %get3A_150 = arith.constant 1 : i32
    %get3A_151 = arith.index_cast %get3A_150 : i32 to index
    %get3A_152 = arith.constant 16 : index
    %get3A_153 = tpu.vector_load %arg6[%get3A_151, %get3A_152] {strides = array<i32>} : memref<80x128xi32, #tpu.memory_space<vmem>>, vector<1x16xi32>,
    %get3A_154 = vector.shape_cast %get3A_153 : vector<1x16xi32> to vector<16xi32>
    %and3A_155 = arith.constant 16383 : i32
    %and3A_156 = vector.broadcast %and3A_155 : i32 to vector<16xi32>
    %and3A_157 = arith.andi %get3A_154, %and3A_156 : vector<16xi32>
    %swap3A_158 = arith.constant 1 : i32
    %swap3A_159 = arith.index_cast %swap3A_158 : i32 to index
    %swap3A_160 = arith.constant 16 : index
    %swap3A_161 = tpu.vector_load %arg7[%swap3A_159, %swap3A_160] {strides = array<i32>} : memref<4x128xi32, #tpu.memory_space<vmem>>, vector<1x16xi32>,
    %swap3A_162 = vector.shape_cast %swap3A_161 : vector<1x16xi32> to vector<16xi32>
    %swap3A_163 = vector.shape_cast %and3A_157 : vector<16xi32> to vector<1x16xi32>
    tpu.vector_store %arg7[%swap3A_159, %swap3A_160], %swap3A_163 {strides = array<i32>} : memref<4x128xi32, #tpu.memory_space<vmem>>, vector<1x16xi32>,
    %get3A_164 = arith.constant 1 : i32
    %get3A_165 = arith.index_cast %get3A_164 : i32 to index
    %get3A_166 = arith.constant 32 : index
    %get3A_167 = tpu.vector_load %arg6[%get3A_165, %get3A_166] {strides = array<i32>} : memref<80x128xi32, #tpu.memory_space<vmem>>, vector<1x16xi32>,
    %get3A_168 = vector.shape_cast %get3A_167 : vector<1x16xi32> to vector<16xi32>
    %and3A_169 = arith.constant 16383 : i32
    %and3A_170 = vector.broadcast %and3A_169 : i32 to vector<16xi32>
    %and3A_171 = arith.andi %get3A_168, %and3A_170 : vector<16xi32>
    %swap3A_172 = arith.constant 1 : i32
    %swap3A_173 = arith.index_cast %swap3A_172 : i32 to index
    %swap3A_174 = arith.constant 32 : index
    %swap3A_175 = tpu.vector_load %arg7[%swap3A_173, %swap3A_174] {strides = array<i32>} : memref<4x128xi32, #tpu.memory_space<vmem>>, vector<1x16xi32>,
    %swap3A_176 = vector.shape_cast %swap3A_175 : vector<1x16xi32> to vector<16xi32>
    %swap3A_177 = vector.shape_cast %and3A_171 : vector<16xi32> to vector<1x16xi32>
    tpu.vector_store %arg7[%swap3A_173, %swap3A_174], %swap3A_177 {strides = array<i32>} : memref<4x128xi32, #tpu.memory_space<vmem>>, vector<1x16xi32>,
    %get3A_178 = arith.constant 1 : i32
    %get3A_179 = arith.index_cast %get3A_178 : i32 to index
    %get3A_180 = arith.constant 48 : index
    %get3A_181 = tpu.vector_load %arg6[%get3A_179, %get3A_180] {strides = array<i32>} : memref<80x128xi32, #tpu.memory_space<vmem>>, vector<1x16xi32>,
    %get3A_182 = vector.shape_cast %get3A_181 : vector<1x16xi32> to vector<16xi32>
    %and3A_183 = arith.constant 16383 : i32
    %and3A_184 = vector.broadcast %and3A_183 : i32 to vector<16xi32>
    %and3A_185 = arith.andi %get3A_182, %and3A_184 : vector<16xi32>
    %swap3A_186 = arith.constant 1 : i32
    %swap3A_187 = arith.index_cast %swap3A_186 : i32 to index
    %swap3A_188 = arith.constant 48 : index
    %swap3A_189 = tpu.vector_load %arg7[%swap3A_187, %swap3A_188] {strides = array<i32>} : memref<4x128xi32, #tpu.memory_space<vmem>>, vector<1x16xi32>,
    %swap3A_190 = vector.shape_cast %swap3A_189 : vector<1x16xi32> to vector<16xi32>
    %swap3A_191 = vector.shape_cast %and3A_185 : vector<16xi32> to vector<1x16xi32>
    tpu.vector_store %arg7[%swap3A_187, %swap3A_188], %swap3A_191 {strides = array<i32>} : memref<4x128xi32, #tpu.memory_space<vmem>>, vector<1x16xi32>,
    %get3A_192 = arith.constant 1 : i32
    %get3A_193 = arith.index_cast %get3A_192 : i32 to index
    %get3A_194 = arith.constant 64 : index
    %get3A_195 = tpu.vector_load %arg6[%get3A_193, %get3A_194] {strides = array<i32>} : memref<80x128xi32, #tpu.memory_space<vmem>>, vector<1x16xi32>,
    %get3A_196 = vector.shape_cast %get3A_195 : vector<1x16xi32> to vector<16xi32>
    %and3A_197 = arith.constant 16383 : i32
    %and3A_198 = vector.broadcast %and3A_197 : i32 to vector<16xi32>
    %and3A_199 = arith.andi %get3A_196, %and3A_198 : vector<16xi32>
    %swap3A_200 = arith.constant 1 : i32
    %swap3A_201 = arith.index_cast %swap3A_200 : i32 to index
    %swap3A_202 = arith.constant 64 : index
    %swap3A_203 = tpu.vector_load %arg7[%swap3A_201, %swap3A_202] {strides = array<i32>} : memref<4x128xi32, #tpu.memory_space<vmem>>, vector<1x16xi32>,
    %swap3A_204 = vector.shape_cast %swap3A_203 : vector<1x16xi32> to vector<16xi32>
    %swap3A_205 = vector.shape_cast %and3A_199 : vector<16xi32> to vector<1x16xi32>
    tpu.vector_store %arg7[%swap3A_201, %swap3A_202], %swap3A_205 {strides = array<i32>} : memref<4x128xi32, #tpu.memory_space<vmem>>, vector<1x16xi32>,
    %get3A_206 = arith.constant 1 : i32
    %get3A_207 = arith.index_cast %get3A_206 : i32 to index
    %get3A_208 = arith.constant 80 : index
    %get3A_209 = tpu.vector_load %arg6[%get3A_207, %get3A_208] {strides = array<i32>} : memref<80x128xi32, #tpu.memory_space<vmem>>, vector<1x16xi32>,
    %get3A_210 = vector.shape_cast %get3A_209 : vector<1x16xi32> to vector<16xi32>
    %and3A_211 = arith.constant 16383 : i32
    %and3A_212 = vector.broadcast %and3A_211 : i32 to vector<16xi32>
    %and3A_213 = arith.andi %get3A_210, %and3A_212 : vector<16xi32>
    %swap3A_214 = arith.constant 1 : i32
    %swap3A_215 = arith.index_cast %swap3A_214 : i32 to index
    %swap3A_216 = arith.constant 80 : index
    %swap3A_217 = tpu.vector_load %arg7[%swap3A_215, %swap3A_216] {strides = array<i32>} : memref<4x128xi32, #tpu.memory_space<vmem>>, vector<1x16xi32>,
    %swap3A_218 = vector.shape_cast %swap3A_217 : vector<1x16xi32> to vector<16xi32>
    %swap3A_219 = vector.shape_cast %and3A_213 : vector<16xi32> to vector<1x16xi32>
    tpu.vector_store %arg7[%swap3A_215, %swap3A_216], %swap3A_219 {strides = array<i32>} : memref<4x128xi32, #tpu.memory_space<vmem>>, vector<1x16xi32>,
    %get3A_220 = arith.constant 1 : i32
    %get3A_221 = arith.index_cast %get3A_220 : i32 to index
    %get3A_222 = arith.constant 96 : index
    %get3A_223 = tpu.vector_load %arg6[%get3A_221, %get3A_222] {strides = array<i32>} : memref<80x128xi32, #tpu.memory_space<vmem>>, vector<1x16xi32>,
    %get3A_224 = vector.shape_cast %get3A_223 : vector<1x16xi32> to vector<16xi32>
    %and3A_225 = arith.constant 16383 : i32
    %and3A_226 = vector.broadcast %and3A_225 : i32 to vector<16xi32>
    %and3A_227 = arith.andi %get3A_224, %and3A_226 : vector<16xi32>
    %swap3A_228 = arith.constant 1 : i32
    %swap3A_229 = arith.index_cast %swap3A_228 : i32 to index
    %swap3A_230 = arith.constant 96 : index
    %swap3A_231 = tpu.vector_load %arg7[%swap3A_229, %swap3A_230] {strides = array<i32>} : memref<4x128xi32, #tpu.memory_space<vmem>>, vector<1x16xi32>,
    %swap3A_232 = vector.shape_cast %swap3A_231 : vector<1x16xi32> to vector<16xi32>
    %swap3A_233 = vector.shape_cast %and3A_227 : vector<16xi32> to vector<1x16xi32>
    tpu.vector_store %arg7[%swap3A_229, %swap3A_230], %swap3A_233 {strides = array<i32>} : memref<4x128xi32, #tpu.memory_space<vmem>>, vector<1x16xi32>,
    %get3A_234 = arith.constant 1 : i32
    %get3A_235 = arith.index_cast %get3A_234 : i32 to index
    %get3A_236 = arith.constant 112 : index
    %get3A_237 = tpu.vector_load %arg6[%get3A_235, %get3A_236] {strides = array<i32>} : memref<80x128xi32, #tpu.memory_space<vmem>>, vector<1x16xi32>,
    %get3A_238 = vector.shape_cast %get3A_237 : vector<1x16xi32> to vector<16xi32>
    %and3A_239 = arith.constant 16383 : i32
    %and3A_240 = vector.broadcast %and3A_239 : i32 to vector<16xi32>
    %and3A_241 = arith.andi %get3A_238, %and3A_240 : vector<16xi32>
    %swap3A_242 = arith.constant 1 : i32
    %swap3A_243 = arith.index_cast %swap3A_242 : i32 to index
    %swap3A_244 = arith.constant 112 : index
    %swap3A_245 = tpu.vector_load %arg7[%swap3A_243, %swap3A_244] {strides = array<i32>} : memref<4x128xi32, #tpu.memory_space<vmem>>, vector<1x16xi32>,
    %swap3A_246 = vector.shape_cast %swap3A_245 : vector<1x16xi32> to vector<16xi32>
    %swap3A_247 = vector.shape_cast %and3A_241 : vector<16xi32> to vector<1x16xi32>
    tpu.vector_store %arg7[%swap3A_243, %swap3A_244], %swap3A_247 {strides = array<i32>} : memref<4x128xi32, #tpu.memory_space<vmem>>, vector<1x16xi32>,
    %dma_start3A_248 = arith.constant 1 : i32
    %dma_start3A_249 = arith.constant 0 : i32
    %dma_start3A_250 = tpu.memref_slice %arg7[%dma_start3A_248, %dma_start3A_249] : memref<4x128xi32, #tpu.memory_space<vmem>> -> memref<1x128xi32, #tpu.memory_space<vmem>>
    %dma_start3A_251 = tpu.memref_squeeze %dma_start3A_250 : memref<1x128xi32, #tpu.memory_space<vmem>> -> memref<128xi32, #tpu.memory_space<vmem>>
    %dma_start3A_252 = arith.constant 0 : i32
    %dma_start3A_253 = arith.constant 0 : i32
    %dma_start3A_254 = tpu.memref_slice %arg2[%dma_start3A_252, %dma_start3A_253] : memref<10000x128xf32, #tpu.memory_space<hbm>> -> memref<10000x128xf32, #tpu.memory_space<hbm>>
    tpu.enqueue_indirect_dma source(%dma_start3A_254 : memref<10000x128xf32, #tpu.memory_space<hbm>>) target(%arg9 : memref<128x128xf32, #tpu.memory_space<vmem>>) offsets(%dma_start3A_251 : memref<128xi32, #tpu.memory_space<vmem>>) semaphore(%arg12 : memref<!tpu.dma_semaphore, #tpu.memory_space<semaphore_mem>>)
    %scan3A = arith.constant 0 : i32
    %scan3A_255 = arith.constant 0 : i32
    %scan3A_256 = arith.constant 40 : i32
    %scan3A_257 = arith.addi %scan3A_255, %scan3A_256 : i32
    %scan3A_258 = arith.constant 1 : i32
    scf.for %scan3A_278 = %scan3A_255 to %scan3A_257 step %scan3A_258  : i32 {
      %mul3A_279 = arith.constant 2 : i32
      %mul3A_280 = arith.muli %mul3A_279, %scan3A_278 : i32
      %dma_wait3A_281 = arith.constant 0 : i32
      %dma_wait3A_282 = arith.constant 0 : i32
      %dma_wait3A_283 = tpu.memref_slice %arg7[%dma_wait3A_281, %dma_wait3A_282] : memref<4x128xi32, #tpu.memory_space<vmem>> -> memref<1x128xi32, #tpu.memory_space<vmem>>
      %dma_wait3A_284 = tpu.memref_squeeze %dma_wait3A_283 : memref<1x128xi32, #tpu.memory_space<vmem>> -> memref<128xi32, #tpu.memory_space<vmem>>
      %dma_wait3A_285 = arith.constant 0 : i32
      %dma_wait3A_286 = arith.constant 0 : i32
      %dma_wait3A_287 = tpu.memref_slice %arg2[%dma_wait3A_285, %dma_wait3A_286] : memref<10000x128xf32, #tpu.memory_space<hbm>> -> memref<10000x128xf32, #tpu.memory_space<hbm>>
      tpu.wait_indirect_dma semaphore(%arg11 : memref<!tpu.dma_semaphore, #tpu.memory_space<semaphore_mem>>) src(%dma_wait3A_287 : memref<10000x128xf32, #tpu.memory_space<hbm>>) dst(%arg8 : memref<128x128xf32, #tpu.memory_space<vmem>>)
      %get3A_288 = arith.index_cast %mul3A_280 : i32 to index
      %get3A_289 = arith.constant 0 : index
      %get3A_290 = tpu.vector_load %arg6[%get3A_288, %get3A_289] {strides = array<i32>} : memref<80x128xi32, #tpu.memory_space<vmem>>, vector<1x16xi32>,
      %get3A_291 = vector.shape_cast %get3A_290 : vector<1x16xi32> to vector<16xi32>
      %shift_right_logical3A = arith.constant 14 : i32
      %shift_right_logical3A_292 = vector.broadcast %shift_right_logical3A : i32 to vector<16xi32>
      %shift_right_logical3A_293 = arith.shrui %get3A_291, %shift_right_logical3A_292 : vector<16xi32>
      %swap3A_294 = arith.constant 2 : i32
      %swap3A_295 = arith.index_cast %swap3A_294 : i32 to index
      %swap3A_296 = arith.constant 0 : index
      %swap3A_297 = tpu.vector_load %arg7[%swap3A_295, %swap3A_296] {strides = array<i32>} : memref<4x128xi32, #tpu.memory_space<vmem>>, vector<1x16xi32>,
      %swap3A_298 = vector.shape_cast %swap3A_297 : vector<1x16xi32> to vector<16xi32>
      %swap3A_299 = vector.shape_cast %shift_right_logical3A_293 : vector<16xi32> to vector<1x16xi32>
      tpu.vector_store %arg7[%swap3A_295, %swap3A_296], %swap3A_299 {strides = array<i32>} : memref<4x128xi32, #tpu.memory_space<vmem>>, vector<1x16xi32>,
      %get3A_300 = arith.index_cast %mul3A_280 : i32 to index
      %get3A_301 = arith.constant 16 : index
      %get3A_302 = tpu.vector_load %arg6[%get3A_300, %get3A_301] {strides = array<i32>} : memref<80x128xi32, #tpu.memory_space<vmem>>, vector<1x16xi32>,
      %get3A_303 = vector.shape_cast %get3A_302 : vector<1x16xi32> to vector<16xi32>
      %shift_right_logical3A_304 = arith.constant 14 : i32
      %shift_right_logical3A_305 = vector.broadcast %shift_right_logical3A_304 : i32 to vector<16xi32>
      %shift_right_logical3A_306 = arith.shrui %get3A_303, %shift_right_logical3A_305 : vector<16xi32>
      %swap3A_307 = arith.constant 2 : i32
      %swap3A_308 = arith.index_cast %swap3A_307 : i32 to index
      %swap3A_309 = arith.constant 16 : index
      %swap3A_310 = tpu.vector_load %arg7[%swap3A_308, %swap3A_309] {strides = array<i32>} : memref<4x128xi32, #tpu.memory_space<vmem>>, vector<1x16xi32>,
      %swap3A_311 = vector.shape_cast %swap3A_310 : vector<1x16xi32> to vector<16xi32>
      %swap3A_312 = vector.shape_cast %shift_right_logical3A_306 : vector<16xi32> to vector<1x16xi32>
      tpu.vector_store %arg7[%swap3A_308, %swap3A_309], %swap3A_312 {strides = array<i32>} : memref<4x128xi32, #tpu.memory_space<vmem>>, vector<1x16xi32>,
      %get3A_313 = arith.index_cast %mul3A_280 : i32 to index
      %get3A_314 = arith.constant 32 : index
      %get3A_315 = tpu.vector_load %arg6[%get3A_313, %get3A_314] {strides = array<i32>} : memref<80x128xi32, #tpu.memory_space<vmem>>, vector<1x16xi32>,
      %get3A_316 = vector.shape_cast %get3A_315 : vector<1x16xi32> to vector<16xi32>
      %shift_right_logical3A_317 = arith.constant 14 : i32
      %shift_right_logical3A_318 = vector.broadcast %shift_right_logical3A_317 : i32 to vector<16xi32>
      %shift_right_logical3A_319 = arith.shrui %get3A_316, %shift_right_logical3A_318 : vector<16xi32>
      %swap3A_320 = arith.constant 2 : i32
      %swap3A_321 = arith.index_cast %swap3A_320 : i32 to index
      %swap3A_322 = arith.constant 32 : index
      %swap3A_323 = tpu.vector_load %arg7[%swap3A_321, %swap3A_322] {strides = array<i32>} : memref<4x128xi32, #tpu.memory_space<vmem>>, vector<1x16xi32>,
      %swap3A_324 = vector.shape_cast %swap3A_323 : vector<1x16xi32> to vector<16xi32>
      %swap3A_325 = vector.shape_cast %shift_right_logical3A_319 : vector<16xi32> to vector<1x16xi32>
      tpu.vector_store %arg7[%swap3A_321, %swap3A_322], %swap3A_325 {strides = array<i32>} : memref<4x128xi32, #tpu.memory_space<vmem>>, vector<1x16xi32>,
      %get3A_326 = arith.index_cast %mul3A_280 : i32 to index
      %get3A_327 = arith.constant 48 : index
      %get3A_328 = tpu.vector_load %arg6[%get3A_326, %get3A_327] {strides = array<i32>} : memref<80x128xi32, #tpu.memory_space<vmem>>, vector<1x16xi32>,
      %get3A_329 = vector.shape_cast %get3A_328 : vector<1x16xi32> to vector<16xi32>
      %shift_right_logical3A_330 = arith.constant 14 : i32
      %shift_right_logical3A_331 = vector.broadcast %shift_right_logical3A_330 : i32 to vector<16xi32>
      %shift_right_logical3A_332 = arith.shrui %get3A_329, %shift_right_logical3A_331 : vector<16xi32>
      %swap3A_333 = arith.constant 2 : i32
      %swap3A_334 = arith.index_cast %swap3A_333 : i32 to index
      %swap3A_335 = arith.constant 48 : index
      %swap3A_336 = tpu.vector_load %arg7[%swap3A_334, %swap3A_335] {strides = array<i32>} : memref<4x128xi32, #tpu.memory_space<vmem>>, vector<1x16xi32>,
      %swap3A_337 = vector.shape_cast %swap3A_336 : vector<1x16xi32> to vector<16xi32>
      %swap3A_338 = vector.shape_cast %shift_right_logical3A_332 : vector<16xi32> to vector<1x16xi32>
      tpu.vector_store %arg7[%swap3A_334, %swap3A_335], %swap3A_338 {strides = array<i32>} : memref<4x128xi32, #tpu.memory_space<vmem>>, vector<1x16xi32>,
      %get3A_339 = arith.index_cast %mul3A_280 : i32 to index
      %get3A_340 = arith.constant 64 : index
      %get3A_341 = tpu.vector_load %arg6[%get3A_339, %get3A_340] {strides = array<i32>} : memref<80x128xi32, #tpu.memory_space<vmem>>, vector<1x16xi32>,
      %get3A_342 = vector.shape_cast %get3A_341 : vector<1x16xi32> to vector<16xi32>
      %shift_right_logical3A_343 = arith.constant 14 : i32
      %shift_right_logical3A_344 = vector.broadcast %shift_right_logical3A_343 : i32 to vector<16xi32>
      %shift_right_logical3A_345 = arith.shrui %get3A_342, %shift_right_logical3A_344 : vector<16xi32>
      %swap3A_346 = arith.constant 2 : i32
      %swap3A_347 = arith.index_cast %swap3A_346 : i32 to index
      %swap3A_348 = arith.constant 64 : index
      %swap3A_349 = tpu.vector_load %arg7[%swap3A_347, %swap3A_348] {strides = array<i32>} : memref<4x128xi32, #tpu.memory_space<vmem>>, vector<1x16xi32>,
      %swap3A_350 = vector.shape_cast %swap3A_349 : vector<1x16xi32> to vector<16xi32>
      %swap3A_351 = vector.shape_cast %shift_right_logical3A_345 : vector<16xi32> to vector<1x16xi32>
      tpu.vector_store %arg7[%swap3A_347, %swap3A_348], %swap3A_351 {strides = array<i32>} : memref<4x128xi32, #tpu.memory_space<vmem>>, vector<1x16xi32>,
      %get3A_352 = arith.index_cast %mul3A_280 : i32 to index
      %get3A_353 = arith.constant 80 : index
      %get3A_354 = tpu.vector_load %arg6[%get3A_352, %get3A_353] {strides = array<i32>} : memref<80x128xi32, #tpu.memory_space<vmem>>, vector<1x16xi32>,
      %get3A_355 = vector.shape_cast %get3A_354 : vector<1x16xi32> to vector<16xi32>
      %shift_right_logical3A_356 = arith.constant 14 : i32
      %shift_right_logical3A_357 = vector.broadcast %shift_right_logical3A_356 : i32 to vector<16xi32>
      %shift_right_logical3A_358 = arith.shrui %get3A_355, %shift_right_logical3A_357 : vector<16xi32>
      %swap3A_359 = arith.constant 2 : i32
      %swap3A_360 = arith.index_cast %swap3A_359 : i32 to index
      %swap3A_361 = arith.constant 80 : index
      %swap3A_362 = tpu.vector_load %arg7[%swap3A_360, %swap3A_361] {strides = array<i32>} : memref<4x128xi32, #tpu.memory_space<vmem>>, vector<1x16xi32>,
      %swap3A_363 = vector.shape_cast %swap3A_362 : vector<1x16xi32> to vector<16xi32>
      %swap3A_364 = vector.shape_cast %shift_right_logical3A_358 : vector<16xi32> to vector<1x16xi32>
      tpu.vector_store %arg7[%swap3A_360, %swap3A_361], %swap3A_364 {strides = array<i32>} : memref<4x128xi32, #tpu.memory_space<vmem>>, vector<1x16xi32>,
      %get3A_365 = arith.index_cast %mul3A_280 : i32 to index
      %get3A_366 = arith.constant 96 : index
      %get3A_367 = tpu.vector_load %arg6[%get3A_365, %get3A_366] {strides = array<i32>} : memref<80x128xi32, #tpu.memory_space<vmem>>, vector<1x16xi32>,
      %get3A_368 = vector.shape_cast %get3A_367 : vector<1x16xi32> to vector<16xi32>
      %shift_right_logical3A_369 = arith.constant 14 : i32
      %shift_right_logical3A_370 = vector.broadcast %shift_right_logical3A_369 : i32 to vector<16xi32>
      %shift_right_logical3A_371 = arith.shrui %get3A_368, %shift_right_logical3A_370 : vector<16xi32>
      %swap3A_372 = arith.constant 2 : i32
      %swap3A_373 = arith.index_cast %swap3A_372 : i32 to index
      %swap3A_374 = arith.constant 96 : index
      %swap3A_375 = tpu.vector_load %arg7[%swap3A_373, %swap3A_374] {strides = array<i32>} : memref<4x128xi32, #tpu.memory_space<vmem>>, vector<1x16xi32>,
      %swap3A_376 = vector.shape_cast %swap3A_375 : vector<1x16xi32> to vector<16xi32>
      %swap3A_377 = vector.shape_cast %shift_right_logical3A_371 : vector<16xi32> to vector<1x16xi32>
      tpu.vector_store %arg7[%swap3A_373, %swap3A_374], %swap3A_377 {strides = array<i32>} : memref<4x128xi32, #tpu.memory_space<vmem>>, vector<1x16xi32>,
      %get3A_378 = arith.index_cast %mul3A_280 : i32 to index
      %get3A_379 = arith.constant 112 : index
      %get3A_380 = tpu.vector_load %arg6[%get3A_378, %get3A_379] {strides = array<i32>} : memref<80x128xi32, #tpu.memory_space<vmem>>, vector<1x16xi32>,
      %get3A_381 = vector.shape_cast %get3A_380 : vector<1x16xi32> to vector<16xi32>
      %shift_right_logical3A_382 = arith.constant 14 : i32
      %shift_right_logical3A_383 = vector.broadcast %shift_right_logical3A_382 : i32 to vector<16xi32>
      %shift_right_logical3A_384 = arith.shrui %get3A_381, %shift_right_logical3A_383 : vector<16xi32>
      %swap3A_385 = arith.constant 2 : i32
      %swap3A_386 = arith.index_cast %swap3A_385 : i32 to index
      %swap3A_387 = arith.constant 112 : index
      %swap3A_388 = tpu.vector_load %arg7[%swap3A_386, %swap3A_387] {strides = array<i32>} : memref<4x128xi32, #tpu.memory_space<vmem>>, vector<1x16xi32>,
      %swap3A_389 = vector.shape_cast %swap3A_388 : vector<1x16xi32> to vector<16xi32>
      %swap3A_390 = vector.shape_cast %shift_right_logical3A_384 : vector<16xi32> to vector<1x16xi32>
      tpu.vector_store %arg7[%swap3A_386, %swap3A_387], %swap3A_390 {strides = array<i32>} : memref<4x128xi32, #tpu.memory_space<vmem>>, vector<1x16xi32>,
      %run_scoped3A = arith.constant 2 : i32
      "tpu.region"() ({
        %run_scoped3A_757 = tpu.sem_alloc : memref<!tpu.dma_semaphore, #tpu.memory_space<semaphore_mem>>
        %dma_start3A_758 = arith.constant 0 : i32
        %dma_start3A_759 = tpu.memref_slice %arg7[%run_scoped3A, %dma_start3A_758] : memref<4x128xi32, #tpu.memory_space<vmem>> -> memref<1x128xi32, #tpu.memory_space<vmem>>
        %dma_start3A_760 = tpu.memref_squeeze %dma_start3A_759 : memref<1x128xi32, #tpu.memory_space<vmem>> -> memref<128xi32, #tpu.memory_space<vmem>>
        %dma_start3A_761 = arith.constant 0 : i32
        %dma_start3A_762 = arith.constant 0 : i32
        %dma_start3A_763 = tpu.memref_slice %arg10[%dma_start3A_761, %dma_start3A_762] : memref<10240x128xf32, #tpu.memory_space<vmem_shared>> -> memref<10240x128xf32, #tpu.memory_space<vmem_shared>>
        tpu.enqueue_indirect_dma source(%arg8 : memref<128x128xf32, #tpu.memory_space<vmem>>) target(%dma_start3A_763 : memref<10240x128xf32, #tpu.memory_space<vmem_shared>>) offsets(%dma_start3A_760 : memref<128xi32, #tpu.memory_space<vmem>>) semaphore(%run_scoped3A_757 : memref<!tpu.dma_semaphore, #tpu.memory_space<semaphore_mem>>) {add = true}
        %dma_wait3A_764 = arith.constant 0 : i32
        %dma_wait3A_765 = tpu.memref_slice %arg7[%run_scoped3A, %dma_wait3A_764] : memref<4x128xi32, #tpu.memory_space<vmem>> -> memref<1x128xi32, #tpu.memory_space<vmem>>
        %dma_wait3A_766 = tpu.memref_squeeze %dma_wait3A_765 : memref<1x128xi32, #tpu.memory_space<vmem>> -> memref<128xi32, #tpu.memory_space<vmem>>
        %dma_wait3A_767 = arith.constant 0 : i32
        %dma_wait3A_768 = arith.constant 0 : i32
        %dma_wait3A_769 = tpu.memref_slice %arg10[%dma_wait3A_767, %dma_wait3A_768] : memref<10240x128xf32, #tpu.memory_space<vmem_shared>> -> memref<10240x128xf32, #tpu.memory_space<vmem_shared>>
        tpu.wait_indirect_dma semaphore(%run_scoped3A_757 : memref<!tpu.dma_semaphore, #tpu.memory_space<semaphore_mem>>) src(%arg8 : memref<128x128xf32, #tpu.memory_space<vmem>>) dst(%dma_wait3A_769 : memref<10240x128xf32, #tpu.memory_space<vmem_shared>>)
        tpu.yield
      }) : () -> ()
      %add3A_391 = arith.constant 2 : i32
      %add3A_392 = arith.addi %mul3A_280, %add3A_391 : i32
      %jit3A = arith.constant 80 : i32
      %eq3A = arith.constant 0 : i32
      %eq3A_393 = arith.cmpi eq, %jit3A, %eq3A : i32
      %jit3A_394 = arith.constant 1 : i32
      %select_n3A = arith.select %eq3A_393, %jit3A_394, %jit3A : i32
      %rem3A = arith.remsi %add3A_392, %select_n3A : i32
      %ne3A = arith.constant 0 : i32
      %ne3A_395 = arith.cmpi ne, %rem3A, %ne3A : i32
      %lt3A = arith.constant 0 : i32
      %lt3A_396 = arith.cmpi slt, %rem3A, %lt3A : i32
      %lt3A_397 = arith.constant 0 : i32
      %lt3A_398 = arith.cmpi slt, %select_n3A, %lt3A_397 : i32
      %ne3A_399 = arith.xori %lt3A_396, %lt3A_398 : i1
      %and3A_400 = arith.andi %ne3A_399, %ne3A_395 : i1
      %add3A_401 = arith.addi %rem3A, %select_n3A : i32
      %select_n3A_402 = arith.select %and3A_400, %add3A_401, %rem3A : i32
      %get3A_403 = arith.index_cast %select_n3A_402 : i32 to index
      %get3A_404 = arith.constant 0 : index
      %get3A_405 = tpu.vector_load %arg6[%get3A_403, %get3A_404] {strides = array<i32>} : memref<80x128xi32, #tpu.memory_space<vmem>>, vector<1x16xi32>,
      %get3A_406 = vector.shape_cast %get3A_405 : vector<1x16xi32> to vector<16xi32>
      %and3A_407 = arith.constant 16383 : i32
      %and3A_408 = vector.broadcast %and3A_407 : i32 to vector<16xi32>
      %and3A_409 = arith.andi %get3A_406, %and3A_408 : vector<16xi32>
      %swap3A_410 = arith.constant 0 : i32
      %swap3A_411 = arith.index_cast %swap3A_410 : i32 to index
      %swap3A_412 = arith.constant 0 : index
      %swap3A_413 = tpu.vector_load %arg7[%swap3A_411, %swap3A_412] {strides = array<i32>} : memref<4x128xi32, #tpu.memory_space<vmem>>, vector<1x16xi32>,
      %swap3A_414 = vector.shape_cast %swap3A_413 : vector<1x16xi32> to vector<16xi32>
      %swap3A_415 = vector.shape_cast %and3A_409 : vector<16xi32> to vector<1x16xi32>
      tpu.vector_store %arg7[%swap3A_411, %swap3A_412], %swap3A_415 {strides = array<i32>} : memref<4x128xi32, #tpu.memory_space<vmem>>, vector<1x16xi32>,
      %get3A_416 = arith.index_cast %select_n3A_402 : i32 to index
      %get3A_417 = arith.constant 16 : index
      %get3A_418 = tpu.vector_load %arg6[%get3A_416, %get3A_417] {strides = array<i32>} : memref<80x128xi32, #tpu.memory_space<vmem>>, vector<1x16xi32>,
      %get3A_419 = vector.shape_cast %get3A_418 : vector<1x16xi32> to vector<16xi32>
      %and3A_420 = arith.constant 16383 : i32
      %and3A_421 = vector.broadcast %and3A_420 : i32 to vector<16xi32>
      %and3A_422 = arith.andi %get3A_419, %and3A_421 : vector<16xi32>
      %swap3A_423 = arith.constant 0 : i32
      %swap3A_424 = arith.index_cast %swap3A_423 : i32 to index
      %swap3A_425 = arith.constant 16 : index
      %swap3A_426 = tpu.vector_load %arg7[%swap3A_424, %swap3A_425] {strides = array<i32>} : memref<4x128xi32, #tpu.memory_space<vmem>>, vector<1x16xi32>,
      %swap3A_427 = vector.shape_cast %swap3A_426 : vector<1x16xi32> to vector<16xi32>
      %swap3A_428 = vector.shape_cast %and3A_422 : vector<16xi32> to vector<1x16xi32>
      tpu.vector_store %arg7[%swap3A_424, %swap3A_425], %swap3A_428 {strides = array<i32>} : memref<4x128xi32, #tpu.memory_space<vmem>>, vector<1x16xi32>,
      %get3A_429 = arith.index_cast %select_n3A_402 : i32 to index
      %get3A_430 = arith.constant 32 : index
      %get3A_431 = tpu.vector_load %arg6[%get3A_429, %get3A_430] {strides = array<i32>} : memref<80x128xi32, #tpu.memory_space<vmem>>, vector<1x16xi32>,
      %get3A_432 = vector.shape_cast %get3A_431 : vector<1x16xi32> to vector<16xi32>
      %and3A_433 = arith.constant 16383 : i32
      %and3A_434 = vector.broadcast %and3A_433 : i32 to vector<16xi32>
      %and3A_435 = arith.andi %get3A_432, %and3A_434 : vector<16xi32>
      %swap3A_436 = arith.constant 0 : i32
      %swap3A_437 = arith.index_cast %swap3A_436 : i32 to index
      %swap3A_438 = arith.constant 32 : index
      %swap3A_439 = tpu.vector_load %arg7[%swap3A_437, %swap3A_438] {strides = array<i32>} : memref<4x128xi32, #tpu.memory_space<vmem>>, vector<1x16xi32>,
      %swap3A_440 = vector.shape_cast %swap3A_439 : vector<1x16xi32> to vector<16xi32>
      %swap3A_441 = vector.shape_cast %and3A_435 : vector<16xi32> to vector<1x16xi32>
      tpu.vector_store %arg7[%swap3A_437, %swap3A_438], %swap3A_441 {strides = array<i32>} : memref<4x128xi32, #tpu.memory_space<vmem>>, vector<1x16xi32>,
      %get3A_442 = arith.index_cast %select_n3A_402 : i32 to index
      %get3A_443 = arith.constant 48 : index
      %get3A_444 = tpu.vector_load %arg6[%get3A_442, %get3A_443] {strides = array<i32>} : memref<80x128xi32, #tpu.memory_space<vmem>>, vector<1x16xi32>,
      %get3A_445 = vector.shape_cast %get3A_444 : vector<1x16xi32> to vector<16xi32>
      %and3A_446 = arith.constant 16383 : i32
      %and3A_447 = vector.broadcast %and3A_446 : i32 to vector<16xi32>
      %and3A_448 = arith.andi %get3A_445, %and3A_447 : vector<16xi32>
      %swap3A_449 = arith.constant 0 : i32
      %swap3A_450 = arith.index_cast %swap3A_449 : i32 to index
      %swap3A_451 = arith.constant 48 : index
      %swap3A_452 = tpu.vector_load %arg7[%swap3A_450, %swap3A_451] {strides = array<i32>} : memref<4x128xi32, #tpu.memory_space<vmem>>, vector<1x16xi32>,
      %swap3A_453 = vector.shape_cast %swap3A_452 : vector<1x16xi32> to vector<16xi32>
      %swap3A_454 = vector.shape_cast %and3A_448 : vector<16xi32> to vector<1x16xi32>
      tpu.vector_store %arg7[%swap3A_450, %swap3A_451], %swap3A_454 {strides = array<i32>} : memref<4x128xi32, #tpu.memory_space<vmem>>, vector<1x16xi32>,
      %get3A_455 = arith.index_cast %select_n3A_402 : i32 to index
      %get3A_456 = arith.constant 64 : index
      %get3A_457 = tpu.vector_load %arg6[%get3A_455, %get3A_456] {strides = array<i32>} : memref<80x128xi32, #tpu.memory_space<vmem>>, vector<1x16xi32>,
      %get3A_458 = vector.shape_cast %get3A_457 : vector<1x16xi32> to vector<16xi32>
      %and3A_459 = arith.constant 16383 : i32
      %and3A_460 = vector.broadcast %and3A_459 : i32 to vector<16xi32>
      %and3A_461 = arith.andi %get3A_458, %and3A_460 : vector<16xi32>
      %swap3A_462 = arith.constant 0 : i32
      %swap3A_463 = arith.index_cast %swap3A_462 : i32 to index
      %swap3A_464 = arith.constant 64 : index
      %swap3A_465 = tpu.vector_load %arg7[%swap3A_463, %swap3A_464] {strides = array<i32>} : memref<4x128xi32, #tpu.memory_space<vmem>>, vector<1x16xi32>,
      %swap3A_466 = vector.shape_cast %swap3A_465 : vector<1x16xi32> to vector<16xi32>
      %swap3A_467 = vector.shape_cast %and3A_461 : vector<16xi32> to vector<1x16xi32>
      tpu.vector_store %arg7[%swap3A_463, %swap3A_464], %swap3A_467 {strides = array<i32>} : memref<4x128xi32, #tpu.memory_space<vmem>>, vector<1x16xi32>,
      %get3A_468 = arith.index_cast %select_n3A_402 : i32 to index
      %get3A_469 = arith.constant 80 : index
      %get3A_470 = tpu.vector_load %arg6[%get3A_468, %get3A_469] {strides = array<i32>} : memref<80x128xi32, #tpu.memory_space<vmem>>, vector<1x16xi32>,
      %get3A_471 = vector.shape_cast %get3A_470 : vector<1x16xi32> to vector<16xi32>
      %and3A_472 = arith.constant 16383 : i32
      %and3A_473 = vector.broadcast %and3A_472 : i32 to vector<16xi32>
      %and3A_474 = arith.andi %get3A_471, %and3A_473 : vector<16xi32>
      %swap3A_475 = arith.constant 0 : i32
      %swap3A_476 = arith.index_cast %swap3A_475 : i32 to index
      %swap3A_477 = arith.constant 80 : index
      %swap3A_478 = tpu.vector_load %arg7[%swap3A_476, %swap3A_477] {strides = array<i32>} : memref<4x128xi32, #tpu.memory_space<vmem>>, vector<1x16xi32>,
      %swap3A_479 = vector.shape_cast %swap3A_478 : vector<1x16xi32> to vector<16xi32>
      %swap3A_480 = vector.shape_cast %and3A_474 : vector<16xi32> to vector<1x16xi32>
      tpu.vector_store %arg7[%swap3A_476, %swap3A_477], %swap3A_480 {strides = array<i32>} : memref<4x128xi32, #tpu.memory_space<vmem>>, vector<1x16xi32>,
      %get3A_481 = arith.index_cast %select_n3A_402 : i32 to index
      %get3A_482 = arith.constant 96 : index
      %get3A_483 = tpu.vector_load %arg6[%get3A_481, %get3A_482] {strides = array<i32>} : memref<80x128xi32, #tpu.memory_space<vmem>>, vector<1x16xi32>,
      %get3A_484 = vector.shape_cast %get3A_483 : vector<1x16xi32> to vector<16xi32>
      %and3A_485 = arith.constant 16383 : i32
      %and3A_486 = vector.broadcast %and3A_485 : i32 to vector<16xi32>
      %and3A_487 = arith.andi %get3A_484, %and3A_486 : vector<16xi32>
      %swap3A_488 = arith.constant 0 : i32
      %swap3A_489 = arith.index_cast %swap3A_488 : i32 to index
      %swap3A_490 = arith.constant 96 : index
      %swap3A_491 = tpu.vector_load %arg7[%swap3A_489, %swap3A_490] {strides = array<i32>} : memref<4x128xi32, #tpu.memory_space<vmem>>, vector<1x16xi32>,
      %swap3A_492 = vector.shape_cast %swap3A_491 : vector<1x16xi32> to vector<16xi32>
      %swap3A_493 = vector.shape_cast %and3A_487 : vector<16xi32> to vector<1x16xi32>
      tpu.vector_store %arg7[%swap3A_489, %swap3A_490], %swap3A_493 {strides = array<i32>} : memref<4x128xi32, #tpu.memory_space<vmem>>, vector<1x16xi32>,
      %get3A_494 = arith.index_cast %select_n3A_402 : i32 to index
      %get3A_495 = arith.constant 112 : index
      %get3A_496 = tpu.vector_load %arg6[%get3A_494, %get3A_495] {strides = array<i32>} : memref<80x128xi32, #tpu.memory_space<vmem>>, vector<1x16xi32>,
      %get3A_497 = vector.shape_cast %get3A_496 : vector<1x16xi32> to vector<16xi32>
      %and3A_498 = arith.constant 16383 : i32
      %and3A_499 = vector.broadcast %and3A_498 : i32 to vector<16xi32>
      %and3A_500 = arith.andi %get3A_497, %and3A_499 : vector<16xi32>
      %swap3A_501 = arith.constant 0 : i32
      %swap3A_502 = arith.index_cast %swap3A_501 : i32 to index
      %swap3A_503 = arith.constant 112 : index
      %swap3A_504 = tpu.vector_load %arg7[%swap3A_502, %swap3A_503] {strides = array<i32>} : memref<4x128xi32, #tpu.memory_space<vmem>>, vector<1x16xi32>,
      %swap3A_505 = vector.shape_cast %swap3A_504 : vector<1x16xi32> to vector<16xi32>
      %swap3A_506 = vector.shape_cast %and3A_500 : vector<16xi32> to vector<1x16xi32>
      tpu.vector_store %arg7[%swap3A_502, %swap3A_503], %swap3A_506 {strides = array<i32>} : memref<4x128xi32, #tpu.memory_space<vmem>>, vector<1x16xi32>,
      %dma_start3A_507 = arith.constant 0 : i32
      %dma_start3A_508 = arith.constant 0 : i32
      %dma_start3A_509 = tpu.memref_slice %arg7[%dma_start3A_507, %dma_start3A_508] : memref<4x128xi32, #tpu.memory_space<vmem>> -> memref<1x128xi32, #tpu.memory_space<vmem>>
      %dma_start3A_510 = tpu.memref_squeeze %dma_start3A_509 : memref<1x128xi32, #tpu.memory_space<vmem>> -> memref<128xi32, #tpu.memory_space<vmem>>
      %dma_start3A_511 = arith.constant 0 : i32
      %dma_start3A_512 = arith.constant 0 : i32
      %dma_start3A_513 = tpu.memref_slice %arg2[%dma_start3A_511, %dma_start3A_512] : memref<10000x128xf32, #tpu.memory_space<hbm>> -> memref<10000x128xf32, #tpu.memory_space<hbm>>
      tpu.enqueue_indirect_dma source(%dma_start3A_513 : memref<10000x128xf32, #tpu.memory_space<hbm>>) target(%arg8 : memref<128x128xf32, #tpu.memory_space<vmem>>) offsets(%dma_start3A_510 : memref<128xi32, #tpu.memory_space<vmem>>) semaphore(%arg11 : memref<!tpu.dma_semaphore, #tpu.memory_space<semaphore_mem>>)
      %add3A_514 = arith.constant 1 : i32
      %add3A_515 = arith.addi %mul3A_280, %add3A_514 : i32
      %dma_wait3A_516 = arith.constant 1 : i32
      %dma_wait3A_517 = arith.constant 0 : i32
      %dma_wait3A_518 = tpu.memref_slice %arg7[%dma_wait3A_516, %dma_wait3A_517] : memref<4x128xi32, #tpu.memory_space<vmem>> -> memref<1x128xi32, #tpu.memory_space<vmem>>
      %dma_wait3A_519 = tpu.memref_squeeze %dma_wait3A_518 : memref<1x128xi32, #tpu.memory_space<vmem>> -> memref<128xi32, #tpu.memory_space<vmem>>
      %dma_wait3A_520 = arith.constant 0 : i32
      %dma_wait3A_521 = arith.constant 0 : i32
      %dma_wait3A_522 = tpu.memref_slice %arg2[%dma_wait3A_520, %dma_wait3A_521] : memref<10000x128xf32, #tpu.memory_space<hbm>> -> memref<10000x128xf32, #tpu.memory_space<hbm>>
      tpu.wait_indirect_dma semaphore(%arg12 : memref<!tpu.dma_semaphore, #tpu.memory_space<semaphore_mem>>) src(%dma_wait3A_522 : memref<10000x128xf32, #tpu.memory_space<hbm>>) dst(%arg9 : memref<128x128xf32, #tpu.memory_space<vmem>>)
      %get3A_523 = arith.index_cast %add3A_515 : i32 to index
      %get3A_524 = arith.constant 0 : index
      %get3A_525 = tpu.vector_load %arg6[%get3A_523, %get3A_524] {strides = array<i32>} : memref<80x128xi32, #tpu.memory_space<vmem>>, vector<1x16xi32>,
      %get3A_526 = vector.shape_cast %get3A_525 : vector<1x16xi32> to vector<16xi32>
      %shift_right_logical3A_527 = arith.constant 14 : i32
      %shift_right_logical3A_528 = vector.broadcast %shift_right_logical3A_527 : i32 to vector<16xi32>
      %shift_right_logical3A_529 = arith.shrui %get3A_526, %shift_right_logical3A_528 : vector<16xi32>
      %swap3A_530 = arith.constant 3 : i32
      %swap3A_531 = arith.index_cast %swap3A_530 : i32 to index
      %swap3A_532 = arith.constant 0 : index
      %swap3A_533 = tpu.vector_load %arg7[%swap3A_531, %swap3A_532] {strides = array<i32>} : memref<4x128xi32, #tpu.memory_space<vmem>>, vector<1x16xi32>,
      %swap3A_534 = vector.shape_cast %swap3A_533 : vector<1x16xi32> to vector<16xi32>
      %swap3A_535 = vector.shape_cast %shift_right_logical3A_529 : vector<16xi32> to vector<1x16xi32>
      tpu.vector_store %arg7[%swap3A_531, %swap3A_532], %swap3A_535 {strides = array<i32>} : memref<4x128xi32, #tpu.memory_space<vmem>>, vector<1x16xi32>,
      %get3A_536 = arith.index_cast %add3A_515 : i32 to index
      %get3A_537 = arith.constant 16 : index
      %get3A_538 = tpu.vector_load %arg6[%get3A_536, %get3A_537] {strides = array<i32>} : memref<80x128xi32, #tpu.memory_space<vmem>>, vector<1x16xi32>,
      %get3A_539 = vector.shape_cast %get3A_538 : vector<1x16xi32> to vector<16xi32>
      %shift_right_logical3A_540 = arith.constant 14 : i32
      %shift_right_logical3A_541 = vector.broadcast %shift_right_logical3A_540 : i32 to vector<16xi32>
      %shift_right_logical3A_542 = arith.shrui %get3A_539, %shift_right_logical3A_541 : vector<16xi32>
      %swap3A_543 = arith.constant 3 : i32
      %swap3A_544 = arith.index_cast %swap3A_543 : i32 to index
      %swap3A_545 = arith.constant 16 : index
      %swap3A_546 = tpu.vector_load %arg7[%swap3A_544, %swap3A_545] {strides = array<i32>} : memref<4x128xi32, #tpu.memory_space<vmem>>, vector<1x16xi32>,
      %swap3A_547 = vector.shape_cast %swap3A_546 : vector<1x16xi32> to vector<16xi32>
      %swap3A_548 = vector.shape_cast %shift_right_logical3A_542 : vector<16xi32> to vector<1x16xi32>
      tpu.vector_store %arg7[%swap3A_544, %swap3A_545], %swap3A_548 {strides = array<i32>} : memref<4x128xi32, #tpu.memory_space<vmem>>, vector<1x16xi32>,
      %get3A_549 = arith.index_cast %add3A_515 : i32 to index
      %get3A_550 = arith.constant 32 : index
      %get3A_551 = tpu.vector_load %arg6[%get3A_549, %get3A_550] {strides = array<i32>} : memref<80x128xi32, #tpu.memory_space<vmem>>, vector<1x16xi32>,
      %get3A_552 = vector.shape_cast %get3A_551 : vector<1x16xi32> to vector<16xi32>
      %shift_right_logical3A_553 = arith.constant 14 : i32
      %shift_right_logical3A_554 = vector.broadcast %shift_right_logical3A_553 : i32 to vector<16xi32>
      %shift_right_logical3A_555 = arith.shrui %get3A_552, %shift_right_logical3A_554 : vector<16xi32>
      %swap3A_556 = arith.constant 3 : i32
      %swap3A_557 = arith.index_cast %swap3A_556 : i32 to index
      %swap3A_558 = arith.constant 32 : index
      %swap3A_559 = tpu.vector_load %arg7[%swap3A_557, %swap3A_558] {strides = array<i32>} : memref<4x128xi32, #tpu.memory_space<vmem>>, vector<1x16xi32>,
      %swap3A_560 = vector.shape_cast %swap3A_559 : vector<1x16xi32> to vector<16xi32>
      %swap3A_561 = vector.shape_cast %shift_right_logical3A_555 : vector<16xi32> to vector<1x16xi32>
      tpu.vector_store %arg7[%swap3A_557, %swap3A_558], %swap3A_561 {strides = array<i32>} : memref<4x128xi32, #tpu.memory_space<vmem>>, vector<1x16xi32>,
      %get3A_562 = arith.index_cast %add3A_515 : i32 to index
      %get3A_563 = arith.constant 48 : index
      %get3A_564 = tpu.vector_load %arg6[%get3A_562, %get3A_563] {strides = array<i32>} : memref<80x128xi32, #tpu.memory_space<vmem>>, vector<1x16xi32>,
      %get3A_565 = vector.shape_cast %get3A_564 : vector<1x16xi32> to vector<16xi32>
      %shift_right_logical3A_566 = arith.constant 14 : i32
      %shift_right_logical3A_567 = vector.broadcast %shift_right_logical3A_566 : i32 to vector<16xi32>
      %shift_right_logical3A_568 = arith.shrui %get3A_565, %shift_right_logical3A_567 : vector<16xi32>
      %swap3A_569 = arith.constant 3 : i32
      %swap3A_570 = arith.index_cast %swap3A_569 : i32 to index
      %swap3A_571 = arith.constant 48 : index
      %swap3A_572 = tpu.vector_load %arg7[%swap3A_570, %swap3A_571] {strides = array<i32>} : memref<4x128xi32, #tpu.memory_space<vmem>>, vector<1x16xi32>,
      %swap3A_573 = vector.shape_cast %swap3A_572 : vector<1x16xi32> to vector<16xi32>
      %swap3A_574 = vector.shape_cast %shift_right_logical3A_568 : vector<16xi32> to vector<1x16xi32>
      tpu.vector_store %arg7[%swap3A_570, %swap3A_571], %swap3A_574 {strides = array<i32>} : memref<4x128xi32, #tpu.memory_space<vmem>>, vector<1x16xi32>,
      %get3A_575 = arith.index_cast %add3A_515 : i32 to index
      %get3A_576 = arith.constant 64 : index
      %get3A_577 = tpu.vector_load %arg6[%get3A_575, %get3A_576] {strides = array<i32>} : memref<80x128xi32, #tpu.memory_space<vmem>>, vector<1x16xi32>,
      %get3A_578 = vector.shape_cast %get3A_577 : vector<1x16xi32> to vector<16xi32>
      %shift_right_logical3A_579 = arith.constant 14 : i32
      %shift_right_logical3A_580 = vector.broadcast %shift_right_logical3A_579 : i32 to vector<16xi32>
      %shift_right_logical3A_581 = arith.shrui %get3A_578, %shift_right_logical3A_580 : vector<16xi32>
      %swap3A_582 = arith.constant 3 : i32
      %swap3A_583 = arith.index_cast %swap3A_582 : i32 to index
      %swap3A_584 = arith.constant 64 : index
      %swap3A_585 = tpu.vector_load %arg7[%swap3A_583, %swap3A_584] {strides = array<i32>} : memref<4x128xi32, #tpu.memory_space<vmem>>, vector<1x16xi32>,
      %swap3A_586 = vector.shape_cast %swap3A_585 : vector<1x16xi32> to vector<16xi32>
      %swap3A_587 = vector.shape_cast %shift_right_logical3A_581 : vector<16xi32> to vector<1x16xi32>
      tpu.vector_store %arg7[%swap3A_583, %swap3A_584], %swap3A_587 {strides = array<i32>} : memref<4x128xi32, #tpu.memory_space<vmem>>, vector<1x16xi32>,
      %get3A_588 = arith.index_cast %add3A_515 : i32 to index
      %get3A_589 = arith.constant 80 : index
      %get3A_590 = tpu.vector_load %arg6[%get3A_588, %get3A_589] {strides = array<i32>} : memref<80x128xi32, #tpu.memory_space<vmem>>, vector<1x16xi32>,
      %get3A_591 = vector.shape_cast %get3A_590 : vector<1x16xi32> to vector<16xi32>
      %shift_right_logical3A_592 = arith.constant 14 : i32
      %shift_right_logical3A_593 = vector.broadcast %shift_right_logical3A_592 : i32 to vector<16xi32>
      %shift_right_logical3A_594 = arith.shrui %get3A_591, %shift_right_logical3A_593 : vector<16xi32>
      %swap3A_595 = arith.constant 3 : i32
      %swap3A_596 = arith.index_cast %swap3A_595 : i32 to index
      %swap3A_597 = arith.constant 80 : index
      %swap3A_598 = tpu.vector_load %arg7[%swap3A_596, %swap3A_597] {strides = array<i32>} : memref<4x128xi32, #tpu.memory_space<vmem>>, vector<1x16xi32>,
      %swap3A_599 = vector.shape_cast %swap3A_598 : vector<1x16xi32> to vector<16xi32>
      %swap3A_600 = vector.shape_cast %shift_right_logical3A_594 : vector<16xi32> to vector<1x16xi32>
      tpu.vector_store %arg7[%swap3A_596, %swap3A_597], %swap3A_600 {strides = array<i32>} : memref<4x128xi32, #tpu.memory_space<vmem>>, vector<1x16xi32>,
      %get3A_601 = arith.index_cast %add3A_515 : i32 to index
      %get3A_602 = arith.constant 96 : index
      %get3A_603 = tpu.vector_load %arg6[%get3A_601, %get3A_602] {strides = array<i32>} : memref<80x128xi32, #tpu.memory_space<vmem>>, vector<1x16xi32>,
      %get3A_604 = vector.shape_cast %get3A_603 : vector<1x16xi32> to vector<16xi32>
      %shift_right_logical3A_605 = arith.constant 14 : i32
      %shift_right_logical3A_606 = vector.broadcast %shift_right_logical3A_605 : i32 to vector<16xi32>
      %shift_right_logical3A_607 = arith.shrui %get3A_604, %shift_right_logical3A_606 : vector<16xi32>
      %swap3A_608 = arith.constant 3 : i32
      %swap3A_609 = arith.index_cast %swap3A_608 : i32 to index
      %swap3A_610 = arith.constant 96 : index
      %swap3A_611 = tpu.vector_load %arg7[%swap3A_609, %swap3A_610] {strides = array<i32>} : memref<4x128xi32, #tpu.memory_space<vmem>>, vector<1x16xi32>,
      %swap3A_612 = vector.shape_cast %swap3A_611 : vector<1x16xi32> to vector<16xi32>
      %swap3A_613 = vector.shape_cast %shift_right_logical3A_607 : vector<16xi32> to vector<1x16xi32>
      tpu.vector_store %arg7[%swap3A_609, %swap3A_610], %swap3A_613 {strides = array<i32>} : memref<4x128xi32, #tpu.memory_space<vmem>>, vector<1x16xi32>,
      %get3A_614 = arith.index_cast %add3A_515 : i32 to index
      %get3A_615 = arith.constant 112 : index
      %get3A_616 = tpu.vector_load %arg6[%get3A_614, %get3A_615] {strides = array<i32>} : memref<80x128xi32, #tpu.memory_space<vmem>>, vector<1x16xi32>,
      %get3A_617 = vector.shape_cast %get3A_616 : vector<1x16xi32> to vector<16xi32>
      %shift_right_logical3A_618 = arith.constant 14 : i32
      %shift_right_logical3A_619 = vector.broadcast %shift_right_logical3A_618 : i32 to vector<16xi32>
      %shift_right_logical3A_620 = arith.shrui %get3A_617, %shift_right_logical3A_619 : vector<16xi32>
      %swap3A_621 = arith.constant 3 : i32
      %swap3A_622 = arith.index_cast %swap3A_621 : i32 to index
      %swap3A_623 = arith.constant 112 : index
      %swap3A_624 = tpu.vector_load %arg7[%swap3A_622, %swap3A_623] {strides = array<i32>} : memref<4x128xi32, #tpu.memory_space<vmem>>, vector<1x16xi32>,
      %swap3A_625 = vector.shape_cast %swap3A_624 : vector<1x16xi32> to vector<16xi32>
      %swap3A_626 = vector.shape_cast %shift_right_logical3A_620 : vector<16xi32> to vector<1x16xi32>
      tpu.vector_store %arg7[%swap3A_622, %swap3A_623], %swap3A_626 {strides = array<i32>} : memref<4x128xi32, #tpu.memory_space<vmem>>, vector<1x16xi32>,
      %run_scoped3A_627 = arith.constant 3 : i32
      "tpu.region"() ({
        %run_scoped3A_757 = tpu.sem_alloc : memref<!tpu.dma_semaphore, #tpu.memory_space<semaphore_mem>>
        %dma_start3A_758 = arith.constant 0 : i32
        %dma_start3A_759 = tpu.memref_slice %arg7[%run_scoped3A_627, %dma_start3A_758] : memref<4x128xi32, #tpu.memory_space<vmem>> -> memref<1x128xi32, #tpu.memory_space<vmem>>
        %dma_start3A_760 = tpu.memref_squeeze %dma_start3A_759 : memref<1x128xi32, #tpu.memory_space<vmem>> -> memref<128xi32, #tpu.memory_space<vmem>>
        %dma_start3A_761 = arith.constant 0 : i32
        %dma_start3A_762 = arith.constant 0 : i32
        %dma_start3A_763 = tpu.memref_slice %arg10[%dma_start3A_761, %dma_start3A_762] : memref<10240x128xf32, #tpu.memory_space<vmem_shared>> -> memref<10240x128xf32, #tpu.memory_space<vmem_shared>>
        tpu.enqueue_indirect_dma source(%arg9 : memref<128x128xf32, #tpu.memory_space<vmem>>) target(%dma_start3A_763 : memref<10240x128xf32, #tpu.memory_space<vmem_shared>>) offsets(%dma_start3A_760 : memref<128xi32, #tpu.memory_space<vmem>>) semaphore(%run_scoped3A_757 : memref<!tpu.dma_semaphore, #tpu.memory_space<semaphore_mem>>) {add = true}
        %dma_wait3A_764 = arith.constant 0 : i32
        %dma_wait3A_765 = tpu.memref_slice %arg7[%run_scoped3A_627, %dma_wait3A_764] : memref<4x128xi32, #tpu.memory_space<vmem>> -> memref<1x128xi32, #tpu.memory_space<vmem>>
        %dma_wait3A_766 = tpu.memref_squeeze %dma_wait3A_765 : memref<1x128xi32, #tpu.memory_space<vmem>> -> memref<128xi32, #tpu.memory_space<vmem>>
        %dma_wait3A_767 = arith.constant 0 : i32
        %dma_wait3A_768 = arith.constant 0 : i32
        %dma_wait3A_769 = tpu.memref_slice %arg10[%dma_wait3A_767, %dma_wait3A_768] : memref<10240x128xf32, #tpu.memory_space<vmem_shared>> -> memref<10240x128xf32, #tpu.memory_space<vmem_shared>>
        tpu.wait_indirect_dma semaphore(%run_scoped3A_757 : memref<!tpu.dma_semaphore, #tpu.memory_space<semaphore_mem>>) src(%arg9 : memref<128x128xf32, #tpu.memory_space<vmem>>) dst(%dma_wait3A_769 : memref<10240x128xf32, #tpu.memory_space<vmem_shared>>)
        tpu.yield
      }) : () -> ()
      %add3A_628 = arith.constant 2 : i32
      %add3A_629 = arith.addi %add3A_515, %add3A_628 : i32
      %jit3A_630 = arith.constant 80 : i32
      %eq3A_631 = arith.constant 0 : i32
      %eq3A_632 = arith.cmpi eq, %jit3A_630, %eq3A_631 : i32
      %jit3A_633 = arith.constant 1 : i32
      %select_n3A_634 = arith.select %eq3A_632, %jit3A_633, %jit3A_630 : i32
      %rem3A_635 = arith.remsi %add3A_629, %select_n3A_634 : i32
      %ne3A_636 = arith.constant 0 : i32
      %ne3A_637 = arith.cmpi ne, %rem3A_635, %ne3A_636 : i32
      %lt3A_638 = arith.constant 0 : i32
      %lt3A_639 = arith.cmpi slt, %rem3A_635, %lt3A_638 : i32
      %lt3A_640 = arith.constant 0 : i32
      %lt3A_641 = arith.cmpi slt, %select_n3A_634, %lt3A_640 : i32
      %ne3A_642 = arith.xori %lt3A_639, %lt3A_641 : i1
      %and3A_643 = arith.andi %ne3A_642, %ne3A_637 : i1
      %add3A_644 = arith.addi %rem3A_635, %select_n3A_634 : i32
      %select_n3A_645 = arith.select %and3A_643, %add3A_644, %rem3A_635 : i32
      %get3A_646 = arith.index_cast %select_n3A_645 : i32 to index
      %get3A_647 = arith.constant 0 : index
      %get3A_648 = tpu.vector_load %arg6[%get3A_646, %get3A_647] {strides = array<i32>} : memref<80x128xi32, #tpu.memory_space<vmem>>, vector<1x16xi32>,
      %get3A_649 = vector.shape_cast %get3A_648 : vector<1x16xi32> to vector<16xi32>
      %and3A_650 = arith.constant 16383 : i32
      %and3A_651 = vector.broadcast %and3A_650 : i32 to vector<16xi32>
      %and3A_652 = arith.andi %get3A_649, %and3A_651 : vector<16xi32>
      %swap3A_653 = arith.constant 1 : i32
      %swap3A_654 = arith.index_cast %swap3A_653 : i32 to index
      %swap3A_655 = arith.constant 0 : index
      %swap3A_656 = tpu.vector_load %arg7[%swap3A_654, %swap3A_655] {strides = array<i32>} : memref<4x128xi32, #tpu.memory_space<vmem>>, vector<1x16xi32>,
      %swap3A_657 = vector.shape_cast %swap3A_656 : vector<1x16xi32> to vector<16xi32>
      %swap3A_658 = vector.shape_cast %and3A_652 : vector<16xi32> to vector<1x16xi32>
      tpu.vector_store %arg7[%swap3A_654, %swap3A_655], %swap3A_658 {strides = array<i32>} : memref<4x128xi32, #tpu.memory_space<vmem>>, vector<1x16xi32>,
      %get3A_659 = arith.index_cast %select_n3A_645 : i32 to index
      %get3A_660 = arith.constant 16 : index
      %get3A_661 = tpu.vector_load %arg6[%get3A_659, %get3A_660] {strides = array<i32>} : memref<80x128xi32, #tpu.memory_space<vmem>>, vector<1x16xi32>,
      %get3A_662 = vector.shape_cast %get3A_661 : vector<1x16xi32> to vector<16xi32>
      %and3A_663 = arith.constant 16383 : i32
      %and3A_664 = vector.broadcast %and3A_663 : i32 to vector<16xi32>
      %and3A_665 = arith.andi %get3A_662, %and3A_664 : vector<16xi32>
      %swap3A_666 = arith.constant 1 : i32
      %swap3A_667 = arith.index_cast %swap3A_666 : i32 to index
      %swap3A_668 = arith.constant 16 : index
      %swap3A_669 = tpu.vector_load %arg7[%swap3A_667, %swap3A_668] {strides = array<i32>} : memref<4x128xi32, #tpu.memory_space<vmem>>, vector<1x16xi32>,
      %swap3A_670 = vector.shape_cast %swap3A_669 : vector<1x16xi32> to vector<16xi32>
      %swap3A_671 = vector.shape_cast %and3A_665 : vector<16xi32> to vector<1x16xi32>
      tpu.vector_store %arg7[%swap3A_667, %swap3A_668], %swap3A_671 {strides = array<i32>} : memref<4x128xi32, #tpu.memory_space<vmem>>, vector<1x16xi32>,
      %get3A_672 = arith.index_cast %select_n3A_645 : i32 to index
      %get3A_673 = arith.constant 32 : index
      %get3A_674 = tpu.vector_load %arg6[%get3A_672, %get3A_673] {strides = array<i32>} : memref<80x128xi32, #tpu.memory_space<vmem>>, vector<1x16xi32>,
      %get3A_675 = vector.shape_cast %get3A_674 : vector<1x16xi32> to vector<16xi32>
      %and3A_676 = arith.constant 16383 : i32
      %and3A_677 = vector.broadcast %and3A_676 : i32 to vector<16xi32>
      %and3A_678 = arith.andi %get3A_675, %and3A_677 : vector<16xi32>
      %swap3A_679 = arith.constant 1 : i32
      %swap3A_680 = arith.index_cast %swap3A_679 : i32 to index
      %swap3A_681 = arith.constant 32 : index
      %swap3A_682 = tpu.vector_load %arg7[%swap3A_680, %swap3A_681] {strides = array<i32>} : memref<4x128xi32, #tpu.memory_space<vmem>>, vector<1x16xi32>,
      %swap3A_683 = vector.shape_cast %swap3A_682 : vector<1x16xi32> to vector<16xi32>
      %swap3A_684 = vector.shape_cast %and3A_678 : vector<16xi32> to vector<1x16xi32>
      tpu.vector_store %arg7[%swap3A_680, %swap3A_681], %swap3A_684 {strides = array<i32>} : memref<4x128xi32, #tpu.memory_space<vmem>>, vector<1x16xi32>,
      %get3A_685 = arith.index_cast %select_n3A_645 : i32 to index
      %get3A_686 = arith.constant 48 : index
      %get3A_687 = tpu.vector_load %arg6[%get3A_685, %get3A_686] {strides = array<i32>} : memref<80x128xi32, #tpu.memory_space<vmem>>, vector<1x16xi32>,
      %get3A_688 = vector.shape_cast %get3A_687 : vector<1x16xi32> to vector<16xi32>
      %and3A_689 = arith.constant 16383 : i32
      %and3A_690 = vector.broadcast %and3A_689 : i32 to vector<16xi32>
      %and3A_691 = arith.andi %get3A_688, %and3A_690 : vector<16xi32>
      %swap3A_692 = arith.constant 1 : i32
      %swap3A_693 = arith.index_cast %swap3A_692 : i32 to index
      %swap3A_694 = arith.constant 48 : index
      %swap3A_695 = tpu.vector_load %arg7[%swap3A_693, %swap3A_694] {strides = array<i32>} : memref<4x128xi32, #tpu.memory_space<vmem>>, vector<1x16xi32>,
      %swap3A_696 = vector.shape_cast %swap3A_695 : vector<1x16xi32> to vector<16xi32>
      %swap3A_697 = vector.shape_cast %and3A_691 : vector<16xi32> to vector<1x16xi32>
      tpu.vector_store %arg7[%swap3A_693, %swap3A_694], %swap3A_697 {strides = array<i32>} : memref<4x128xi32, #tpu.memory_space<vmem>>, vector<1x16xi32>,
      %get3A_698 = arith.index_cast %select_n3A_645 : i32 to index
      %get3A_699 = arith.constant 64 : index
      %get3A_700 = tpu.vector_load %arg6[%get3A_698, %get3A_699] {strides = array<i32>} : memref<80x128xi32, #tpu.memory_space<vmem>>, vector<1x16xi32>,
      %get3A_701 = vector.shape_cast %get3A_700 : vector<1x16xi32> to vector<16xi32>
      %and3A_702 = arith.constant 16383 : i32
      %and3A_703 = vector.broadcast %and3A_702 : i32 to vector<16xi32>
      %and3A_704 = arith.andi %get3A_701, %and3A_703 : vector<16xi32>
      %swap3A_705 = arith.constant 1 : i32
      %swap3A_706 = arith.index_cast %swap3A_705 : i32 to index
      %swap3A_707 = arith.constant 64 : index
      %swap3A_708 = tpu.vector_load %arg7[%swap3A_706, %swap3A_707] {strides = array<i32>} : memref<4x128xi32, #tpu.memory_space<vmem>>, vector<1x16xi32>,
      %swap3A_709 = vector.shape_cast %swap3A_708 : vector<1x16xi32> to vector<16xi32>
      %swap3A_710 = vector.shape_cast %and3A_704 : vector<16xi32> to vector<1x16xi32>
      tpu.vector_store %arg7[%swap3A_706, %swap3A_707], %swap3A_710 {strides = array<i32>} : memref<4x128xi32, #tpu.memory_space<vmem>>, vector<1x16xi32>,
      %get3A_711 = arith.index_cast %select_n3A_645 : i32 to index
      %get3A_712 = arith.constant 80 : index
      %get3A_713 = tpu.vector_load %arg6[%get3A_711, %get3A_712] {strides = array<i32>} : memref<80x128xi32, #tpu.memory_space<vmem>>, vector<1x16xi32>,
      %get3A_714 = vector.shape_cast %get3A_713 : vector<1x16xi32> to vector<16xi32>
      %and3A_715 = arith.constant 16383 : i32
      %and3A_716 = vector.broadcast %and3A_715 : i32 to vector<16xi32>
      %and3A_717 = arith.andi %get3A_714, %and3A_716 : vector<16xi32>
      %swap3A_718 = arith.constant 1 : i32
      %swap3A_719 = arith.index_cast %swap3A_718 : i32 to index
      %swap3A_720 = arith.constant 80 : index
      %swap3A_721 = tpu.vector_load %arg7[%swap3A_719, %swap3A_720] {strides = array<i32>} : memref<4x128xi32, #tpu.memory_space<vmem>>, vector<1x16xi32>,
      %swap3A_722 = vector.shape_cast %swap3A_721 : vector<1x16xi32> to vector<16xi32>
      %swap3A_723 = vector.shape_cast %and3A_717 : vector<16xi32> to vector<1x16xi32>
      tpu.vector_store %arg7[%swap3A_719, %swap3A_720], %swap3A_723 {strides = array<i32>} : memref<4x128xi32, #tpu.memory_space<vmem>>, vector<1x16xi32>,
      %get3A_724 = arith.index_cast %select_n3A_645 : i32 to index
      %get3A_725 = arith.constant 96 : index
      %get3A_726 = tpu.vector_load %arg6[%get3A_724, %get3A_725] {strides = array<i32>} : memref<80x128xi32, #tpu.memory_space<vmem>>, vector<1x16xi32>,
      %get3A_727 = vector.shape_cast %get3A_726 : vector<1x16xi32> to vector<16xi32>
      %and3A_728 = arith.constant 16383 : i32
      %and3A_729 = vector.broadcast %and3A_728 : i32 to vector<16xi32>
      %and3A_730 = arith.andi %get3A_727, %and3A_729 : vector<16xi32>
      %swap3A_731 = arith.constant 1 : i32
      %swap3A_732 = arith.index_cast %swap3A_731 : i32 to index
      %swap3A_733 = arith.constant 96 : index
      %swap3A_734 = tpu.vector_load %arg7[%swap3A_732, %swap3A_733] {strides = array<i32>} : memref<4x128xi32, #tpu.memory_space<vmem>>, vector<1x16xi32>,
      %swap3A_735 = vector.shape_cast %swap3A_734 : vector<1x16xi32> to vector<16xi32>
      %swap3A_736 = vector.shape_cast %and3A_730 : vector<16xi32> to vector<1x16xi32>
      tpu.vector_store %arg7[%swap3A_732, %swap3A_733], %swap3A_736 {strides = array<i32>} : memref<4x128xi32, #tpu.memory_space<vmem>>, vector<1x16xi32>,
      %get3A_737 = arith.index_cast %select_n3A_645 : i32 to index
      %get3A_738 = arith.constant 112 : index
      %get3A_739 = tpu.vector_load %arg6[%get3A_737, %get3A_738] {strides = array<i32>} : memref<80x128xi32, #tpu.memory_space<vmem>>, vector<1x16xi32>,
      %get3A_740 = vector.shape_cast %get3A_739 : vector<1x16xi32> to vector<16xi32>
      %and3A_741 = arith.constant 16383 : i32
      %and3A_742 = vector.broadcast %and3A_741 : i32 to vector<16xi32>
      %and3A_743 = arith.andi %get3A_740, %and3A_742 : vector<16xi32>
      %swap3A_744 = arith.constant 1 : i32
      %swap3A_745 = arith.index_cast %swap3A_744 : i32 to index
      %swap3A_746 = arith.constant 112 : index
      %swap3A_747 = tpu.vector_load %arg7[%swap3A_745, %swap3A_746] {strides = array<i32>} : memref<4x128xi32, #tpu.memory_space<vmem>>, vector<1x16xi32>,
      %swap3A_748 = vector.shape_cast %swap3A_747 : vector<1x16xi32> to vector<16xi32>
      %swap3A_749 = vector.shape_cast %and3A_743 : vector<16xi32> to vector<1x16xi32>
      tpu.vector_store %arg7[%swap3A_745, %swap3A_746], %swap3A_749 {strides = array<i32>} : memref<4x128xi32, #tpu.memory_space<vmem>>, vector<1x16xi32>,
      %dma_start3A_750 = arith.constant 1 : i32
      %dma_start3A_751 = arith.constant 0 : i32
      %dma_start3A_752 = tpu.memref_slice %arg7[%dma_start3A_750, %dma_start3A_751] : memref<4x128xi32, #tpu.memory_space<vmem>> -> memref<1x128xi32, #tpu.memory_space<vmem>>
      %dma_start3A_753 = tpu.memref_squeeze %dma_start3A_752 : memref<1x128xi32, #tpu.memory_space<vmem>> -> memref<128xi32, #tpu.memory_space<vmem>>
      %dma_start3A_754 = arith.constant 0 : i32
      %dma_start3A_755 = arith.constant 0 : i32
      %dma_start3A_756 = tpu.memref_slice %arg2[%dma_start3A_754, %dma_start3A_755] : memref<10000x128xf32, #tpu.memory_space<hbm>> -> memref<10000x128xf32, #tpu.memory_space<hbm>>
      tpu.enqueue_indirect_dma source(%dma_start3A_756 : memref<10000x128xf32, #tpu.memory_space<hbm>>) target(%arg9 : memref<128x128xf32, #tpu.memory_space<vmem>>) offsets(%dma_start3A_753 : memref<128xi32, #tpu.memory_space<vmem>>) semaphore(%arg12 : memref<!tpu.dma_semaphore, #tpu.memory_space<semaphore_mem>>)
    }
    %scan3A_259 = arith.constant 40 : i32
    %dma_wait3A = arith.constant 0 : i32
    %dma_wait3A_260 = arith.constant 0 : i32
    %dma_wait3A_261 = tpu.memref_slice %arg7[%dma_wait3A, %dma_wait3A_260] : memref<4x128xi32, #tpu.memory_space<vmem>> -> memref<1x128xi32, #tpu.memory_space<vmem>>
    %dma_wait3A_262 = tpu.memref_squeeze %dma_wait3A_261 : memref<1x128xi32, #tpu.memory_space<vmem>> -> memref<128xi32, #tpu.memory_space<vmem>>
    %dma_wait3A_263 = arith.constant 0 : i32
    %dma_wait3A_264 = arith.constant 0 : i32
    %dma_wait3A_265 = tpu.memref_slice %arg2[%dma_wait3A_263, %dma_wait3A_264] : memref<10000x128xf32, #tpu.memory_space<hbm>> -> memref<10000x128xf32, #tpu.memory_space<hbm>>
    tpu.wait_indirect_dma semaphore(%arg11 : memref<!tpu.dma_semaphore, #tpu.memory_space<semaphore_mem>>) src(%dma_wait3A_265 : memref<10000x128xf32, #tpu.memory_space<hbm>>) dst(%arg8 : memref<128x128xf32, #tpu.memory_space<vmem>>)
    %dma_wait3A_266 = arith.constant 1 : i32
    %dma_wait3A_267 = arith.constant 0 : i32
    %dma_wait3A_268 = tpu.memref_slice %arg7[%dma_wait3A_266, %dma_wait3A_267] : memref<4x128xi32, #tpu.memory_space<vmem>> -> memref<1x128xi32, #tpu.memory_space<vmem>>
    %dma_wait3A_269 = tpu.memref_squeeze %dma_wait3A_268 : memref<1x128xi32, #tpu.memory_space<vmem>> -> memref<128xi32, #tpu.memory_space<vmem>>
    %dma_wait3A_270 = arith.constant 0 : i32
    %dma_wait3A_271 = arith.constant 0 : i32
    %dma_wait3A_272 = tpu.memref_slice %arg2[%dma_wait3A_270, %dma_wait3A_271] : memref<10000x128xf32, #tpu.memory_space<hbm>> -> memref<10000x128xf32, #tpu.memory_space<hbm>>
    tpu.wait_indirect_dma semaphore(%arg12 : memref<!tpu.dma_semaphore, #tpu.memory_space<semaphore_mem>>) src(%dma_wait3A_272 : memref<10000x128xf32, #tpu.memory_space<hbm>>) dst(%arg9 : memref<128x128xf32, #tpu.memory_space<vmem>>)
    %barrier3A_273 = arith.constant 0 : index
    tpu.barrier barrier_id(%barrier3A_273)
    %mul3A_274 = arith.constant 640 : i32
    %mul3A_275 = arith.muli %arg1, %mul3A_274 : i32
    %mul3A_276 = arith.constant 640 : i32
    %mul3A_277 = arith.muli %arg1, %mul3A_276 : i32
    "tpu.region"() ({
      %run_scoped3A = tpu.sem_alloc : memref<!tpu.dma_semaphore, #tpu.memory_space<semaphore_mem>>
      %dma_start3A_278 = arith.constant 0 : i32
      %dma_start3A_279 = tpu.memref_slice %arg5[%arg0, %mul3A_277, %dma_start3A_278] : memref<2x10240x128xf32, #tpu.memory_space<hbm>> -> memref<1x640x128xf32, #tpu.memory_space<hbm>>
      %dma_start3A_280 = tpu.memref_squeeze %dma_start3A_279 : memref<1x640x128xf32, #tpu.memory_space<hbm>> -> memref<640x128xf32, #tpu.memory_space<hbm>>
      %dma_start3A_281 = arith.constant 0 : i32
      %dma_start3A_282 = tpu.memref_slice %arg10[%mul3A_275, %dma_start3A_281] : memref<10240x128xf32, #tpu.memory_space<vmem_shared>> -> memref<640x128xf32, #tpu.memory_space<vmem_shared>>
      tpu.enqueue_dma source(%dma_start3A_282 : memref<640x128xf32, #tpu.memory_space<vmem_shared>>) target(%dma_start3A_280 : memref<640x128xf32, #tpu.memory_space<hbm>>) target_semaphore(%run_scoped3A : memref<!tpu.dma_semaphore, #tpu.memory_space<semaphore_mem>>)
      %dma_wait3A_283 = arith.constant 0 : i32
      %dma_wait3A_284 = tpu.memref_slice %arg5[%arg0, %mul3A_277, %dma_wait3A_283] : memref<2x10240x128xf32, #tpu.memory_space<hbm>> -> memref<1x640x128xf32, #tpu.memory_space<hbm>>
      %dma_wait3A_285 = tpu.memref_squeeze %dma_wait3A_284 : memref<1x640x128xf32, #tpu.memory_space<hbm>> -> memref<640x128xf32, #tpu.memory_space<hbm>>
      %dma_wait3A_286 = arith.constant 0 : i32
      %dma_wait3A_287 = tpu.memref_slice %arg10[%mul3A_275, %dma_wait3A_286] : memref<10240x128xf32, #tpu.memory_space<vmem_shared>> -> memref<640x128xf32, #tpu.memory_space<vmem_shared>>
      tpu.wait_dma2 semaphore(%run_scoped3A : memref<!tpu.dma_semaphore, #tpu.memory_space<semaphore_mem>>) src(%dma_wait3A_287 : memref<640x128xf32, #tpu.memory_space<vmem_shared>>) dst(%dma_wait3A_285 : memref<640x128xf32, #tpu.memory_space<hbm>>)
      tpu.yield
    }) : () -> ()
    return
  }
}

#map = affine_map<(d0, d1) -> (0, 0)>
#map1 = affine_map<(d0, d1) -> (0, 0, 0)>
module attributes {stable_mosaic.version = 14 : i64} {
  func.func @_sc_segsum_body(%arg0: i32, %arg1: i32, %arg2: memref<10000x128xf32, #tpu.memory_space<hbm>>, %arg3: memref<32x80x128xi32, #tpu.memory_space<hbm>>, %arg4: memref<128x128xf32, #tpu.memory_space<hbm>>, %arg5: memref<2x10240x128xf32, #tpu.memory_space<hbm>>, %arg6: memref<80x128xi32, #tpu.memory_space<vmem>>, %arg7: memref<4x128xi32, #tpu.memory_space<vmem>>, %arg8: memref<128x128xf32, #tpu.memory_space<vmem>>, %arg9: memref<128x128xf32, #tpu.memory_space<vmem>>, %arg10: memref<10240x128xf32, #tpu.memory_space<vmem_shared>>, %arg11: memref<!tpu.dma_semaphore, #tpu.memory_space<semaphore_mem>>, %arg12: memref<!tpu.dma_semaphore, #tpu.memory_space<semaphore_mem>>) attributes {dimension_semantics = [#tpu.dimension_semantics<core_parallel>, #tpu.dimension_semantics<subcore_parallel>], iteration_bounds = array<i64: 2, 16>, scalar_prefetch = 0 : i64, scratch_operands = 7 : i64, tpu.core_type = #tpu.core_type<sc_vector_subcore>, window_params = [{transform_indices = #map}, {transform_indices = #map1}, {transform_indices = #map}, {transform_indices = #map1}]} {
    %mul3A = arith.constant 16 : i32
    %mul3A_0 = arith.muli %arg0, %mul3A : i32
    %add3A = arith.addi %mul3A_0, %arg1 : i32
    %mul3A_1 = arith.constant 640 : i32
    %mul3A_2 = arith.muli %arg1, %mul3A_1 : i32
    %add3A_3 = arith.constant 0 : i32
    %add3A_4 = arith.addi %mul3A_2, %add3A_3 : i32
    "tpu.region"() ({
      %run_scoped3A = tpu.sem_alloc : memref<!tpu.dma_semaphore, #tpu.memory_space<semaphore_mem>>
      %dma_start3A_278 = arith.constant 0 : i32
      %dma_start3A_279 = tpu.memref_slice %arg10[%add3A_4, %dma_start3A_278] : memref<10240x128xf32, #tpu.memory_space<vmem_shared>> -> memref<128x128xf32, #tpu.memory_space<vmem_shared>>
      tpu.enqueue_dma source(%arg4 : memref<128x128xf32, #tpu.memory_space<hbm>>) target(%dma_start3A_279 : memref<128x128xf32, #tpu.memory_space<vmem_shared>>) target_semaphore(%run_scoped3A : memref<!tpu.dma_semaphore, #tpu.memory_space<semaphore_mem>>)
      %dma_wait3A_280 = arith.constant 0 : i32
      %dma_wait3A_281 = tpu.memref_slice %arg10[%add3A_4, %dma_wait3A_280] : memref<10240x128xf32, #tpu.memory_space<vmem_shared>> -> memref<128x128xf32, #tpu.memory_space<vmem_shared>>
      tpu.wait_dma2 semaphore(%run_scoped3A : memref<!tpu.dma_semaphore, #tpu.memory_space<semaphore_mem>>) src(%arg4 : memref<128x128xf32, #tpu.memory_space<hbm>>) dst(%dma_wait3A_281 : memref<128x128xf32, #tpu.memory_space<vmem_shared>>)
      tpu.yield
    }) : () -> ()
    %mul3A_5 = arith.constant 640 : i32
    %mul3A_6 = arith.muli %arg1, %mul3A_5 : i32
    %add3A_7 = arith.constant 128 : i32
    %add3A_8 = arith.addi %mul3A_6, %add3A_7 : i32
    "tpu.region"() ({
      %run_scoped3A = tpu.sem_alloc : memref<!tpu.dma_semaphore, #tpu.memory_space<semaphore_mem>>
      %dma_start3A_278 = arith.constant 0 : i32
      %dma_start3A_279 = tpu.memref_slice %arg10[%add3A_8, %dma_start3A_278] : memref<10240x128xf32, #tpu.memory_space<vmem_shared>> -> memref<128x128xf32, #tpu.memory_space<vmem_shared>>
      tpu.enqueue_dma source(%arg4 : memref<128x128xf32, #tpu.memory_space<hbm>>) target(%dma_start3A_279 : memref<128x128xf32, #tpu.memory_space<vmem_shared>>) target_semaphore(%run_scoped3A : memref<!tpu.dma_semaphore, #tpu.memory_space<semaphore_mem>>)
      %dma_wait3A_280 = arith.constant 0 : i32
      %dma_wait3A_281 = tpu.memref_slice %arg10[%add3A_8, %dma_wait3A_280] : memref<10240x128xf32, #tpu.memory_space<vmem_shared>> -> memref<128x128xf32, #tpu.memory_space<vmem_shared>>
      tpu.wait_dma2 semaphore(%run_scoped3A : memref<!tpu.dma_semaphore, #tpu.memory_space<semaphore_mem>>) src(%arg4 : memref<128x128xf32, #tpu.memory_space<hbm>>) dst(%dma_wait3A_281 : memref<128x128xf32, #tpu.memory_space<vmem_shared>>)
      tpu.yield
    }) : () -> ()
    %mul3A_9 = arith.constant 640 : i32
    %mul3A_10 = arith.muli %arg1, %mul3A_9 : i32
    %add3A_11 = arith.constant 256 : i32
    %add3A_12 = arith.addi %mul3A_10, %add3A_11 : i32
    "tpu.region"() ({
      %run_scoped3A = tpu.sem_alloc : memref<!tpu.dma_semaphore, #tpu.memory_space<semaphore_mem>>
      %dma_start3A_278 = arith.constant 0 : i32
      %dma_start3A_279 = tpu.memref_slice %arg10[%add3A_12, %dma_start3A_278] : memref<10240x128xf32, #tpu.memory_space<vmem_shared>> -> memref<128x128xf32, #tpu.memory_space<vmem_shared>>
      tpu.enqueue_dma source(%arg4 : memref<128x128xf32, #tpu.memory_space<hbm>>) target(%dma_start3A_279 : memref<128x128xf32, #tpu.memory_space<vmem_shared>>) target_semaphore(%run_scoped3A : memref<!tpu.dma_semaphore, #tpu.memory_space<semaphore_mem>>)
      %dma_wait3A_280 = arith.constant 0 : i32
      %dma_wait3A_281 = tpu.memref_slice %arg10[%add3A_12, %dma_wait3A_280] : memref<10240x128xf32, #tpu.memory_space<vmem_shared>> -> memref<128x128xf32, #tpu.memory_space<vmem_shared>>
      tpu.wait_dma2 semaphore(%run_scoped3A : memref<!tpu.dma_semaphore, #tpu.memory_space<semaphore_mem>>) src(%arg4 : memref<128x128xf32, #tpu.memory_space<hbm>>) dst(%dma_wait3A_281 : memref<128x128xf32, #tpu.memory_space<vmem_shared>>)
      tpu.yield
    }) : () -> ()
    %mul3A_13 = arith.constant 640 : i32
    %mul3A_14 = arith.muli %arg1, %mul3A_13 : i32
    %add3A_15 = arith.constant 384 : i32
    %add3A_16 = arith.addi %mul3A_14, %add3A_15 : i32
    "tpu.region"() ({
      %run_scoped3A = tpu.sem_alloc : memref<!tpu.dma_semaphore, #tpu.memory_space<semaphore_mem>>
      %dma_start3A_278 = arith.constant 0 : i32
      %dma_start3A_279 = tpu.memref_slice %arg10[%add3A_16, %dma_start3A_278] : memref<10240x128xf32, #tpu.memory_space<vmem_shared>> -> memref<128x128xf32, #tpu.memory_space<vmem_shared>>
      tpu.enqueue_dma source(%arg4 : memref<128x128xf32, #tpu.memory_space<hbm>>) target(%dma_start3A_279 : memref<128x128xf32, #tpu.memory_space<vmem_shared>>) target_semaphore(%run_scoped3A : memref<!tpu.dma_semaphore, #tpu.memory_space<semaphore_mem>>)
      %dma_wait3A_280 = arith.constant 0 : i32
      %dma_wait3A_281 = tpu.memref_slice %arg10[%add3A_16, %dma_wait3A_280] : memref<10240x128xf32, #tpu.memory_space<vmem_shared>> -> memref<128x128xf32, #tpu.memory_space<vmem_shared>>
      tpu.wait_dma2 semaphore(%run_scoped3A : memref<!tpu.dma_semaphore, #tpu.memory_space<semaphore_mem>>) src(%arg4 : memref<128x128xf32, #tpu.memory_space<hbm>>) dst(%dma_wait3A_281 : memref<128x128xf32, #tpu.memory_space<vmem_shared>>)
      tpu.yield
    }) : () -> ()
    %mul3A_17 = arith.constant 640 : i32
    %mul3A_18 = arith.muli %arg1, %mul3A_17 : i32
    %add3A_19 = arith.constant 512 : i32
    %add3A_20 = arith.addi %mul3A_18, %add3A_19 : i32
    "tpu.region"() ({
      %run_scoped3A = tpu.sem_alloc : memref<!tpu.dma_semaphore, #tpu.memory_space<semaphore_mem>>
      %dma_start3A_278 = arith.constant 0 : i32
      %dma_start3A_279 = tpu.memref_slice %arg10[%add3A_20, %dma_start3A_278] : memref<10240x128xf32, #tpu.memory_space<vmem_shared>> -> memref<128x128xf32, #tpu.memory_space<vmem_shared>>
      tpu.enqueue_dma source(%arg4 : memref<128x128xf32, #tpu.memory_space<hbm>>) target(%dma_start3A_279 : memref<128x128xf32, #tpu.memory_space<vmem_shared>>) target_semaphore(%run_scoped3A : memref<!tpu.dma_semaphore, #tpu.memory_space<semaphore_mem>>)
      %dma_wait3A_280 = arith.constant 0 : i32
      %dma_wait3A_281 = tpu.memref_slice %arg10[%add3A_20, %dma_wait3A_280] : memref<10240x128xf32, #tpu.memory_space<vmem_shared>> -> memref<128x128xf32, #tpu.memory_space<vmem_shared>>
      tpu.wait_dma2 semaphore(%run_scoped3A : memref<!tpu.dma_semaphore, #tpu.memory_space<semaphore_mem>>) src(%arg4 : memref<128x128xf32, #tpu.memory_space<hbm>>) dst(%dma_wait3A_281 : memref<128x128xf32, #tpu.memory_space<vmem_shared>>)
      tpu.yield
    }) : () -> ()
    "tpu.region"() ({
      %run_scoped3A = tpu.sem_alloc : memref<!tpu.dma_semaphore, #tpu.memory_space<semaphore_mem>>
      %dma_start3A_278 = arith.constant 0 : i32
      %dma_start3A_279 = arith.constant 0 : i32
      %dma_start3A_280 = tpu.memref_slice %arg3[%add3A, %dma_start3A_278, %dma_start3A_279] : memref<32x80x128xi32, #tpu.memory_space<hbm>> -> memref<1x80x128xi32, #tpu.memory_space<hbm>>
      %dma_start3A_281 = tpu.memref_squeeze %dma_start3A_280 : memref<1x80x128xi32, #tpu.memory_space<hbm>> -> memref<80x128xi32, #tpu.memory_space<hbm>>
      %dma_start3A_282 = arith.constant 0 : i32
      %dma_start3A_283 = arith.constant 0 : i32
      %dma_start3A_284 = tpu.memref_slice %arg3[%add3A, %dma_start3A_282, %dma_start3A_283] : memref<32x80x128xi32, #tpu.memory_space<hbm>> -> memref<1x80x128xi32, #tpu.memory_space<hbm>>
      %dma_start3A_285 = tpu.memref_squeeze %dma_start3A_284 : memref<1x80x128xi32, #tpu.memory_space<hbm>> -> memref<80x128xi32, #tpu.memory_space<hbm>>
      tpu.enqueue_dma source(%dma_start3A_285 : memref<80x128xi32, #tpu.memory_space<hbm>>) target(%arg6 : memref<80x128xi32, #tpu.memory_space<vmem>>) target_semaphore(%run_scoped3A : memref<!tpu.dma_semaphore, #tpu.memory_space<semaphore_mem>>)
      %dma_wait3A_286 = arith.constant 0 : i32
      %dma_wait3A_287 = arith.constant 0 : i32
      %dma_wait3A_288 = tpu.memref_slice %arg3[%add3A, %dma_wait3A_286, %dma_wait3A_287] : memref<32x80x128xi32, #tpu.memory_space<hbm>> -> memref<1x80x128xi32, #tpu.memory_space<hbm>>
      %dma_wait3A_289 = tpu.memref_squeeze %dma_wait3A_288 : memref<1x80x128xi32, #tpu.memory_space<hbm>> -> memref<80x128xi32, #tpu.memory_space<hbm>>
      %dma_wait3A_290 = arith.constant 0 : i32
      %dma_wait3A_291 = arith.constant 0 : i32
      %dma_wait3A_292 = tpu.memref_slice %arg3[%add3A, %dma_wait3A_290, %dma_wait3A_291] : memref<32x80x128xi32, #tpu.memory_space<hbm>> -> memref<1x80x128xi32, #tpu.memory_space<hbm>>
      %dma_wait3A_293 = tpu.memref_squeeze %dma_wait3A_292 : memref<1x80x128xi32, #tpu.memory_space<hbm>> -> memref<80x128xi32, #tpu.memory_space<hbm>>
      tpu.wait_dma2 semaphore(%run_scoped3A : memref<!tpu.dma_semaphore, #tpu.memory_space<semaphore_mem>>) src(%dma_wait3A_293 : memref<80x128xi32, #tpu.memory_space<hbm>>) dst(%arg6 : memref<80x128xi32, #tpu.memory_space<vmem>>)
      tpu.yield
    }) : () -> ()
    %barrier3A = arith.constant 0 : index
    tpu.barrier barrier_id(%barrier3A)
    %get3A = arith.constant 0 : i32
    %get3A_21 = arith.index_cast %get3A : i32 to index
    %get3A_22 = arith.constant 0 : index
    %get3A_23 = tpu.vector_load %arg6[%get3A_21, %get3A_22] {strides = array<i32>} : memref<80x128xi32, #tpu.memory_space<vmem>>, vector<1x16xi32>,
    %get3A_24 = vector.shape_cast %get3A_23 : vector<1x16xi32> to vector<16xi32>
    %and3A = arith.constant 16383 : i32
    %and3A_25 = vector.broadcast %and3A : i32 to vector<16xi32>
    %and3A_26 = arith.andi %get3A_24, %and3A_25 : vector<16xi32>
    %swap3A = arith.constant 0 : i32
    %swap3A_27 = arith.index_cast %swap3A : i32 to index
    %swap3A_28 = arith.constant 0 : index
    %swap3A_29 = tpu.vector_load %arg7[%swap3A_27, %swap3A_28] {strides = array<i32>} : memref<4x128xi32, #tpu.memory_space<vmem>>, vector<1x16xi32>,
    %swap3A_30 = vector.shape_cast %swap3A_29 : vector<1x16xi32> to vector<16xi32>
    %swap3A_31 = vector.shape_cast %and3A_26 : vector<16xi32> to vector<1x16xi32>
    tpu.vector_store %arg7[%swap3A_27, %swap3A_28], %swap3A_31 {strides = array<i32>} : memref<4x128xi32, #tpu.memory_space<vmem>>, vector<1x16xi32>,
    %get3A_32 = arith.constant 0 : i32
    %get3A_33 = arith.index_cast %get3A_32 : i32 to index
    %get3A_34 = arith.constant 16 : index
    %get3A_35 = tpu.vector_load %arg6[%get3A_33, %get3A_34] {strides = array<i32>} : memref<80x128xi32, #tpu.memory_space<vmem>>, vector<1x16xi32>,
    %get3A_36 = vector.shape_cast %get3A_35 : vector<1x16xi32> to vector<16xi32>
    %and3A_37 = arith.constant 16383 : i32
    %and3A_38 = vector.broadcast %and3A_37 : i32 to vector<16xi32>
    %and3A_39 = arith.andi %get3A_36, %and3A_38 : vector<16xi32>
    %swap3A_40 = arith.constant 0 : i32
    %swap3A_41 = arith.index_cast %swap3A_40 : i32 to index
    %swap3A_42 = arith.constant 16 : index
    %swap3A_43 = tpu.vector_load %arg7[%swap3A_41, %swap3A_42] {strides = array<i32>} : memref<4x128xi32, #tpu.memory_space<vmem>>, vector<1x16xi32>,
    %swap3A_44 = vector.shape_cast %swap3A_43 : vector<1x16xi32> to vector<16xi32>
    %swap3A_45 = vector.shape_cast %and3A_39 : vector<16xi32> to vector<1x16xi32>
    tpu.vector_store %arg7[%swap3A_41, %swap3A_42], %swap3A_45 {strides = array<i32>} : memref<4x128xi32, #tpu.memory_space<vmem>>, vector<1x16xi32>,
    %get3A_46 = arith.constant 0 : i32
    %get3A_47 = arith.index_cast %get3A_46 : i32 to index
    %get3A_48 = arith.constant 32 : index
    %get3A_49 = tpu.vector_load %arg6[%get3A_47, %get3A_48] {strides = array<i32>} : memref<80x128xi32, #tpu.memory_space<vmem>>, vector<1x16xi32>,
    %get3A_50 = vector.shape_cast %get3A_49 : vector<1x16xi32> to vector<16xi32>
    %and3A_51 = arith.constant 16383 : i32
    %and3A_52 = vector.broadcast %and3A_51 : i32 to vector<16xi32>
    %and3A_53 = arith.andi %get3A_50, %and3A_52 : vector<16xi32>
    %swap3A_54 = arith.constant 0 : i32
    %swap3A_55 = arith.index_cast %swap3A_54 : i32 to index
    %swap3A_56 = arith.constant 32 : index
    %swap3A_57 = tpu.vector_load %arg7[%swap3A_55, %swap3A_56] {strides = array<i32>} : memref<4x128xi32, #tpu.memory_space<vmem>>, vector<1x16xi32>,
    %swap3A_58 = vector.shape_cast %swap3A_57 : vector<1x16xi32> to vector<16xi32>
    %swap3A_59 = vector.shape_cast %and3A_53 : vector<16xi32> to vector<1x16xi32>
    tpu.vector_store %arg7[%swap3A_55, %swap3A_56], %swap3A_59 {strides = array<i32>} : memref<4x128xi32, #tpu.memory_space<vmem>>, vector<1x16xi32>,
    %get3A_60 = arith.constant 0 : i32
    %get3A_61 = arith.index_cast %get3A_60 : i32 to index
    %get3A_62 = arith.constant 48 : index
    %get3A_63 = tpu.vector_load %arg6[%get3A_61, %get3A_62] {strides = array<i32>} : memref<80x128xi32, #tpu.memory_space<vmem>>, vector<1x16xi32>,
    %get3A_64 = vector.shape_cast %get3A_63 : vector<1x16xi32> to vector<16xi32>
    %and3A_65 = arith.constant 16383 : i32
    %and3A_66 = vector.broadcast %and3A_65 : i32 to vector<16xi32>
    %and3A_67 = arith.andi %get3A_64, %and3A_66 : vector<16xi32>
    %swap3A_68 = arith.constant 0 : i32
    %swap3A_69 = arith.index_cast %swap3A_68 : i32 to index
    %swap3A_70 = arith.constant 48 : index
    %swap3A_71 = tpu.vector_load %arg7[%swap3A_69, %swap3A_70] {strides = array<i32>} : memref<4x128xi32, #tpu.memory_space<vmem>>, vector<1x16xi32>,
    %swap3A_72 = vector.shape_cast %swap3A_71 : vector<1x16xi32> to vector<16xi32>
    %swap3A_73 = vector.shape_cast %and3A_67 : vector<16xi32> to vector<1x16xi32>
    tpu.vector_store %arg7[%swap3A_69, %swap3A_70], %swap3A_73 {strides = array<i32>} : memref<4x128xi32, #tpu.memory_space<vmem>>, vector<1x16xi32>,
    %get3A_74 = arith.constant 0 : i32
    %get3A_75 = arith.index_cast %get3A_74 : i32 to index
    %get3A_76 = arith.constant 64 : index
    %get3A_77 = tpu.vector_load %arg6[%get3A_75, %get3A_76] {strides = array<i32>} : memref<80x128xi32, #tpu.memory_space<vmem>>, vector<1x16xi32>,
    %get3A_78 = vector.shape_cast %get3A_77 : vector<1x16xi32> to vector<16xi32>
    %and3A_79 = arith.constant 16383 : i32
    %and3A_80 = vector.broadcast %and3A_79 : i32 to vector<16xi32>
    %and3A_81 = arith.andi %get3A_78, %and3A_80 : vector<16xi32>
    %swap3A_82 = arith.constant 0 : i32
    %swap3A_83 = arith.index_cast %swap3A_82 : i32 to index
    %swap3A_84 = arith.constant 64 : index
    %swap3A_85 = tpu.vector_load %arg7[%swap3A_83, %swap3A_84] {strides = array<i32>} : memref<4x128xi32, #tpu.memory_space<vmem>>, vector<1x16xi32>,
    %swap3A_86 = vector.shape_cast %swap3A_85 : vector<1x16xi32> to vector<16xi32>
    %swap3A_87 = vector.shape_cast %and3A_81 : vector<16xi32> to vector<1x16xi32>
    tpu.vector_store %arg7[%swap3A_83, %swap3A_84], %swap3A_87 {strides = array<i32>} : memref<4x128xi32, #tpu.memory_space<vmem>>, vector<1x16xi32>,
    %get3A_88 = arith.constant 0 : i32
    %get3A_89 = arith.index_cast %get3A_88 : i32 to index
    %get3A_90 = arith.constant 80 : index
    %get3A_91 = tpu.vector_load %arg6[%get3A_89, %get3A_90] {strides = array<i32>} : memref<80x128xi32, #tpu.memory_space<vmem>>, vector<1x16xi32>,
    %get3A_92 = vector.shape_cast %get3A_91 : vector<1x16xi32> to vector<16xi32>
    %and3A_93 = arith.constant 16383 : i32
    %and3A_94 = vector.broadcast %and3A_93 : i32 to vector<16xi32>
    %and3A_95 = arith.andi %get3A_92, %and3A_94 : vector<16xi32>
    %swap3A_96 = arith.constant 0 : i32
    %swap3A_97 = arith.index_cast %swap3A_96 : i32 to index
    %swap3A_98 = arith.constant 80 : index
    %swap3A_99 = tpu.vector_load %arg7[%swap3A_97, %swap3A_98] {strides = array<i32>} : memref<4x128xi32, #tpu.memory_space<vmem>>, vector<1x16xi32>,
    %swap3A_100 = vector.shape_cast %swap3A_99 : vector<1x16xi32> to vector<16xi32>
    %swap3A_101 = vector.shape_cast %and3A_95 : vector<16xi32> to vector<1x16xi32>
    tpu.vector_store %arg7[%swap3A_97, %swap3A_98], %swap3A_101 {strides = array<i32>} : memref<4x128xi32, #tpu.memory_space<vmem>>, vector<1x16xi32>,
    %get3A_102 = arith.constant 0 : i32
    %get3A_103 = arith.index_cast %get3A_102 : i32 to index
    %get3A_104 = arith.constant 96 : index
    %get3A_105 = tpu.vector_load %arg6[%get3A_103, %get3A_104] {strides = array<i32>} : memref<80x128xi32, #tpu.memory_space<vmem>>, vector<1x16xi32>,
    %get3A_106 = vector.shape_cast %get3A_105 : vector<1x16xi32> to vector<16xi32>
    %and3A_107 = arith.constant 16383 : i32
    %and3A_108 = vector.broadcast %and3A_107 : i32 to vector<16xi32>
    %and3A_109 = arith.andi %get3A_106, %and3A_108 : vector<16xi32>
    %swap3A_110 = arith.constant 0 : i32
    %swap3A_111 = arith.index_cast %swap3A_110 : i32 to index
    %swap3A_112 = arith.constant 96 : index
    %swap3A_113 = tpu.vector_load %arg7[%swap3A_111, %swap3A_112] {strides = array<i32>} : memref<4x128xi32, #tpu.memory_space<vmem>>, vector<1x16xi32>,
    %swap3A_114 = vector.shape_cast %swap3A_113 : vector<1x16xi32> to vector<16xi32>
    %swap3A_115 = vector.shape_cast %and3A_109 : vector<16xi32> to vector<1x16xi32>
    tpu.vector_store %arg7[%swap3A_111, %swap3A_112], %swap3A_115 {strides = array<i32>} : memref<4x128xi32, #tpu.memory_space<vmem>>, vector<1x16xi32>,
    %get3A_116 = arith.constant 0 : i32
    %get3A_117 = arith.index_cast %get3A_116 : i32 to index
    %get3A_118 = arith.constant 112 : index
    %get3A_119 = tpu.vector_load %arg6[%get3A_117, %get3A_118] {strides = array<i32>} : memref<80x128xi32, #tpu.memory_space<vmem>>, vector<1x16xi32>,
    %get3A_120 = vector.shape_cast %get3A_119 : vector<1x16xi32> to vector<16xi32>
    %and3A_121 = arith.constant 16383 : i32
    %and3A_122 = vector.broadcast %and3A_121 : i32 to vector<16xi32>
    %and3A_123 = arith.andi %get3A_120, %and3A_122 : vector<16xi32>
    %swap3A_124 = arith.constant 0 : i32
    %swap3A_125 = arith.index_cast %swap3A_124 : i32 to index
    %swap3A_126 = arith.constant 112 : index
    %swap3A_127 = tpu.vector_load %arg7[%swap3A_125, %swap3A_126] {strides = array<i32>} : memref<4x128xi32, #tpu.memory_space<vmem>>, vector<1x16xi32>,
    %swap3A_128 = vector.shape_cast %swap3A_127 : vector<1x16xi32> to vector<16xi32>
    %swap3A_129 = vector.shape_cast %and3A_123 : vector<16xi32> to vector<1x16xi32>
    tpu.vector_store %arg7[%swap3A_125, %swap3A_126], %swap3A_129 {strides = array<i32>} : memref<4x128xi32, #tpu.memory_space<vmem>>, vector<1x16xi32>,
    %dma_start3A = arith.constant 0 : i32
    %dma_start3A_130 = arith.constant 0 : i32
    %dma_start3A_131 = tpu.memref_slice %arg7[%dma_start3A, %dma_start3A_130] : memref<4x128xi32, #tpu.memory_space<vmem>> -> memref<1x128xi32, #tpu.memory_space<vmem>>
    %dma_start3A_132 = tpu.memref_squeeze %dma_start3A_131 : memref<1x128xi32, #tpu.memory_space<vmem>> -> memref<128xi32, #tpu.memory_space<vmem>>
    %dma_start3A_133 = arith.constant 0 : i32
    %dma_start3A_134 = arith.constant 0 : i32
    %dma_start3A_135 = tpu.memref_slice %arg2[%dma_start3A_133, %dma_start3A_134] : memref<10000x128xf32, #tpu.memory_space<hbm>> -> memref<10000x128xf32, #tpu.memory_space<hbm>>
    tpu.enqueue_indirect_dma source(%dma_start3A_135 : memref<10000x128xf32, #tpu.memory_space<hbm>>) target(%arg8 : memref<128x128xf32, #tpu.memory_space<vmem>>) offsets(%dma_start3A_132 : memref<128xi32, #tpu.memory_space<vmem>>) semaphore(%arg11 : memref<!tpu.dma_semaphore, #tpu.memory_space<semaphore_mem>>)
    %get3A_136 = arith.constant 1 : i32
    %get3A_137 = arith.index_cast %get3A_136 : i32 to index
    %get3A_138 = arith.constant 0 : index
    %get3A_139 = tpu.vector_load %arg6[%get3A_137, %get3A_138] {strides = array<i32>} : memref<80x128xi32, #tpu.memory_space<vmem>>, vector<1x16xi32>,
    %get3A_140 = vector.shape_cast %get3A_139 : vector<1x16xi32> to vector<16xi32>
    %and3A_141 = arith.constant 16383 : i32
    %and3A_142 = vector.broadcast %and3A_141 : i32 to vector<16xi32>
    %and3A_143 = arith.andi %get3A_140, %and3A_142 : vector<16xi32>
    %swap3A_144 = arith.constant 1 : i32
    %swap3A_145 = arith.index_cast %swap3A_144 : i32 to index
    %swap3A_146 = arith.constant 0 : index
    %swap3A_147 = tpu.vector_load %arg7[%swap3A_145, %swap3A_146] {strides = array<i32>} : memref<4x128xi32, #tpu.memory_space<vmem>>, vector<1x16xi32>,
    %swap3A_148 = vector.shape_cast %swap3A_147 : vector<1x16xi32> to vector<16xi32>
    %swap3A_149 = vector.shape_cast %and3A_143 : vector<16xi32> to vector<1x16xi32>
    tpu.vector_store %arg7[%swap3A_145, %swap3A_146], %swap3A_149 {strides = array<i32>} : memref<4x128xi32, #tpu.memory_space<vmem>>, vector<1x16xi32>,
    %get3A_150 = arith.constant 1 : i32
    %get3A_151 = arith.index_cast %get3A_150 : i32 to index
    %get3A_152 = arith.constant 16 : index
    %get3A_153 = tpu.vector_load %arg6[%get3A_151, %get3A_152] {strides = array<i32>} : memref<80x128xi32, #tpu.memory_space<vmem>>, vector<1x16xi32>,
    %get3A_154 = vector.shape_cast %get3A_153 : vector<1x16xi32> to vector<16xi32>
    %and3A_155 = arith.constant 16383 : i32
    %and3A_156 = vector.broadcast %and3A_155 : i32 to vector<16xi32>
    %and3A_157 = arith.andi %get3A_154, %and3A_156 : vector<16xi32>
    %swap3A_158 = arith.constant 1 : i32
    %swap3A_159 = arith.index_cast %swap3A_158 : i32 to index
    %swap3A_160 = arith.constant 16 : index
    %swap3A_161 = tpu.vector_load %arg7[%swap3A_159, %swap3A_160] {strides = array<i32>} : memref<4x128xi32, #tpu.memory_space<vmem>>, vector<1x16xi32>,
    %swap3A_162 = vector.shape_cast %swap3A_161 : vector<1x16xi32> to vector<16xi32>
    %swap3A_163 = vector.shape_cast %and3A_157 : vector<16xi32> to vector<1x16xi32>
    tpu.vector_store %arg7[%swap3A_159, %swap3A_160], %swap3A_163 {strides = array<i32>} : memref<4x128xi32, #tpu.memory_space<vmem>>, vector<1x16xi32>,
    %get3A_164 = arith.constant 1 : i32
    %get3A_165 = arith.index_cast %get3A_164 : i32 to index
    %get3A_166 = arith.constant 32 : index
    %get3A_167 = tpu.vector_load %arg6[%get3A_165, %get3A_166] {strides = array<i32>} : memref<80x128xi32, #tpu.memory_space<vmem>>, vector<1x16xi32>,
    %get3A_168 = vector.shape_cast %get3A_167 : vector<1x16xi32> to vector<16xi32>
    %and3A_169 = arith.constant 16383 : i32
    %and3A_170 = vector.broadcast %and3A_169 : i32 to vector<16xi32>
    %and3A_171 = arith.andi %get3A_168, %and3A_170 : vector<16xi32>
    %swap3A_172 = arith.constant 1 : i32
    %swap3A_173 = arith.index_cast %swap3A_172 : i32 to index
    %swap3A_174 = arith.constant 32 : index
    %swap3A_175 = tpu.vector_load %arg7[%swap3A_173, %swap3A_174] {strides = array<i32>} : memref<4x128xi32, #tpu.memory_space<vmem>>, vector<1x16xi32>,
    %swap3A_176 = vector.shape_cast %swap3A_175 : vector<1x16xi32> to vector<16xi32>
    %swap3A_177 = vector.shape_cast %and3A_171 : vector<16xi32> to vector<1x16xi32>
    tpu.vector_store %arg7[%swap3A_173, %swap3A_174], %swap3A_177 {strides = array<i32>} : memref<4x128xi32, #tpu.memory_space<vmem>>, vector<1x16xi32>,
    %get3A_178 = arith.constant 1 : i32
    %get3A_179 = arith.index_cast %get3A_178 : i32 to index
    %get3A_180 = arith.constant 48 : index
    %get3A_181 = tpu.vector_load %arg6[%get3A_179, %get3A_180] {strides = array<i32>} : memref<80x128xi32, #tpu.memory_space<vmem>>, vector<1x16xi32>,
    %get3A_182 = vector.shape_cast %get3A_181 : vector<1x16xi32> to vector<16xi32>
    %and3A_183 = arith.constant 16383 : i32
    %and3A_184 = vector.broadcast %and3A_183 : i32 to vector<16xi32>
    %and3A_185 = arith.andi %get3A_182, %and3A_184 : vector<16xi32>
    %swap3A_186 = arith.constant 1 : i32
    %swap3A_187 = arith.index_cast %swap3A_186 : i32 to index
    %swap3A_188 = arith.constant 48 : index
    %swap3A_189 = tpu.vector_load %arg7[%swap3A_187, %swap3A_188] {strides = array<i32>} : memref<4x128xi32, #tpu.memory_space<vmem>>, vector<1x16xi32>,
    %swap3A_190 = vector.shape_cast %swap3A_189 : vector<1x16xi32> to vector<16xi32>
    %swap3A_191 = vector.shape_cast %and3A_185 : vector<16xi32> to vector<1x16xi32>
    tpu.vector_store %arg7[%swap3A_187, %swap3A_188], %swap3A_191 {strides = array<i32>} : memref<4x128xi32, #tpu.memory_space<vmem>>, vector<1x16xi32>,
    %get3A_192 = arith.constant 1 : i32
    %get3A_193 = arith.index_cast %get3A_192 : i32 to index
    %get3A_194 = arith.constant 64 : index
    %get3A_195 = tpu.vector_load %arg6[%get3A_193, %get3A_194] {strides = array<i32>} : memref<80x128xi32, #tpu.memory_space<vmem>>, vector<1x16xi32>,
    %get3A_196 = vector.shape_cast %get3A_195 : vector<1x16xi32> to vector<16xi32>
    %and3A_197 = arith.constant 16383 : i32
    %and3A_198 = vector.broadcast %and3A_197 : i32 to vector<16xi32>
    %and3A_199 = arith.andi %get3A_196, %and3A_198 : vector<16xi32>
    %swap3A_200 = arith.constant 1 : i32
    %swap3A_201 = arith.index_cast %swap3A_200 : i32 to index
    %swap3A_202 = arith.constant 64 : index
    %swap3A_203 = tpu.vector_load %arg7[%swap3A_201, %swap3A_202] {strides = array<i32>} : memref<4x128xi32, #tpu.memory_space<vmem>>, vector<1x16xi32>,
    %swap3A_204 = vector.shape_cast %swap3A_203 : vector<1x16xi32> to vector<16xi32>
    %swap3A_205 = vector.shape_cast %and3A_199 : vector<16xi32> to vector<1x16xi32>
    tpu.vector_store %arg7[%swap3A_201, %swap3A_202], %swap3A_205 {strides = array<i32>} : memref<4x128xi32, #tpu.memory_space<vmem>>, vector<1x16xi32>,
    %get3A_206 = arith.constant 1 : i32
    %get3A_207 = arith.index_cast %get3A_206 : i32 to index
    %get3A_208 = arith.constant 80 : index
    %get3A_209 = tpu.vector_load %arg6[%get3A_207, %get3A_208] {strides = array<i32>} : memref<80x128xi32, #tpu.memory_space<vmem>>, vector<1x16xi32>,
    %get3A_210 = vector.shape_cast %get3A_209 : vector<1x16xi32> to vector<16xi32>
    %and3A_211 = arith.constant 16383 : i32
    %and3A_212 = vector.broadcast %and3A_211 : i32 to vector<16xi32>
    %and3A_213 = arith.andi %get3A_210, %and3A_212 : vector<16xi32>
    %swap3A_214 = arith.constant 1 : i32
    %swap3A_215 = arith.index_cast %swap3A_214 : i32 to index
    %swap3A_216 = arith.constant 80 : index
    %swap3A_217 = tpu.vector_load %arg7[%swap3A_215, %swap3A_216] {strides = array<i32>} : memref<4x128xi32, #tpu.memory_space<vmem>>, vector<1x16xi32>,
    %swap3A_218 = vector.shape_cast %swap3A_217 : vector<1x16xi32> to vector<16xi32>
    %swap3A_219 = vector.shape_cast %and3A_213 : vector<16xi32> to vector<1x16xi32>
    tpu.vector_store %arg7[%swap3A_215, %swap3A_216], %swap3A_219 {strides = array<i32>} : memref<4x128xi32, #tpu.memory_space<vmem>>, vector<1x16xi32>,
    %get3A_220 = arith.constant 1 : i32
    %get3A_221 = arith.index_cast %get3A_220 : i32 to index
    %get3A_222 = arith.constant 96 : index
    %get3A_223 = tpu.vector_load %arg6[%get3A_221, %get3A_222] {strides = array<i32>} : memref<80x128xi32, #tpu.memory_space<vmem>>, vector<1x16xi32>,
    %get3A_224 = vector.shape_cast %get3A_223 : vector<1x16xi32> to vector<16xi32>
    %and3A_225 = arith.constant 16383 : i32
    %and3A_226 = vector.broadcast %and3A_225 : i32 to vector<16xi32>
    %and3A_227 = arith.andi %get3A_224, %and3A_226 : vector<16xi32>
    %swap3A_228 = arith.constant 1 : i32
    %swap3A_229 = arith.index_cast %swap3A_228 : i32 to index
    %swap3A_230 = arith.constant 96 : index
    %swap3A_231 = tpu.vector_load %arg7[%swap3A_229, %swap3A_230] {strides = array<i32>} : memref<4x128xi32, #tpu.memory_space<vmem>>, vector<1x16xi32>,
    %swap3A_232 = vector.shape_cast %swap3A_231 : vector<1x16xi32> to vector<16xi32>
    %swap3A_233 = vector.shape_cast %and3A_227 : vector<16xi32> to vector<1x16xi32>
    tpu.vector_store %arg7[%swap3A_229, %swap3A_230], %swap3A_233 {strides = array<i32>} : memref<4x128xi32, #tpu.memory_space<vmem>>, vector<1x16xi32>,
    %get3A_234 = arith.constant 1 : i32
    %get3A_235 = arith.index_cast %get3A_234 : i32 to index
    %get3A_236 = arith.constant 112 : index
    %get3A_237 = tpu.vector_load %arg6[%get3A_235, %get3A_236] {strides = array<i32>} : memref<80x128xi32, #tpu.memory_space<vmem>>, vector<1x16xi32>,
    %get3A_238 = vector.shape_cast %get3A_237 : vector<1x16xi32> to vector<16xi32>
    %and3A_239 = arith.constant 16383 : i32
    %and3A_240 = vector.broadcast %and3A_239 : i32 to vector<16xi32>
    %and3A_241 = arith.andi %get3A_238, %and3A_240 : vector<16xi32>
    %swap3A_242 = arith.constant 1 : i32
    %swap3A_243 = arith.index_cast %swap3A_242 : i32 to index
    %swap3A_244 = arith.constant 112 : index
    %swap3A_245 = tpu.vector_load %arg7[%swap3A_243, %swap3A_244] {strides = array<i32>} : memref<4x128xi32, #tpu.memory_space<vmem>>, vector<1x16xi32>,
    %swap3A_246 = vector.shape_cast %swap3A_245 : vector<1x16xi32> to vector<16xi32>
    %swap3A_247 = vector.shape_cast %and3A_241 : vector<16xi32> to vector<1x16xi32>
    tpu.vector_store %arg7[%swap3A_243, %swap3A_244], %swap3A_247 {strides = array<i32>} : memref<4x128xi32, #tpu.memory_space<vmem>>, vector<1x16xi32>,
    %dma_start3A_248 = arith.constant 1 : i32
    %dma_start3A_249 = arith.constant 0 : i32
    %dma_start3A_250 = tpu.memref_slice %arg7[%dma_start3A_248, %dma_start3A_249] : memref<4x128xi32, #tpu.memory_space<vmem>> -> memref<1x128xi32, #tpu.memory_space<vmem>>
    %dma_start3A_251 = tpu.memref_squeeze %dma_start3A_250 : memref<1x128xi32, #tpu.memory_space<vmem>> -> memref<128xi32, #tpu.memory_space<vmem>>
    %dma_start3A_252 = arith.constant 0 : i32
    %dma_start3A_253 = arith.constant 0 : i32
    %dma_start3A_254 = tpu.memref_slice %arg2[%dma_start3A_252, %dma_start3A_253] : memref<10000x128xf32, #tpu.memory_space<hbm>> -> memref<10000x128xf32, #tpu.memory_space<hbm>>
    tpu.enqueue_indirect_dma source(%dma_start3A_254 : memref<10000x128xf32, #tpu.memory_space<hbm>>) target(%arg9 : memref<128x128xf32, #tpu.memory_space<vmem>>) offsets(%dma_start3A_251 : memref<128xi32, #tpu.memory_space<vmem>>) semaphore(%arg12 : memref<!tpu.dma_semaphore, #tpu.memory_space<semaphore_mem>>)
    %scan3A = arith.constant 0 : i32
    %scan3A_255 = arith.constant 0 : i32
    %scan3A_256 = arith.constant 40 : i32
    %scan3A_257 = arith.addi %scan3A_255, %scan3A_256 : i32
    %scan3A_258 = arith.constant 1 : i32
    scf.for %scan3A_278 = %scan3A_255 to %scan3A_257 step %scan3A_258  : i32 {
      %mul3A_279 = arith.constant 2 : i32
      %mul3A_280 = arith.muli %mul3A_279, %scan3A_278 : i32
      %dma_wait3A_281 = arith.constant 0 : i32
      %dma_wait3A_282 = arith.constant 0 : i32
      %dma_wait3A_283 = tpu.memref_slice %arg7[%dma_wait3A_281, %dma_wait3A_282] : memref<4x128xi32, #tpu.memory_space<vmem>> -> memref<1x128xi32, #tpu.memory_space<vmem>>
      %dma_wait3A_284 = tpu.memref_squeeze %dma_wait3A_283 : memref<1x128xi32, #tpu.memory_space<vmem>> -> memref<128xi32, #tpu.memory_space<vmem>>
      %dma_wait3A_285 = arith.constant 0 : i32
      %dma_wait3A_286 = arith.constant 0 : i32
      %dma_wait3A_287 = tpu.memref_slice %arg2[%dma_wait3A_285, %dma_wait3A_286] : memref<10000x128xf32, #tpu.memory_space<hbm>> -> memref<10000x128xf32, #tpu.memory_space<hbm>>
      tpu.wait_indirect_dma semaphore(%arg11 : memref<!tpu.dma_semaphore, #tpu.memory_space<semaphore_mem>>) src(%dma_wait3A_287 : memref<10000x128xf32, #tpu.memory_space<hbm>>) dst(%arg8 : memref<128x128xf32, #tpu.memory_space<vmem>>)
      %get3A_288 = arith.index_cast %mul3A_280 : i32 to index
      %get3A_289 = arith.constant 0 : index
      %get3A_290 = tpu.vector_load %arg6[%get3A_288, %get3A_289] {strides = array<i32>} : memref<80x128xi32, #tpu.memory_space<vmem>>, vector<1x16xi32>,
      %get3A_291 = vector.shape_cast %get3A_290 : vector<1x16xi32> to vector<16xi32>
      %shift_right_logical3A = arith.constant 14 : i32
      %shift_right_logical3A_292 = vector.broadcast %shift_right_logical3A : i32 to vector<16xi32>
      %shift_right_logical3A_293 = arith.shrui %get3A_291, %shift_right_logical3A_292 : vector<16xi32>
      %swap3A_294 = arith.constant 2 : i32
      %swap3A_295 = arith.index_cast %swap3A_294 : i32 to index
      %swap3A_296 = arith.constant 0 : index
      %swap3A_297 = tpu.vector_load %arg7[%swap3A_295, %swap3A_296] {strides = array<i32>} : memref<4x128xi32, #tpu.memory_space<vmem>>, vector<1x16xi32>,
      %swap3A_298 = vector.shape_cast %swap3A_297 : vector<1x16xi32> to vector<16xi32>
      %swap3A_299 = vector.shape_cast %shift_right_logical3A_293 : vector<16xi32> to vector<1x16xi32>
      tpu.vector_store %arg7[%swap3A_295, %swap3A_296], %swap3A_299 {strides = array<i32>} : memref<4x128xi32, #tpu.memory_space<vmem>>, vector<1x16xi32>,
      %get3A_300 = arith.index_cast %mul3A_280 : i32 to index
      %get3A_301 = arith.constant 16 : index
      %get3A_302 = tpu.vector_load %arg6[%get3A_300, %get3A_301] {strides = array<i32>} : memref<80x128xi32, #tpu.memory_space<vmem>>, vector<1x16xi32>,
      %get3A_303 = vector.shape_cast %get3A_302 : vector<1x16xi32> to vector<16xi32>
      %shift_right_logical3A_304 = arith.constant 14 : i32
      %shift_right_logical3A_305 = vector.broadcast %shift_right_logical3A_304 : i32 to vector<16xi32>
      %shift_right_logical3A_306 = arith.shrui %get3A_303, %shift_right_logical3A_305 : vector<16xi32>
      %swap3A_307 = arith.constant 2 : i32
      %swap3A_308 = arith.index_cast %swap3A_307 : i32 to index
      %swap3A_309 = arith.constant 16 : index
      %swap3A_310 = tpu.vector_load %arg7[%swap3A_308, %swap3A_309] {strides = array<i32>} : memref<4x128xi32, #tpu.memory_space<vmem>>, vector<1x16xi32>,
      %swap3A_311 = vector.shape_cast %swap3A_310 : vector<1x16xi32> to vector<16xi32>
      %swap3A_312 = vector.shape_cast %shift_right_logical3A_306 : vector<16xi32> to vector<1x16xi32>
      tpu.vector_store %arg7[%swap3A_308, %swap3A_309], %swap3A_312 {strides = array<i32>} : memref<4x128xi32, #tpu.memory_space<vmem>>, vector<1x16xi32>,
      %get3A_313 = arith.index_cast %mul3A_280 : i32 to index
      %get3A_314 = arith.constant 32 : index
      %get3A_315 = tpu.vector_load %arg6[%get3A_313, %get3A_314] {strides = array<i32>} : memref<80x128xi32, #tpu.memory_space<vmem>>, vector<1x16xi32>,
      %get3A_316 = vector.shape_cast %get3A_315 : vector<1x16xi32> to vector<16xi32>
      %shift_right_logical3A_317 = arith.constant 14 : i32
      %shift_right_logical3A_318 = vector.broadcast %shift_right_logical3A_317 : i32 to vector<16xi32>
      %shift_right_logical3A_319 = arith.shrui %get3A_316, %shift_right_logical3A_318 : vector<16xi32>
      %swap3A_320 = arith.constant 2 : i32
      %swap3A_321 = arith.index_cast %swap3A_320 : i32 to index
      %swap3A_322 = arith.constant 32 : index
      %swap3A_323 = tpu.vector_load %arg7[%swap3A_321, %swap3A_322] {strides = array<i32>} : memref<4x128xi32, #tpu.memory_space<vmem>>, vector<1x16xi32>,
      %swap3A_324 = vector.shape_cast %swap3A_323 : vector<1x16xi32> to vector<16xi32>
      %swap3A_325 = vector.shape_cast %shift_right_logical3A_319 : vector<16xi32> to vector<1x16xi32>
      tpu.vector_store %arg7[%swap3A_321, %swap3A_322], %swap3A_325 {strides = array<i32>} : memref<4x128xi32, #tpu.memory_space<vmem>>, vector<1x16xi32>,
      %get3A_326 = arith.index_cast %mul3A_280 : i32 to index
      %get3A_327 = arith.constant 48 : index
      %get3A_328 = tpu.vector_load %arg6[%get3A_326, %get3A_327] {strides = array<i32>} : memref<80x128xi32, #tpu.memory_space<vmem>>, vector<1x16xi32>,
      %get3A_329 = vector.shape_cast %get3A_328 : vector<1x16xi32> to vector<16xi32>
      %shift_right_logical3A_330 = arith.constant 14 : i32
      %shift_right_logical3A_331 = vector.broadcast %shift_right_logical3A_330 : i32 to vector<16xi32>
      %shift_right_logical3A_332 = arith.shrui %get3A_329, %shift_right_logical3A_331 : vector<16xi32>
      %swap3A_333 = arith.constant 2 : i32
      %swap3A_334 = arith.index_cast %swap3A_333 : i32 to index
      %swap3A_335 = arith.constant 48 : index
      %swap3A_336 = tpu.vector_load %arg7[%swap3A_334, %swap3A_335] {strides = array<i32>} : memref<4x128xi32, #tpu.memory_space<vmem>>, vector<1x16xi32>,
      %swap3A_337 = vector.shape_cast %swap3A_336 : vector<1x16xi32> to vector<16xi32>
      %swap3A_338 = vector.shape_cast %shift_right_logical3A_332 : vector<16xi32> to vector<1x16xi32>
      tpu.vector_store %arg7[%swap3A_334, %swap3A_335], %swap3A_338 {strides = array<i32>} : memref<4x128xi32, #tpu.memory_space<vmem>>, vector<1x16xi32>,
      %get3A_339 = arith.index_cast %mul3A_280 : i32 to index
      %get3A_340 = arith.constant 64 : index
      %get3A_341 = tpu.vector_load %arg6[%get3A_339, %get3A_340] {strides = array<i32>} : memref<80x128xi32, #tpu.memory_space<vmem>>, vector<1x16xi32>,
      %get3A_342 = vector.shape_cast %get3A_341 : vector<1x16xi32> to vector<16xi32>
      %shift_right_logical3A_343 = arith.constant 14 : i32
      %shift_right_logical3A_344 = vector.broadcast %shift_right_logical3A_343 : i32 to vector<16xi32>
      %shift_right_logical3A_345 = arith.shrui %get3A_342, %shift_right_logical3A_344 : vector<16xi32>
      %swap3A_346 = arith.constant 2 : i32
      %swap3A_347 = arith.index_cast %swap3A_346 : i32 to index
      %swap3A_348 = arith.constant 64 : index
      %swap3A_349 = tpu.vector_load %arg7[%swap3A_347, %swap3A_348] {strides = array<i32>} : memref<4x128xi32, #tpu.memory_space<vmem>>, vector<1x16xi32>,
      %swap3A_350 = vector.shape_cast %swap3A_349 : vector<1x16xi32> to vector<16xi32>
      %swap3A_351 = vector.shape_cast %shift_right_logical3A_345 : vector<16xi32> to vector<1x16xi32>
      tpu.vector_store %arg7[%swap3A_347, %swap3A_348], %swap3A_351 {strides = array<i32>} : memref<4x128xi32, #tpu.memory_space<vmem>>, vector<1x16xi32>,
      %get3A_352 = arith.index_cast %mul3A_280 : i32 to index
      %get3A_353 = arith.constant 80 : index
      %get3A_354 = tpu.vector_load %arg6[%get3A_352, %get3A_353] {strides = array<i32>} : memref<80x128xi32, #tpu.memory_space<vmem>>, vector<1x16xi32>,
      %get3A_355 = vector.shape_cast %get3A_354 : vector<1x16xi32> to vector<16xi32>
      %shift_right_logical3A_356 = arith.constant 14 : i32
      %shift_right_logical3A_357 = vector.broadcast %shift_right_logical3A_356 : i32 to vector<16xi32>
      %shift_right_logical3A_358 = arith.shrui %get3A_355, %shift_right_logical3A_357 : vector<16xi32>
      %swap3A_359 = arith.constant 2 : i32
      %swap3A_360 = arith.index_cast %swap3A_359 : i32 to index
      %swap3A_361 = arith.constant 80 : index
      %swap3A_362 = tpu.vector_load %arg7[%swap3A_360, %swap3A_361] {strides = array<i32>} : memref<4x128xi32, #tpu.memory_space<vmem>>, vector<1x16xi32>,
      %swap3A_363 = vector.shape_cast %swap3A_362 : vector<1x16xi32> to vector<16xi32>
      %swap3A_364 = vector.shape_cast %shift_right_logical3A_358 : vector<16xi32> to vector<1x16xi32>
      tpu.vector_store %arg7[%swap3A_360, %swap3A_361], %swap3A_364 {strides = array<i32>} : memref<4x128xi32, #tpu.memory_space<vmem>>, vector<1x16xi32>,
      %get3A_365 = arith.index_cast %mul3A_280 : i32 to index
      %get3A_366 = arith.constant 96 : index
      %get3A_367 = tpu.vector_load %arg6[%get3A_365, %get3A_366] {strides = array<i32>} : memref<80x128xi32, #tpu.memory_space<vmem>>, vector<1x16xi32>,
      %get3A_368 = vector.shape_cast %get3A_367 : vector<1x16xi32> to vector<16xi32>
      %shift_right_logical3A_369 = arith.constant 14 : i32
      %shift_right_logical3A_370 = vector.broadcast %shift_right_logical3A_369 : i32 to vector<16xi32>
      %shift_right_logical3A_371 = arith.shrui %get3A_368, %shift_right_logical3A_370 : vector<16xi32>
      %swap3A_372 = arith.constant 2 : i32
      %swap3A_373 = arith.index_cast %swap3A_372 : i32 to index
      %swap3A_374 = arith.constant 96 : index
      %swap3A_375 = tpu.vector_load %arg7[%swap3A_373, %swap3A_374] {strides = array<i32>} : memref<4x128xi32, #tpu.memory_space<vmem>>, vector<1x16xi32>,
      %swap3A_376 = vector.shape_cast %swap3A_375 : vector<1x16xi32> to vector<16xi32>
      %swap3A_377 = vector.shape_cast %shift_right_logical3A_371 : vector<16xi32> to vector<1x16xi32>
      tpu.vector_store %arg7[%swap3A_373, %swap3A_374], %swap3A_377 {strides = array<i32>} : memref<4x128xi32, #tpu.memory_space<vmem>>, vector<1x16xi32>,
      %get3A_378 = arith.index_cast %mul3A_280 : i32 to index
      %get3A_379 = arith.constant 112 : index
      %get3A_380 = tpu.vector_load %arg6[%get3A_378, %get3A_379] {strides = array<i32>} : memref<80x128xi32, #tpu.memory_space<vmem>>, vector<1x16xi32>,
      %get3A_381 = vector.shape_cast %get3A_380 : vector<1x16xi32> to vector<16xi32>
      %shift_right_logical3A_382 = arith.constant 14 : i32
      %shift_right_logical3A_383 = vector.broadcast %shift_right_logical3A_382 : i32 to vector<16xi32>
      %shift_right_logical3A_384 = arith.shrui %get3A_381, %shift_right_logical3A_383 : vector<16xi32>
      %swap3A_385 = arith.constant 2 : i32
      %swap3A_386 = arith.index_cast %swap3A_385 : i32 to index
      %swap3A_387 = arith.constant 112 : index
      %swap3A_388 = tpu.vector_load %arg7[%swap3A_386, %swap3A_387] {strides = array<i32>} : memref<4x128xi32, #tpu.memory_space<vmem>>, vector<1x16xi32>,
      %swap3A_389 = vector.shape_cast %swap3A_388 : vector<1x16xi32> to vector<16xi32>
      %swap3A_390 = vector.shape_cast %shift_right_logical3A_384 : vector<16xi32> to vector<1x16xi32>
      tpu.vector_store %arg7[%swap3A_386, %swap3A_387], %swap3A_390 {strides = array<i32>} : memref<4x128xi32, #tpu.memory_space<vmem>>, vector<1x16xi32>,
      %run_scoped3A = arith.constant 2 : i32
      "tpu.region"() ({
        %run_scoped3A_757 = tpu.sem_alloc : memref<!tpu.dma_semaphore, #tpu.memory_space<semaphore_mem>>
        %dma_start3A_758 = arith.constant 0 : i32
        %dma_start3A_759 = tpu.memref_slice %arg7[%run_scoped3A, %dma_start3A_758] : memref<4x128xi32, #tpu.memory_space<vmem>> -> memref<1x128xi32, #tpu.memory_space<vmem>>
        %dma_start3A_760 = tpu.memref_squeeze %dma_start3A_759 : memref<1x128xi32, #tpu.memory_space<vmem>> -> memref<128xi32, #tpu.memory_space<vmem>>
        %dma_start3A_761 = arith.constant 0 : i32
        %dma_start3A_762 = arith.constant 0 : i32
        %dma_start3A_763 = tpu.memref_slice %arg10[%dma_start3A_761, %dma_start3A_762] : memref<10240x128xf32, #tpu.memory_space<vmem_shared>> -> memref<10240x128xf32, #tpu.memory_space<vmem_shared>>
        tpu.enqueue_indirect_dma source(%arg8 : memref<128x128xf32, #tpu.memory_space<vmem>>) target(%dma_start3A_763 : memref<10240x128xf32, #tpu.memory_space<vmem_shared>>) offsets(%dma_start3A_760 : memref<128xi32, #tpu.memory_space<vmem>>) semaphore(%run_scoped3A_757 : memref<!tpu.dma_semaphore, #tpu.memory_space<semaphore_mem>>) {add = true}
        %dma_wait3A_764 = arith.constant 0 : i32
        %dma_wait3A_765 = tpu.memref_slice %arg7[%run_scoped3A, %dma_wait3A_764] : memref<4x128xi32, #tpu.memory_space<vmem>> -> memref<1x128xi32, #tpu.memory_space<vmem>>
        %dma_wait3A_766 = tpu.memref_squeeze %dma_wait3A_765 : memref<1x128xi32, #tpu.memory_space<vmem>> -> memref<128xi32, #tpu.memory_space<vmem>>
        %dma_wait3A_767 = arith.constant 0 : i32
        %dma_wait3A_768 = arith.constant 0 : i32
        %dma_wait3A_769 = tpu.memref_slice %arg10[%dma_wait3A_767, %dma_wait3A_768] : memref<10240x128xf32, #tpu.memory_space<vmem_shared>> -> memref<10240x128xf32, #tpu.memory_space<vmem_shared>>
        tpu.wait_indirect_dma semaphore(%run_scoped3A_757 : memref<!tpu.dma_semaphore, #tpu.memory_space<semaphore_mem>>) src(%arg8 : memref<128x128xf32, #tpu.memory_space<vmem>>) dst(%dma_wait3A_769 : memref<10240x128xf32, #tpu.memory_space<vmem_shared>>)
        tpu.yield
      }) : () -> ()
      %add3A_391 = arith.constant 2 : i32
      %add3A_392 = arith.addi %mul3A_280, %add3A_391 : i32
      %jit3A = arith.constant 80 : i32
      %eq3A = arith.constant 0 : i32
      %eq3A_393 = arith.cmpi eq, %jit3A, %eq3A : i32
      %jit3A_394 = arith.constant 1 : i32
      %select_n3A = arith.select %eq3A_393, %jit3A_394, %jit3A : i32
      %rem3A = arith.remsi %add3A_392, %select_n3A : i32
      %ne3A = arith.constant 0 : i32
      %ne3A_395 = arith.cmpi ne, %rem3A, %ne3A : i32
      %lt3A = arith.constant 0 : i32
      %lt3A_396 = arith.cmpi slt, %rem3A, %lt3A : i32
      %lt3A_397 = arith.constant 0 : i32
      %lt3A_398 = arith.cmpi slt, %select_n3A, %lt3A_397 : i32
      %ne3A_399 = arith.xori %lt3A_396, %lt3A_398 : i1
      %and3A_400 = arith.andi %ne3A_399, %ne3A_395 : i1
      %add3A_401 = arith.addi %rem3A, %select_n3A : i32
      %select_n3A_402 = arith.select %and3A_400, %add3A_401, %rem3A : i32
      %get3A_403 = arith.index_cast %select_n3A_402 : i32 to index
      %get3A_404 = arith.constant 0 : index
      %get3A_405 = tpu.vector_load %arg6[%get3A_403, %get3A_404] {strides = array<i32>} : memref<80x128xi32, #tpu.memory_space<vmem>>, vector<1x16xi32>,
      %get3A_406 = vector.shape_cast %get3A_405 : vector<1x16xi32> to vector<16xi32>
      %and3A_407 = arith.constant 16383 : i32
      %and3A_408 = vector.broadcast %and3A_407 : i32 to vector<16xi32>
      %and3A_409 = arith.andi %get3A_406, %and3A_408 : vector<16xi32>
      %swap3A_410 = arith.constant 0 : i32
      %swap3A_411 = arith.index_cast %swap3A_410 : i32 to index
      %swap3A_412 = arith.constant 0 : index
      %swap3A_413 = tpu.vector_load %arg7[%swap3A_411, %swap3A_412] {strides = array<i32>} : memref<4x128xi32, #tpu.memory_space<vmem>>, vector<1x16xi32>,
      %swap3A_414 = vector.shape_cast %swap3A_413 : vector<1x16xi32> to vector<16xi32>
      %swap3A_415 = vector.shape_cast %and3A_409 : vector<16xi32> to vector<1x16xi32>
      tpu.vector_store %arg7[%swap3A_411, %swap3A_412], %swap3A_415 {strides = array<i32>} : memref<4x128xi32, #tpu.memory_space<vmem>>, vector<1x16xi32>,
      %get3A_416 = arith.index_cast %select_n3A_402 : i32 to index
      %get3A_417 = arith.constant 16 : index
      %get3A_418 = tpu.vector_load %arg6[%get3A_416, %get3A_417] {strides = array<i32>} : memref<80x128xi32, #tpu.memory_space<vmem>>, vector<1x16xi32>,
      %get3A_419 = vector.shape_cast %get3A_418 : vector<1x16xi32> to vector<16xi32>
      %and3A_420 = arith.constant 16383 : i32
      %and3A_421 = vector.broadcast %and3A_420 : i32 to vector<16xi32>
      %and3A_422 = arith.andi %get3A_419, %and3A_421 : vector<16xi32>
      %swap3A_423 = arith.constant 0 : i32
      %swap3A_424 = arith.index_cast %swap3A_423 : i32 to index
      %swap3A_425 = arith.constant 16 : index
      %swap3A_426 = tpu.vector_load %arg7[%swap3A_424, %swap3A_425] {strides = array<i32>} : memref<4x128xi32, #tpu.memory_space<vmem>>, vector<1x16xi32>,
      %swap3A_427 = vector.shape_cast %swap3A_426 : vector<1x16xi32> to vector<16xi32>
      %swap3A_428 = vector.shape_cast %and3A_422 : vector<16xi32> to vector<1x16xi32>
      tpu.vector_store %arg7[%swap3A_424, %swap3A_425], %swap3A_428 {strides = array<i32>} : memref<4x128xi32, #tpu.memory_space<vmem>>, vector<1x16xi32>,
      %get3A_429 = arith.index_cast %select_n3A_402 : i32 to index
      %get3A_430 = arith.constant 32 : index
      %get3A_431 = tpu.vector_load %arg6[%get3A_429, %get3A_430] {strides = array<i32>} : memref<80x128xi32, #tpu.memory_space<vmem>>, vector<1x16xi32>,
      %get3A_432 = vector.shape_cast %get3A_431 : vector<1x16xi32> to vector<16xi32>
      %and3A_433 = arith.constant 16383 : i32
      %and3A_434 = vector.broadcast %and3A_433 : i32 to vector<16xi32>
      %and3A_435 = arith.andi %get3A_432, %and3A_434 : vector<16xi32>
      %swap3A_436 = arith.constant 0 : i32
      %swap3A_437 = arith.index_cast %swap3A_436 : i32 to index
      %swap3A_438 = arith.constant 32 : index
      %swap3A_439 = tpu.vector_load %arg7[%swap3A_437, %swap3A_438] {strides = array<i32>} : memref<4x128xi32, #tpu.memory_space<vmem>>, vector<1x16xi32>,
      %swap3A_440 = vector.shape_cast %swap3A_439 : vector<1x16xi32> to vector<16xi32>
      %swap3A_441 = vector.shape_cast %and3A_435 : vector<16xi32> to vector<1x16xi32>
      tpu.vector_store %arg7[%swap3A_437, %swap3A_438], %swap3A_441 {strides = array<i32>} : memref<4x128xi32, #tpu.memory_space<vmem>>, vector<1x16xi32>,
      %get3A_442 = arith.index_cast %select_n3A_402 : i32 to index
      %get3A_443 = arith.constant 48 : index
      %get3A_444 = tpu.vector_load %arg6[%get3A_442, %get3A_443] {strides = array<i32>} : memref<80x128xi32, #tpu.memory_space<vmem>>, vector<1x16xi32>,
      %get3A_445 = vector.shape_cast %get3A_444 : vector<1x16xi32> to vector<16xi32>
      %and3A_446 = arith.constant 16383 : i32
      %and3A_447 = vector.broadcast %and3A_446 : i32 to vector<16xi32>
      %and3A_448 = arith.andi %get3A_445, %and3A_447 : vector<16xi32>
      %swap3A_449 = arith.constant 0 : i32
      %swap3A_450 = arith.index_cast %swap3A_449 : i32 to index
      %swap3A_451 = arith.constant 48 : index
      %swap3A_452 = tpu.vector_load %arg7[%swap3A_450, %swap3A_451] {strides = array<i32>} : memref<4x128xi32, #tpu.memory_space<vmem>>, vector<1x16xi32>,
      %swap3A_453 = vector.shape_cast %swap3A_452 : vector<1x16xi32> to vector<16xi32>
      %swap3A_454 = vector.shape_cast %and3A_448 : vector<16xi32> to vector<1x16xi32>
      tpu.vector_store %arg7[%swap3A_450, %swap3A_451], %swap3A_454 {strides = array<i32>} : memref<4x128xi32, #tpu.memory_space<vmem>>, vector<1x16xi32>,
      %get3A_455 = arith.index_cast %select_n3A_402 : i32 to index
      %get3A_456 = arith.constant 64 : index
      %get3A_457 = tpu.vector_load %arg6[%get3A_455, %get3A_456] {strides = array<i32>} : memref<80x128xi32, #tpu.memory_space<vmem>>, vector<1x16xi32>,
      %get3A_458 = vector.shape_cast %get3A_457 : vector<1x16xi32> to vector<16xi32>
      %and3A_459 = arith.constant 16383 : i32
      %and3A_460 = vector.broadcast %and3A_459 : i32 to vector<16xi32>
      %and3A_461 = arith.andi %get3A_458, %and3A_460 : vector<16xi32>
      %swap3A_462 = arith.constant 0 : i32
      %swap3A_463 = arith.index_cast %swap3A_462 : i32 to index
      %swap3A_464 = arith.constant 64 : index
      %swap3A_465 = tpu.vector_load %arg7[%swap3A_463, %swap3A_464] {strides = array<i32>} : memref<4x128xi32, #tpu.memory_space<vmem>>, vector<1x16xi32>,
      %swap3A_466 = vector.shape_cast %swap3A_465 : vector<1x16xi32> to vector<16xi32>
      %swap3A_467 = vector.shape_cast %and3A_461 : vector<16xi32> to vector<1x16xi32>
      tpu.vector_store %arg7[%swap3A_463, %swap3A_464], %swap3A_467 {strides = array<i32>} : memref<4x128xi32, #tpu.memory_space<vmem>>, vector<1x16xi32>,
      %get3A_468 = arith.index_cast %select_n3A_402 : i32 to index
      %get3A_469 = arith.constant 80 : index
      %get3A_470 = tpu.vector_load %arg6[%get3A_468, %get3A_469] {strides = array<i32>} : memref<80x128xi32, #tpu.memory_space<vmem>>, vector<1x16xi32>,
      %get3A_471 = vector.shape_cast %get3A_470 : vector<1x16xi32> to vector<16xi32>
      %and3A_472 = arith.constant 16383 : i32
      %and3A_473 = vector.broadcast %and3A_472 : i32 to vector<16xi32>
      %and3A_474 = arith.andi %get3A_471, %and3A_473 : vector<16xi32>
      %swap3A_475 = arith.constant 0 : i32
      %swap3A_476 = arith.index_cast %swap3A_475 : i32 to index
      %swap3A_477 = arith.constant 80 : index
      %swap3A_478 = tpu.vector_load %arg7[%swap3A_476, %swap3A_477] {strides = array<i32>} : memref<4x128xi32, #tpu.memory_space<vmem>>, vector<1x16xi32>,
      %swap3A_479 = vector.shape_cast %swap3A_478 : vector<1x16xi32> to vector<16xi32>
      %swap3A_480 = vector.shape_cast %and3A_474 : vector<16xi32> to vector<1x16xi32>
      tpu.vector_store %arg7[%swap3A_476, %swap3A_477], %swap3A_480 {strides = array<i32>} : memref<4x128xi32, #tpu.memory_space<vmem>>, vector<1x16xi32>,
      %get3A_481 = arith.index_cast %select_n3A_402 : i32 to index
      %get3A_482 = arith.constant 96 : index
      %get3A_483 = tpu.vector_load %arg6[%get3A_481, %get3A_482] {strides = array<i32>} : memref<80x128xi32, #tpu.memory_space<vmem>>, vector<1x16xi32>,
      %get3A_484 = vector.shape_cast %get3A_483 : vector<1x16xi32> to vector<16xi32>
      %and3A_485 = arith.constant 16383 : i32
      %and3A_486 = vector.broadcast %and3A_485 : i32 to vector<16xi32>
      %and3A_487 = arith.andi %get3A_484, %and3A_486 : vector<16xi32>
      %swap3A_488 = arith.constant 0 : i32
      %swap3A_489 = arith.index_cast %swap3A_488 : i32 to index
      %swap3A_490 = arith.constant 96 : index
      %swap3A_491 = tpu.vector_load %arg7[%swap3A_489, %swap3A_490] {strides = array<i32>} : memref<4x128xi32, #tpu.memory_space<vmem>>, vector<1x16xi32>,
      %swap3A_492 = vector.shape_cast %swap3A_491 : vector<1x16xi32> to vector<16xi32>
      %swap3A_493 = vector.shape_cast %and3A_487 : vector<16xi32> to vector<1x16xi32>
      tpu.vector_store %arg7[%swap3A_489, %swap3A_490], %swap3A_493 {strides = array<i32>} : memref<4x128xi32, #tpu.memory_space<vmem>>, vector<1x16xi32>,
      %get3A_494 = arith.index_cast %select_n3A_402 : i32 to index
      %get3A_495 = arith.constant 112 : index
      %get3A_496 = tpu.vector_load %arg6[%get3A_494, %get3A_495] {strides = array<i32>} : memref<80x128xi32, #tpu.memory_space<vmem>>, vector<1x16xi32>,
      %get3A_497 = vector.shape_cast %get3A_496 : vector<1x16xi32> to vector<16xi32>
      %and3A_498 = arith.constant 16383 : i32
      %and3A_499 = vector.broadcast %and3A_498 : i32 to vector<16xi32>
      %and3A_500 = arith.andi %get3A_497, %and3A_499 : vector<16xi32>
      %swap3A_501 = arith.constant 0 : i32
      %swap3A_502 = arith.index_cast %swap3A_501 : i32 to index
      %swap3A_503 = arith.constant 112 : index
      %swap3A_504 = tpu.vector_load %arg7[%swap3A_502, %swap3A_503] {strides = array<i32>} : memref<4x128xi32, #tpu.memory_space<vmem>>, vector<1x16xi32>,
      %swap3A_505 = vector.shape_cast %swap3A_504 : vector<1x16xi32> to vector<16xi32>
      %swap3A_506 = vector.shape_cast %and3A_500 : vector<16xi32> to vector<1x16xi32>
      tpu.vector_store %arg7[%swap3A_502, %swap3A_503], %swap3A_506 {strides = array<i32>} : memref<4x128xi32, #tpu.memory_space<vmem>>, vector<1x16xi32>,
      %dma_start3A_507 = arith.constant 0 : i32
      %dma_start3A_508 = arith.constant 0 : i32
      %dma_start3A_509 = tpu.memref_slice %arg7[%dma_start3A_507, %dma_start3A_508] : memref<4x128xi32, #tpu.memory_space<vmem>> -> memref<1x128xi32, #tpu.memory_space<vmem>>
      %dma_start3A_510 = tpu.memref_squeeze %dma_start3A_509 : memref<1x128xi32, #tpu.memory_space<vmem>> -> memref<128xi32, #tpu.memory_space<vmem>>
      %dma_start3A_511 = arith.constant 0 : i32
      %dma_start3A_512 = arith.constant 0 : i32
      %dma_start3A_513 = tpu.memref_slice %arg2[%dma_start3A_511, %dma_start3A_512] : memref<10000x128xf32, #tpu.memory_space<hbm>> -> memref<10000x128xf32, #tpu.memory_space<hbm>>
      tpu.enqueue_indirect_dma source(%dma_start3A_513 : memref<10000x128xf32, #tpu.memory_space<hbm>>) target(%arg8 : memref<128x128xf32, #tpu.memory_space<vmem>>) offsets(%dma_start3A_510 : memref<128xi32, #tpu.memory_space<vmem>>) semaphore(%arg11 : memref<!tpu.dma_semaphore, #tpu.memory_space<semaphore_mem>>)
      %add3A_514 = arith.constant 1 : i32
      %add3A_515 = arith.addi %mul3A_280, %add3A_514 : i32
      %dma_wait3A_516 = arith.constant 1 : i32
      %dma_wait3A_517 = arith.constant 0 : i32
      %dma_wait3A_518 = tpu.memref_slice %arg7[%dma_wait3A_516, %dma_wait3A_517] : memref<4x128xi32, #tpu.memory_space<vmem>> -> memref<1x128xi32, #tpu.memory_space<vmem>>
      %dma_wait3A_519 = tpu.memref_squeeze %dma_wait3A_518 : memref<1x128xi32, #tpu.memory_space<vmem>> -> memref<128xi32, #tpu.memory_space<vmem>>
      %dma_wait3A_520 = arith.constant 0 : i32
      %dma_wait3A_521 = arith.constant 0 : i32
      %dma_wait3A_522 = tpu.memref_slice %arg2[%dma_wait3A_520, %dma_wait3A_521] : memref<10000x128xf32, #tpu.memory_space<hbm>> -> memref<10000x128xf32, #tpu.memory_space<hbm>>
      tpu.wait_indirect_dma semaphore(%arg12 : memref<!tpu.dma_semaphore, #tpu.memory_space<semaphore_mem>>) src(%dma_wait3A_522 : memref<10000x128xf32, #tpu.memory_space<hbm>>) dst(%arg9 : memref<128x128xf32, #tpu.memory_space<vmem>>)
      %get3A_523 = arith.index_cast %add3A_515 : i32 to index
      %get3A_524 = arith.constant 0 : index
      %get3A_525 = tpu.vector_load %arg6[%get3A_523, %get3A_524] {strides = array<i32>} : memref<80x128xi32, #tpu.memory_space<vmem>>, vector<1x16xi32>,
      %get3A_526 = vector.shape_cast %get3A_525 : vector<1x16xi32> to vector<16xi32>
      %shift_right_logical3A_527 = arith.constant 14 : i32
      %shift_right_logical3A_528 = vector.broadcast %shift_right_logical3A_527 : i32 to vector<16xi32>
      %shift_right_logical3A_529 = arith.shrui %get3A_526, %shift_right_logical3A_528 : vector<16xi32>
      %swap3A_530 = arith.constant 3 : i32
      %swap3A_531 = arith.index_cast %swap3A_530 : i32 to index
      %swap3A_532 = arith.constant 0 : index
      %swap3A_533 = tpu.vector_load %arg7[%swap3A_531, %swap3A_532] {strides = array<i32>} : memref<4x128xi32, #tpu.memory_space<vmem>>, vector<1x16xi32>,
      %swap3A_534 = vector.shape_cast %swap3A_533 : vector<1x16xi32> to vector<16xi32>
      %swap3A_535 = vector.shape_cast %shift_right_logical3A_529 : vector<16xi32> to vector<1x16xi32>
      tpu.vector_store %arg7[%swap3A_531, %swap3A_532], %swap3A_535 {strides = array<i32>} : memref<4x128xi32, #tpu.memory_space<vmem>>, vector<1x16xi32>,
      %get3A_536 = arith.index_cast %add3A_515 : i32 to index
      %get3A_537 = arith.constant 16 : index
      %get3A_538 = tpu.vector_load %arg6[%get3A_536, %get3A_537] {strides = array<i32>} : memref<80x128xi32, #tpu.memory_space<vmem>>, vector<1x16xi32>,
      %get3A_539 = vector.shape_cast %get3A_538 : vector<1x16xi32> to vector<16xi32>
      %shift_right_logical3A_540 = arith.constant 14 : i32
      %shift_right_logical3A_541 = vector.broadcast %shift_right_logical3A_540 : i32 to vector<16xi32>
      %shift_right_logical3A_542 = arith.shrui %get3A_539, %shift_right_logical3A_541 : vector<16xi32>
      %swap3A_543 = arith.constant 3 : i32
      %swap3A_544 = arith.index_cast %swap3A_543 : i32 to index
      %swap3A_545 = arith.constant 16 : index
      %swap3A_546 = tpu.vector_load %arg7[%swap3A_544, %swap3A_545] {strides = array<i32>} : memref<4x128xi32, #tpu.memory_space<vmem>>, vector<1x16xi32>,
      %swap3A_547 = vector.shape_cast %swap3A_546 : vector<1x16xi32> to vector<16xi32>
      %swap3A_548 = vector.shape_cast %shift_right_logical3A_542 : vector<16xi32> to vector<1x16xi32>
      tpu.vector_store %arg7[%swap3A_544, %swap3A_545], %swap3A_548 {strides = array<i32>} : memref<4x128xi32, #tpu.memory_space<vmem>>, vector<1x16xi32>,
      %get3A_549 = arith.index_cast %add3A_515 : i32 to index
      %get3A_550 = arith.constant 32 : index
      %get3A_551 = tpu.vector_load %arg6[%get3A_549, %get3A_550] {strides = array<i32>} : memref<80x128xi32, #tpu.memory_space<vmem>>, vector<1x16xi32>,
      %get3A_552 = vector.shape_cast %get3A_551 : vector<1x16xi32> to vector<16xi32>
      %shift_right_logical3A_553 = arith.constant 14 : i32
      %shift_right_logical3A_554 = vector.broadcast %shift_right_logical3A_553 : i32 to vector<16xi32>
      %shift_right_logical3A_555 = arith.shrui %get3A_552, %shift_right_logical3A_554 : vector<16xi32>
      %swap3A_556 = arith.constant 3 : i32
      %swap3A_557 = arith.index_cast %swap3A_556 : i32 to index
      %swap3A_558 = arith.constant 32 : index
      %swap3A_559 = tpu.vector_load %arg7[%swap3A_557, %swap3A_558] {strides = array<i32>} : memref<4x128xi32, #tpu.memory_space<vmem>>, vector<1x16xi32>,
      %swap3A_560 = vector.shape_cast %swap3A_559 : vector<1x16xi32> to vector<16xi32>
      %swap3A_561 = vector.shape_cast %shift_right_logical3A_555 : vector<16xi32> to vector<1x16xi32>
      tpu.vector_store %arg7[%swap3A_557, %swap3A_558], %swap3A_561 {strides = array<i32>} : memref<4x128xi32, #tpu.memory_space<vmem>>, vector<1x16xi32>,
      %get3A_562 = arith.index_cast %add3A_515 : i32 to index
      %get3A_563 = arith.constant 48 : index
      %get3A_564 = tpu.vector_load %arg6[%get3A_562, %get3A_563] {strides = array<i32>} : memref<80x128xi32, #tpu.memory_space<vmem>>, vector<1x16xi32>,
      %get3A_565 = vector.shape_cast %get3A_564 : vector<1x16xi32> to vector<16xi32>
      %shift_right_logical3A_566 = arith.constant 14 : i32
      %shift_right_logical3A_567 = vector.broadcast %shift_right_logical3A_566 : i32 to vector<16xi32>
      %shift_right_logical3A_568 = arith.shrui %get3A_565, %shift_right_logical3A_567 : vector<16xi32>
      %swap3A_569 = arith.constant 3 : i32
      %swap3A_570 = arith.index_cast %swap3A_569 : i32 to index
      %swap3A_571 = arith.constant 48 : index
      %swap3A_572 = tpu.vector_load %arg7[%swap3A_570, %swap3A_571] {strides = array<i32>} : memref<4x128xi32, #tpu.memory_space<vmem>>, vector<1x16xi32>,
      %swap3A_573 = vector.shape_cast %swap3A_572 : vector<1x16xi32> to vector<16xi32>
      %swap3A_574 = vector.shape_cast %shift_right_logical3A_568 : vector<16xi32> to vector<1x16xi32>
      tpu.vector_store %arg7[%swap3A_570, %swap3A_571], %swap3A_574 {strides = array<i32>} : memref<4x128xi32, #tpu.memory_space<vmem>>, vector<1x16xi32>,
      %get3A_575 = arith.index_cast %add3A_515 : i32 to index
      %get3A_576 = arith.constant 64 : index
      %get3A_577 = tpu.vector_load %arg6[%get3A_575, %get3A_576] {strides = array<i32>} : memref<80x128xi32, #tpu.memory_space<vmem>>, vector<1x16xi32>,
      %get3A_578 = vector.shape_cast %get3A_577 : vector<1x16xi32> to vector<16xi32>
      %shift_right_logical3A_579 = arith.constant 14 : i32
      %shift_right_logical3A_580 = vector.broadcast %shift_right_logical3A_579 : i32 to vector<16xi32>
      %shift_right_logical3A_581 = arith.shrui %get3A_578, %shift_right_logical3A_580 : vector<16xi32>
      %swap3A_582 = arith.constant 3 : i32
      %swap3A_583 = arith.index_cast %swap3A_582 : i32 to index
      %swap3A_584 = arith.constant 64 : index
      %swap3A_585 = tpu.vector_load %arg7[%swap3A_583, %swap3A_584] {strides = array<i32>} : memref<4x128xi32, #tpu.memory_space<vmem>>, vector<1x16xi32>,
      %swap3A_586 = vector.shape_cast %swap3A_585 : vector<1x16xi32> to vector<16xi32>
      %swap3A_587 = vector.shape_cast %shift_right_logical3A_581 : vector<16xi32> to vector<1x16xi32>
      tpu.vector_store %arg7[%swap3A_583, %swap3A_584], %swap3A_587 {strides = array<i32>} : memref<4x128xi32, #tpu.memory_space<vmem>>, vector<1x16xi32>,
      %get3A_588 = arith.index_cast %add3A_515 : i32 to index
      %get3A_589 = arith.constant 80 : index
      %get3A_590 = tpu.vector_load %arg6[%get3A_588, %get3A_589] {strides = array<i32>} : memref<80x128xi32, #tpu.memory_space<vmem>>, vector<1x16xi32>,
      %get3A_591 = vector.shape_cast %get3A_590 : vector<1x16xi32> to vector<16xi32>
      %shift_right_logical3A_592 = arith.constant 14 : i32
      %shift_right_logical3A_593 = vector.broadcast %shift_right_logical3A_592 : i32 to vector<16xi32>
      %shift_right_logical3A_594 = arith.shrui %get3A_591, %shift_right_logical3A_593 : vector<16xi32>
      %swap3A_595 = arith.constant 3 : i32
      %swap3A_596 = arith.index_cast %swap3A_595 : i32 to index
      %swap3A_597 = arith.constant 80 : index
      %swap3A_598 = tpu.vector_load %arg7[%swap3A_596, %swap3A_597] {strides = array<i32>} : memref<4x128xi32, #tpu.memory_space<vmem>>, vector<1x16xi32>,
      %swap3A_599 = vector.shape_cast %swap3A_598 : vector<1x16xi32> to vector<16xi32>
      %swap3A_600 = vector.shape_cast %shift_right_logical3A_594 : vector<16xi32> to vector<1x16xi32>
      tpu.vector_store %arg7[%swap3A_596, %swap3A_597], %swap3A_600 {strides = array<i32>} : memref<4x128xi32, #tpu.memory_space<vmem>>, vector<1x16xi32>,
      %get3A_601 = arith.index_cast %add3A_515 : i32 to index
      %get3A_602 = arith.constant 96 : index
      %get3A_603 = tpu.vector_load %arg6[%get3A_601, %get3A_602] {strides = array<i32>} : memref<80x128xi32, #tpu.memory_space<vmem>>, vector<1x16xi32>,
      %get3A_604 = vector.shape_cast %get3A_603 : vector<1x16xi32> to vector<16xi32>
      %shift_right_logical3A_605 = arith.constant 14 : i32
      %shift_right_logical3A_606 = vector.broadcast %shift_right_logical3A_605 : i32 to vector<16xi32>
      %shift_right_logical3A_607 = arith.shrui %get3A_604, %shift_right_logical3A_606 : vector<16xi32>
      %swap3A_608 = arith.constant 3 : i32
      %swap3A_609 = arith.index_cast %swap3A_608 : i32 to index
      %swap3A_610 = arith.constant 96 : index
      %swap3A_611 = tpu.vector_load %arg7[%swap3A_609, %swap3A_610] {strides = array<i32>} : memref<4x128xi32, #tpu.memory_space<vmem>>, vector<1x16xi32>,
      %swap3A_612 = vector.shape_cast %swap3A_611 : vector<1x16xi32> to vector<16xi32>
      %swap3A_613 = vector.shape_cast %shift_right_logical3A_607 : vector<16xi32> to vector<1x16xi32>
      tpu.vector_store %arg7[%swap3A_609, %swap3A_610], %swap3A_613 {strides = array<i32>} : memref<4x128xi32, #tpu.memory_space<vmem>>, vector<1x16xi32>,
      %get3A_614 = arith.index_cast %add3A_515 : i32 to index
      %get3A_615 = arith.constant 112 : index
      %get3A_616 = tpu.vector_load %arg6[%get3A_614, %get3A_615] {strides = array<i32>} : memref<80x128xi32, #tpu.memory_space<vmem>>, vector<1x16xi32>,
      %get3A_617 = vector.shape_cast %get3A_616 : vector<1x16xi32> to vector<16xi32>
      %shift_right_logical3A_618 = arith.constant 14 : i32
      %shift_right_logical3A_619 = vector.broadcast %shift_right_logical3A_618 : i32 to vector<16xi32>
      %shift_right_logical3A_620 = arith.shrui %get3A_617, %shift_right_logical3A_619 : vector<16xi32>
      %swap3A_621 = arith.constant 3 : i32
      %swap3A_622 = arith.index_cast %swap3A_621 : i32 to index
      %swap3A_623 = arith.constant 112 : index
      %swap3A_624 = tpu.vector_load %arg7[%swap3A_622, %swap3A_623] {strides = array<i32>} : memref<4x128xi32, #tpu.memory_space<vmem>>, vector<1x16xi32>,
      %swap3A_625 = vector.shape_cast %swap3A_624 : vector<1x16xi32> to vector<16xi32>
      %swap3A_626 = vector.shape_cast %shift_right_logical3A_620 : vector<16xi32> to vector<1x16xi32>
      tpu.vector_store %arg7[%swap3A_622, %swap3A_623], %swap3A_626 {strides = array<i32>} : memref<4x128xi32, #tpu.memory_space<vmem>>, vector<1x16xi32>,
      %run_scoped3A_627 = arith.constant 3 : i32
      "tpu.region"() ({
        %run_scoped3A_757 = tpu.sem_alloc : memref<!tpu.dma_semaphore, #tpu.memory_space<semaphore_mem>>
        %dma_start3A_758 = arith.constant 0 : i32
        %dma_start3A_759 = tpu.memref_slice %arg7[%run_scoped3A_627, %dma_start3A_758] : memref<4x128xi32, #tpu.memory_space<vmem>> -> memref<1x128xi32, #tpu.memory_space<vmem>>
        %dma_start3A_760 = tpu.memref_squeeze %dma_start3A_759 : memref<1x128xi32, #tpu.memory_space<vmem>> -> memref<128xi32, #tpu.memory_space<vmem>>
        %dma_start3A_761 = arith.constant 0 : i32
        %dma_start3A_762 = arith.constant 0 : i32
        %dma_start3A_763 = tpu.memref_slice %arg10[%dma_start3A_761, %dma_start3A_762] : memref<10240x128xf32, #tpu.memory_space<vmem_shared>> -> memref<10240x128xf32, #tpu.memory_space<vmem_shared>>
        tpu.enqueue_indirect_dma source(%arg9 : memref<128x128xf32, #tpu.memory_space<vmem>>) target(%dma_start3A_763 : memref<10240x128xf32, #tpu.memory_space<vmem_shared>>) offsets(%dma_start3A_760 : memref<128xi32, #tpu.memory_space<vmem>>) semaphore(%run_scoped3A_757 : memref<!tpu.dma_semaphore, #tpu.memory_space<semaphore_mem>>) {add = true}
        %dma_wait3A_764 = arith.constant 0 : i32
        %dma_wait3A_765 = tpu.memref_slice %arg7[%run_scoped3A_627, %dma_wait3A_764] : memref<4x128xi32, #tpu.memory_space<vmem>> -> memref<1x128xi32, #tpu.memory_space<vmem>>
        %dma_wait3A_766 = tpu.memref_squeeze %dma_wait3A_765 : memref<1x128xi32, #tpu.memory_space<vmem>> -> memref<128xi32, #tpu.memory_space<vmem>>
        %dma_wait3A_767 = arith.constant 0 : i32
        %dma_wait3A_768 = arith.constant 0 : i32
        %dma_wait3A_769 = tpu.memref_slice %arg10[%dma_wait3A_767, %dma_wait3A_768] : memref<10240x128xf32, #tpu.memory_space<vmem_shared>> -> memref<10240x128xf32, #tpu.memory_space<vmem_shared>>
        tpu.wait_indirect_dma semaphore(%run_scoped3A_757 : memref<!tpu.dma_semaphore, #tpu.memory_space<semaphore_mem>>) src(%arg9 : memref<128x128xf32, #tpu.memory_space<vmem>>) dst(%dma_wait3A_769 : memref<10240x128xf32, #tpu.memory_space<vmem_shared>>)
        tpu.yield
      }) : () -> ()
      %add3A_628 = arith.constant 2 : i32
      %add3A_629 = arith.addi %add3A_515, %add3A_628 : i32
      %jit3A_630 = arith.constant 80 : i32
      %eq3A_631 = arith.constant 0 : i32
      %eq3A_632 = arith.cmpi eq, %jit3A_630, %eq3A_631 : i32
      %jit3A_633 = arith.constant 1 : i32
      %select_n3A_634 = arith.select %eq3A_632, %jit3A_633, %jit3A_630 : i32
      %rem3A_635 = arith.remsi %add3A_629, %select_n3A_634 : i32
      %ne3A_636 = arith.constant 0 : i32
      %ne3A_637 = arith.cmpi ne, %rem3A_635, %ne3A_636 : i32
      %lt3A_638 = arith.constant 0 : i32
      %lt3A_639 = arith.cmpi slt, %rem3A_635, %lt3A_638 : i32
      %lt3A_640 = arith.constant 0 : i32
      %lt3A_641 = arith.cmpi slt, %select_n3A_634, %lt3A_640 : i32
      %ne3A_642 = arith.xori %lt3A_639, %lt3A_641 : i1
      %and3A_643 = arith.andi %ne3A_642, %ne3A_637 : i1
      %add3A_644 = arith.addi %rem3A_635, %select_n3A_634 : i32
      %select_n3A_645 = arith.select %and3A_643, %add3A_644, %rem3A_635 : i32
      %get3A_646 = arith.index_cast %select_n3A_645 : i32 to index
      %get3A_647 = arith.constant 0 : index
      %get3A_648 = tpu.vector_load %arg6[%get3A_646, %get3A_647] {strides = array<i32>} : memref<80x128xi32, #tpu.memory_space<vmem>>, vector<1x16xi32>,
      %get3A_649 = vector.shape_cast %get3A_648 : vector<1x16xi32> to vector<16xi32>
      %and3A_650 = arith.constant 16383 : i32
      %and3A_651 = vector.broadcast %and3A_650 : i32 to vector<16xi32>
      %and3A_652 = arith.andi %get3A_649, %and3A_651 : vector<16xi32>
      %swap3A_653 = arith.constant 1 : i32
      %swap3A_654 = arith.index_cast %swap3A_653 : i32 to index
      %swap3A_655 = arith.constant 0 : index
      %swap3A_656 = tpu.vector_load %arg7[%swap3A_654, %swap3A_655] {strides = array<i32>} : memref<4x128xi32, #tpu.memory_space<vmem>>, vector<1x16xi32>,
      %swap3A_657 = vector.shape_cast %swap3A_656 : vector<1x16xi32> to vector<16xi32>
      %swap3A_658 = vector.shape_cast %and3A_652 : vector<16xi32> to vector<1x16xi32>
      tpu.vector_store %arg7[%swap3A_654, %swap3A_655], %swap3A_658 {strides = array<i32>} : memref<4x128xi32, #tpu.memory_space<vmem>>, vector<1x16xi32>,
      %get3A_659 = arith.index_cast %select_n3A_645 : i32 to index
      %get3A_660 = arith.constant 16 : index
      %get3A_661 = tpu.vector_load %arg6[%get3A_659, %get3A_660] {strides = array<i32>} : memref<80x128xi32, #tpu.memory_space<vmem>>, vector<1x16xi32>,
      %get3A_662 = vector.shape_cast %get3A_661 : vector<1x16xi32> to vector<16xi32>
      %and3A_663 = arith.constant 16383 : i32
      %and3A_664 = vector.broadcast %and3A_663 : i32 to vector<16xi32>
      %and3A_665 = arith.andi %get3A_662, %and3A_664 : vector<16xi32>
      %swap3A_666 = arith.constant 1 : i32
      %swap3A_667 = arith.index_cast %swap3A_666 : i32 to index
      %swap3A_668 = arith.constant 16 : index
      %swap3A_669 = tpu.vector_load %arg7[%swap3A_667, %swap3A_668] {strides = array<i32>} : memref<4x128xi32, #tpu.memory_space<vmem>>, vector<1x16xi32>,
      %swap3A_670 = vector.shape_cast %swap3A_669 : vector<1x16xi32> to vector<16xi32>
      %swap3A_671 = vector.shape_cast %and3A_665 : vector<16xi32> to vector<1x16xi32>
      tpu.vector_store %arg7[%swap3A_667, %swap3A_668], %swap3A_671 {strides = array<i32>} : memref<4x128xi32, #tpu.memory_space<vmem>>, vector<1x16xi32>,
      %get3A_672 = arith.index_cast %select_n3A_645 : i32 to index
      %get3A_673 = arith.constant 32 : index
      %get3A_674 = tpu.vector_load %arg6[%get3A_672, %get3A_673] {strides = array<i32>} : memref<80x128xi32, #tpu.memory_space<vmem>>, vector<1x16xi32>,
      %get3A_675 = vector.shape_cast %get3A_674 : vector<1x16xi32> to vector<16xi32>
      %and3A_676 = arith.constant 16383 : i32
      %and3A_677 = vector.broadcast %and3A_676 : i32 to vector<16xi32>
      %and3A_678 = arith.andi %get3A_675, %and3A_677 : vector<16xi32>
      %swap3A_679 = arith.constant 1 : i32
      %swap3A_680 = arith.index_cast %swap3A_679 : i32 to index
      %swap3A_681 = arith.constant 32 : index
      %swap3A_682 = tpu.vector_load %arg7[%swap3A_680, %swap3A_681] {strides = array<i32>} : memref<4x128xi32, #tpu.memory_space<vmem>>, vector<1x16xi32>,
      %swap3A_683 = vector.shape_cast %swap3A_682 : vector<1x16xi32> to vector<16xi32>
      %swap3A_684 = vector.shape_cast %and3A_678 : vector<16xi32> to vector<1x16xi32>
      tpu.vector_store %arg7[%swap3A_680, %swap3A_681], %swap3A_684 {strides = array<i32>} : memref<4x128xi32, #tpu.memory_space<vmem>>, vector<1x16xi32>,
      %get3A_685 = arith.index_cast %select_n3A_645 : i32 to index
      %get3A_686 = arith.constant 48 : index
      %get3A_687 = tpu.vector_load %arg6[%get3A_685, %get3A_686] {strides = array<i32>} : memref<80x128xi32, #tpu.memory_space<vmem>>, vector<1x16xi32>,
      %get3A_688 = vector.shape_cast %get3A_687 : vector<1x16xi32> to vector<16xi32>
      %and3A_689 = arith.constant 16383 : i32
      %and3A_690 = vector.broadcast %and3A_689 : i32 to vector<16xi32>
      %and3A_691 = arith.andi %get3A_688, %and3A_690 : vector<16xi32>
      %swap3A_692 = arith.constant 1 : i32
      %swap3A_693 = arith.index_cast %swap3A_692 : i32 to index
      %swap3A_694 = arith.constant 48 : index
      %swap3A_695 = tpu.vector_load %arg7[%swap3A_693, %swap3A_694] {strides = array<i32>} : memref<4x128xi32, #tpu.memory_space<vmem>>, vector<1x16xi32>,
      %swap3A_696 = vector.shape_cast %swap3A_695 : vector<1x16xi32> to vector<16xi32>
      %swap3A_697 = vector.shape_cast %and3A_691 : vector<16xi32> to vector<1x16xi32>
      tpu.vector_store %arg7[%swap3A_693, %swap3A_694], %swap3A_697 {strides = array<i32>} : memref<4x128xi32, #tpu.memory_space<vmem>>, vector<1x16xi32>,
      %get3A_698 = arith.index_cast %select_n3A_645 : i32 to index
      %get3A_699 = arith.constant 64 : index
      %get3A_700 = tpu.vector_load %arg6[%get3A_698, %get3A_699] {strides = array<i32>} : memref<80x128xi32, #tpu.memory_space<vmem>>, vector<1x16xi32>,
      %get3A_701 = vector.shape_cast %get3A_700 : vector<1x16xi32> to vector<16xi32>
      %and3A_702 = arith.constant 16383 : i32
      %and3A_703 = vector.broadcast %and3A_702 : i32 to vector<16xi32>
      %and3A_704 = arith.andi %get3A_701, %and3A_703 : vector<16xi32>
      %swap3A_705 = arith.constant 1 : i32
      %swap3A_706 = arith.index_cast %swap3A_705 : i32 to index
      %swap3A_707 = arith.constant 64 : index
      %swap3A_708 = tpu.vector_load %arg7[%swap3A_706, %swap3A_707] {strides = array<i32>} : memref<4x128xi32, #tpu.memory_space<vmem>>, vector<1x16xi32>,
      %swap3A_709 = vector.shape_cast %swap3A_708 : vector<1x16xi32> to vector<16xi32>
      %swap3A_710 = vector.shape_cast %and3A_704 : vector<16xi32> to vector<1x16xi32>
      tpu.vector_store %arg7[%swap3A_706, %swap3A_707], %swap3A_710 {strides = array<i32>} : memref<4x128xi32, #tpu.memory_space<vmem>>, vector<1x16xi32>,
      %get3A_711 = arith.index_cast %select_n3A_645 : i32 to index
      %get3A_712 = arith.constant 80 : index
      %get3A_713 = tpu.vector_load %arg6[%get3A_711, %get3A_712] {strides = array<i32>} : memref<80x128xi32, #tpu.memory_space<vmem>>, vector<1x16xi32>,
      %get3A_714 = vector.shape_cast %get3A_713 : vector<1x16xi32> to vector<16xi32>
      %and3A_715 = arith.constant 16383 : i32
      %and3A_716 = vector.broadcast %and3A_715 : i32 to vector<16xi32>
      %and3A_717 = arith.andi %get3A_714, %and3A_716 : vector<16xi32>
      %swap3A_718 = arith.constant 1 : i32
      %swap3A_719 = arith.index_cast %swap3A_718 : i32 to index
      %swap3A_720 = arith.constant 80 : index
      %swap3A_721 = tpu.vector_load %arg7[%swap3A_719, %swap3A_720] {strides = array<i32>} : memref<4x128xi32, #tpu.memory_space<vmem>>, vector<1x16xi32>,
      %swap3A_722 = vector.shape_cast %swap3A_721 : vector<1x16xi32> to vector<16xi32>
      %swap3A_723 = vector.shape_cast %and3A_717 : vector<16xi32> to vector<1x16xi32>
      tpu.vector_store %arg7[%swap3A_719, %swap3A_720], %swap3A_723 {strides = array<i32>} : memref<4x128xi32, #tpu.memory_space<vmem>>, vector<1x16xi32>,
      %get3A_724 = arith.index_cast %select_n3A_645 : i32 to index
      %get3A_725 = arith.constant 96 : index
      %get3A_726 = tpu.vector_load %arg6[%get3A_724, %get3A_725] {strides = array<i32>} : memref<80x128xi32, #tpu.memory_space<vmem>>, vector<1x16xi32>,
      %get3A_727 = vector.shape_cast %get3A_726 : vector<1x16xi32> to vector<16xi32>
      %and3A_728 = arith.constant 16383 : i32
      %and3A_729 = vector.broadcast %and3A_728 : i32 to vector<16xi32>
      %and3A_730 = arith.andi %get3A_727, %and3A_729 : vector<16xi32>
      %swap3A_731 = arith.constant 1 : i32
      %swap3A_732 = arith.index_cast %swap3A_731 : i32 to index
      %swap3A_733 = arith.constant 96 : index
      %swap3A_734 = tpu.vector_load %arg7[%swap3A_732, %swap3A_733] {strides = array<i32>} : memref<4x128xi32, #tpu.memory_space<vmem>>, vector<1x16xi32>,
      %swap3A_735 = vector.shape_cast %swap3A_734 : vector<1x16xi32> to vector<16xi32>
      %swap3A_736 = vector.shape_cast %and3A_730 : vector<16xi32> to vector<1x16xi32>
      tpu.vector_store %arg7[%swap3A_732, %swap3A_733], %swap3A_736 {strides = array<i32>} : memref<4x128xi32, #tpu.memory_space<vmem>>, vector<1x16xi32>,
      %get3A_737 = arith.index_cast %select_n3A_645 : i32 to index
      %get3A_738 = arith.constant 112 : index
      %get3A_739 = tpu.vector_load %arg6[%get3A_737, %get3A_738] {strides = array<i32>} : memref<80x128xi32, #tpu.memory_space<vmem>>, vector<1x16xi32>,
      %get3A_740 = vector.shape_cast %get3A_739 : vector<1x16xi32> to vector<16xi32>
      %and3A_741 = arith.constant 16383 : i32
      %and3A_742 = vector.broadcast %and3A_741 : i32 to vector<16xi32>
      %and3A_743 = arith.andi %get3A_740, %and3A_742 : vector<16xi32>
      %swap3A_744 = arith.constant 1 : i32
      %swap3A_745 = arith.index_cast %swap3A_744 : i32 to index
      %swap3A_746 = arith.constant 112 : index
      %swap3A_747 = tpu.vector_load %arg7[%swap3A_745, %swap3A_746] {strides = array<i32>} : memref<4x128xi32, #tpu.memory_space<vmem>>, vector<1x16xi32>,
      %swap3A_748 = vector.shape_cast %swap3A_747 : vector<1x16xi32> to vector<16xi32>
      %swap3A_749 = vector.shape_cast %and3A_743 : vector<16xi32> to vector<1x16xi32>
      tpu.vector_store %arg7[%swap3A_745, %swap3A_746], %swap3A_749 {strides = array<i32>} : memref<4x128xi32, #tpu.memory_space<vmem>>, vector<1x16xi32>,
      %dma_start3A_750 = arith.constant 1 : i32
      %dma_start3A_751 = arith.constant 0 : i32
      %dma_start3A_752 = tpu.memref_slice %arg7[%dma_start3A_750, %dma_start3A_751] : memref<4x128xi32, #tpu.memory_space<vmem>> -> memref<1x128xi32, #tpu.memory_space<vmem>>
      %dma_start3A_753 = tpu.memref_squeeze %dma_start3A_752 : memref<1x128xi32, #tpu.memory_space<vmem>> -> memref<128xi32, #tpu.memory_space<vmem>>
      %dma_start3A_754 = arith.constant 0 : i32
      %dma_start3A_755 = arith.constant 0 : i32
      %dma_start3A_756 = tpu.memref_slice %arg2[%dma_start3A_754, %dma_start3A_755] : memref<10000x128xf32, #tpu.memory_space<hbm>> -> memref<10000x128xf32, #tpu.memory_space<hbm>>
      tpu.enqueue_indirect_dma source(%dma_start3A_756 : memref<10000x128xf32, #tpu.memory_space<hbm>>) target(%arg9 : memref<128x128xf32, #tpu.memory_space<vmem>>) offsets(%dma_start3A_753 : memref<128xi32, #tpu.memory_space<vmem>>) semaphore(%arg12 : memref<!tpu.dma_semaphore, #tpu.memory_space<semaphore_mem>>)
    }
    %scan3A_259 = arith.constant 40 : i32
    %dma_wait3A = arith.constant 0 : i32
    %dma_wait3A_260 = arith.constant 0 : i32
    %dma_wait3A_261 = tpu.memref_slice %arg7[%dma_wait3A, %dma_wait3A_260] : memref<4x128xi32, #tpu.memory_space<vmem>> -> memref<1x128xi32, #tpu.memory_space<vmem>>
    %dma_wait3A_262 = tpu.memref_squeeze %dma_wait3A_261 : memref<1x128xi32, #tpu.memory_space<vmem>> -> memref<128xi32, #tpu.memory_space<vmem>>
    %dma_wait3A_263 = arith.constant 0 : i32
    %dma_wait3A_264 = arith.constant 0 : i32
    %dma_wait3A_265 = tpu.memref_slice %arg2[%dma_wait3A_263, %dma_wait3A_264] : memref<10000x128xf32, #tpu.memory_space<hbm>> -> memref<10000x128xf32, #tpu.memory_space<hbm>>
    tpu.wait_indirect_dma semaphore(%arg11 : memref<!tpu.dma_semaphore, #tpu.memory_space<semaphore_mem>>) src(%dma_wait3A_265 : memref<10000x128xf32, #tpu.memory_space<hbm>>) dst(%arg8 : memref<128x128xf32, #tpu.memory_space<vmem>>)
    %dma_wait3A_266 = arith.constant 1 : i32
    %dma_wait3A_267 = arith.constant 0 : i32
    %dma_wait3A_268 = tpu.memref_slice %arg7[%dma_wait3A_266, %dma_wait3A_267] : memref<4x128xi32, #tpu.memory_space<vmem>> -> memref<1x128xi32, #tpu.memory_space<vmem>>
    %dma_wait3A_269 = tpu.memref_squeeze %dma_wait3A_268 : memref<1x128xi32, #tpu.memory_space<vmem>> -> memref<128xi32, #tpu.memory_space<vmem>>
    %dma_wait3A_270 = arith.constant 0 : i32
    %dma_wait3A_271 = arith.constant 0 : i32
    %dma_wait3A_272 = tpu.memref_slice %arg2[%dma_wait3A_270, %dma_wait3A_271] : memref<10000x128xf32, #tpu.memory_space<hbm>> -> memref<10000x128xf32, #tpu.memory_space<hbm>>
    tpu.wait_indirect_dma semaphore(%arg12 : memref<!tpu.dma_semaphore, #tpu.memory_space<semaphore_mem>>) src(%dma_wait3A_272 : memref<10000x128xf32, #tpu.memory_space<hbm>>) dst(%arg9 : memref<128x128xf32, #tpu.memory_space<vmem>>)
    %barrier3A_273 = arith.constant 0 : index
    tpu.barrier barrier_id(%barrier3A_273)
    %mul3A_274 = arith.constant 640 : i32
    %mul3A_275 = arith.muli %arg1, %mul3A_274 : i32
    %mul3A_276 = arith.constant 640 : i32
    %mul3A_277 = arith.muli %arg1, %mul3A_276 : i32
    "tpu.region"() ({
      %run_scoped3A = tpu.sem_alloc : memref<!tpu.dma_semaphore, #tpu.memory_space<semaphore_mem>>
      %dma_start3A_278 = arith.constant 0 : i32
      %dma_start3A_279 = tpu.memref_slice %arg5[%arg0, %mul3A_277, %dma_start3A_278] : memref<2x10240x128xf32, #tpu.memory_space<hbm>> -> memref<1x640x128xf32, #tpu.memory_space<hbm>>
      %dma_start3A_280 = tpu.memref_squeeze %dma_start3A_279 : memref<1x640x128xf32, #tpu.memory_space<hbm>> -> memref<640x128xf32, #tpu.memory_space<hbm>>
      %dma_start3A_281 = arith.constant 0 : i32
      %dma_start3A_282 = tpu.memref_slice %arg10[%mul3A_275, %dma_start3A_281] : memref<10240x128xf32, #tpu.memory_space<vmem_shared>> -> memref<640x128xf32, #tpu.memory_space<vmem_shared>>
      tpu.enqueue_dma source(%dma_start3A_282 : memref<640x128xf32, #tpu.memory_space<vmem_shared>>) target(%dma_start3A_280 : memref<640x128xf32, #tpu.memory_space<hbm>>) target_semaphore(%run_scoped3A : memref<!tpu.dma_semaphore, #tpu.memory_space<semaphore_mem>>)
      %dma_wait3A_283 = arith.constant 0 : i32
      %dma_wait3A_284 = tpu.memref_slice %arg5[%arg0, %mul3A_277, %dma_wait3A_283] : memref<2x10240x128xf32, #tpu.memory_space<hbm>> -> memref<1x640x128xf32, #tpu.memory_space<hbm>>
      %dma_wait3A_285 = tpu.memref_squeeze %dma_wait3A_284 : memref<1x640x128xf32, #tpu.memory_space<hbm>> -> memref<640x128xf32, #tpu.memory_space<hbm>>
      %dma_wait3A_286 = arith.constant 0 : i32
      %dma_wait3A_287 = tpu.memref_slice %arg10[%mul3A_275, %dma_wait3A_286] : memref<10240x128xf32, #tpu.memory_space<vmem_shared>> -> memref<640x128xf32, #tpu.memory_space<vmem_shared>>
      tpu.wait_dma2 semaphore(%run_scoped3A : memref<!tpu.dma_semaphore, #tpu.memory_space<semaphore_mem>>) src(%dma_wait3A_287 : memref<640x128xf32, #tpu.memory_space<vmem_shared>>) dst(%dma_wait3A_285 : memref<640x128xf32, #tpu.memory_space<hbm>>)
      tpu.yield
    }) : () -> ()
    return
  }
}

module attributes {stable_mosaic.version = 14 : i64} {
  func.func @body(%arg0: i32, %arg1: memref<2x1000x128xf32, #tpu.memory_space<vmem>>, %arg2: memref<2x1000x128xf32, #tpu.memory_space<vmem>>, %arg3: memref<1000x128xf32, #tpu.memory_space<vmem>>, %arg4: memref<128x128xf32, #tpu.memory_space<vmem>>, %arg5: memref<128x128xf32, #tpu.memory_space<vmem>>, %arg6: memref<1x128xf32, #tpu.memory_space<vmem>>, %arg7: memref<1000x128xf32, #tpu.memory_space<vmem>>) attributes {dimension_semantics = [#tpu.dimension_semantics<arbitrary>], iteration_bounds = array<i64: 10>, scalar_prefetch = 0 : i64, scratch_operands = 0 : i64, tpu.core_type = #tpu.core_type<tc>, window_params = [{transform_indices = @transform_0, window_bounds = array<i64: 2, 1000, 128>}, {transform_indices = @transform_1, window_bounds = array<i64: 2, 1000, 128>}, {transform_indices = @transform_2, window_bounds = array<i64: 1000, 128>}, {pipeline_mode = #tpu.pipeline_mode<synchronous>, transform_indices = @transform_3, window_bounds = array<i64: 128, 128>}, {pipeline_mode = #tpu.pipeline_mode<synchronous>, transform_indices = @transform_4, window_bounds = array<i64: 128, 128>}, {pipeline_mode = #tpu.pipeline_mode<synchronous>, transform_indices = @transform_5, window_bounds = array<i64: 1, 128>}, {transform_indices = @transform_6, window_bounds = array<i64: 1000, 128>}]} {
    %get3A = arith.constant 0 : index
    %get3A_0 = arith.constant 0 : index
    %get3A_1 = arith.constant 0 : index
    %get3A_2 = vector.load %arg1[%get3A, %get3A_0, %get3A_1] : memref<2x1000x128xf32, #tpu.memory_space<vmem>>, vector<1x1000x128xf32>
    %get3A_3 = vector.shape_cast %get3A_2 : vector<1x1000x128xf32> to vector<1000x128xf32>
    %get3A_4 = arith.constant 1 : index
    %get3A_5 = arith.constant 0 : index
    %get3A_6 = arith.constant 0 : index
    %get3A_7 = vector.load %arg1[%get3A_4, %get3A_5, %get3A_6] : memref<2x1000x128xf32, #tpu.memory_space<vmem>>, vector<1x1000x128xf32>
    %get3A_8 = vector.shape_cast %get3A_7 : vector<1x1000x128xf32> to vector<1000x128xf32>
    %add3A = arith.addf %get3A_3, %get3A_8 : vector<1000x128xf32>
    %get3A_9 = arith.constant 0 : index
    %get3A_10 = arith.constant 0 : index
    %get3A_11 = arith.constant 0 : index
    %get3A_12 = vector.load %arg2[%get3A_9, %get3A_10, %get3A_11] : memref<2x1000x128xf32, #tpu.memory_space<vmem>>, vector<1x1000x1xf32>
    %get3A_13 = vector.shape_cast %get3A_12 : vector<1x1000x1xf32> to vector<1000x1xf32>
    %get3A_14 = arith.constant 1 : index
    %get3A_15 = arith.constant 0 : index
    %get3A_16 = arith.constant 0 : index
    %get3A_17 = vector.load %arg2[%get3A_14, %get3A_15, %get3A_16] : memref<2x1000x128xf32, #tpu.memory_space<vmem>>, vector<1x1000x1xf32>
    %get3A_18 = vector.shape_cast %get3A_17 : vector<1x1000x1xf32> to vector<1000x1xf32>
    %add3A_19 = arith.addf %get3A_13, %get3A_18 : vector<1000x1xf32>
    %max3A = arith.constant 1.000000e+00 : f32
    %max3A_20 = vector.broadcast %max3A : f32 to vector<1000x1xf32>
    %max3A_21 = arith.maximumf %add3A_19, %max3A_20 : vector<1000x1xf32>
    %div3A = vector.broadcast %max3A_21 : vector<1000x1xf32> to vector<1000x128xf32>
    %div3A_22 = arith.divf %add3A, %div3A : vector<1000x128xf32>
    %get3A_23 = arith.constant 0 : index
    %get3A_24 = arith.constant 0 : index
    %get3A_25 = vector.load %arg4[%get3A_23, %get3A_24] : memref<128x128xf32, #tpu.memory_space<vmem>>, vector<128x128xf32>
    %dot_general3A = arith.constant dense<0.000000e+00> : vector<1000x128xf32>
    %dot_general3A_26 = tpu.matmul %div3A_22, %get3A_25, %dot_general3A {dimension_numbers = #tpu.dot_dimension_numbers<[1], [0], [0], [1], [0, 0, 1, 1], [], []>, transpose_lhs_hint = false} : vector<1000x128xf32>, vector<128x128xf32>, vector<1000x128xf32> -> vector<1000x128xf32>
    %get3A_27 = arith.constant 0 : index
    %get3A_28 = arith.constant 0 : index
    %get3A_29 = vector.load %arg3[%get3A_27, %get3A_28] : memref<1000x128xf32, #tpu.memory_space<vmem>>, vector<1000x128xf32>
    %get3A_30 = arith.constant 0 : index
    %get3A_31 = arith.constant 0 : index
    %get3A_32 = vector.load %arg5[%get3A_30, %get3A_31] : memref<128x128xf32, #tpu.memory_space<vmem>>, vector<128x128xf32>
    %dot_general3A_33 = arith.constant dense<0.000000e+00> : vector<1000x128xf32>
    %dot_general3A_34 = tpu.matmul %get3A_29, %get3A_32, %dot_general3A_33 {dimension_numbers = #tpu.dot_dimension_numbers<[1], [0], [0], [1], [0, 0, 1, 1], [], []>, transpose_lhs_hint = false} : vector<1000x128xf32>, vector<128x128xf32>, vector<1000x128xf32> -> vector<1000x128xf32>
    %add3A_35 = arith.addf %dot_general3A_26, %dot_general3A_34 : vector<1000x128xf32>
    %get3A_36 = arith.constant 0 : index
    %get3A_37 = arith.constant 0 : index
    %get3A_38 = vector.load %arg6[%get3A_36, %get3A_37] : memref<1x128xf32, #tpu.memory_space<vmem>>, vector<1x128xf32>
    %add3A_39 = vector.broadcast %get3A_38 : vector<1x128xf32> to vector<1000x128xf32>
    %add3A_40 = arith.addf %add3A_35, %add3A_39 : vector<1000x128xf32>
    %max3A_41 = arith.constant 0.000000e+00 : f32
    %max3A_42 = vector.broadcast %max3A_41 : f32 to vector<1000x128xf32>
    %max3A_43 = arith.maximumf %add3A_40, %max3A_42 : vector<1000x128xf32>
    %swap3A = arith.constant 0 : index
    %swap3A_44 = arith.constant 0 : index
    %swap3A_45 = vector.load %arg7[%swap3A, %swap3A_44] : memref<1000x128xf32, #tpu.memory_space<vmem>>, vector<1000x128xf32>
    tpu.vector_store %arg7[%swap3A, %swap3A_44], %max3A_43 {strides = array<i32>} : memref<1000x128xf32, #tpu.memory_space<vmem>>, vector<1000x128xf32>,
    return
  }
  func.func @transform_0(%arg0: i32) -> (i32, i32, i32) {
    %c0_i32 = arith.constant 0 : i32
    %c0_i32_0 = arith.constant 0 : i32
    %c0_i32_1 = arith.constant 0 : i32
    return %c0_i32, %arg0, %c0_i32_0 : i32, i32, i32
  }
  func.func @transform_1(%arg0: i32) -> (i32, i32, i32) {
    %c0_i32 = arith.constant 0 : i32
    %c0_i32_0 = arith.constant 0 : i32
    %c0_i32_1 = arith.constant 0 : i32
    return %c0_i32, %arg0, %c0_i32_0 : i32, i32, i32
  }
  func.func @transform_2(%arg0: i32) -> (i32, i32) {
    %c0_i32 = arith.constant 0 : i32
    %c0_i32_0 = arith.constant 0 : i32
    return %arg0, %c0_i32 : i32, i32
  }
  func.func @transform_3(%arg0: i32) -> (i32, i32) {
    %c0_i32 = arith.constant 0 : i32
    %c0_i32_0 = arith.constant 0 : i32
    %c0_i32_1 = arith.constant 0 : i32
    return %c0_i32, %c0_i32_0 : i32, i32
  }
  func.func @transform_4(%arg0: i32) -> (i32, i32) {
    %c0_i32 = arith.constant 0 : i32
    %c0_i32_0 = arith.constant 0 : i32
    %c0_i32_1 = arith.constant 0 : i32
    return %c0_i32, %c0_i32_0 : i32, i32
  }
  func.func @transform_5(%arg0: i32) -> (i32, i32) {
    %c0_i32 = arith.constant 0 : i32
    %c0_i32_0 = arith.constant 0 : i32
    %c0_i32_1 = arith.constant 0 : i32
    return %c0_i32, %c0_i32_0 : i32, i32
  }
  func.func @transform_6(%arg0: i32) -> (i32, i32) {
    %c0_i32 = arith.constant 0 : i32
    %c0_i32_0 = arith.constant 0 : i32
    return %arg0, %c0_i32 : i32, i32
  }
}

module attributes {stable_mosaic.version = 14 : i64} {
  func.func @body(%arg0: i32, %arg1: memref<2x1000x128xf32, #tpu.memory_space<vmem>>, %arg2: memref<2x1000x128xf32, #tpu.memory_space<vmem>>, %arg3: memref<1000x128xf32, #tpu.memory_space<vmem>>, %arg4: memref<128x128xf32, #tpu.memory_space<vmem>>, %arg5: memref<128x128xf32, #tpu.memory_space<vmem>>, %arg6: memref<1x128xf32, #tpu.memory_space<vmem>>, %arg7: memref<1000x128xf32, #tpu.memory_space<vmem>>) attributes {dimension_semantics = [#tpu.dimension_semantics<arbitrary>], iteration_bounds = array<i64: 10>, scalar_prefetch = 0 : i64, scratch_operands = 0 : i64, tpu.core_type = #tpu.core_type<tc>, window_params = [{transform_indices = @transform_0, window_bounds = array<i64: 2, 1000, 128>}, {transform_indices = @transform_1, window_bounds = array<i64: 2, 1000, 128>}, {transform_indices = @transform_2, window_bounds = array<i64: 1000, 128>}, {pipeline_mode = #tpu.pipeline_mode<synchronous>, transform_indices = @transform_3, window_bounds = array<i64: 128, 128>}, {pipeline_mode = #tpu.pipeline_mode<synchronous>, transform_indices = @transform_4, window_bounds = array<i64: 128, 128>}, {pipeline_mode = #tpu.pipeline_mode<synchronous>, transform_indices = @transform_5, window_bounds = array<i64: 1, 128>}, {transform_indices = @transform_6, window_bounds = array<i64: 1000, 128>}]} {
    %get3A = arith.constant 0 : index
    %get3A_0 = arith.constant 0 : index
    %get3A_1 = arith.constant 0 : index
    %get3A_2 = vector.load %arg1[%get3A, %get3A_0, %get3A_1] : memref<2x1000x128xf32, #tpu.memory_space<vmem>>, vector<1x1000x128xf32>
    %get3A_3 = vector.shape_cast %get3A_2 : vector<1x1000x128xf32> to vector<1000x128xf32>
    %get3A_4 = arith.constant 1 : index
    %get3A_5 = arith.constant 0 : index
    %get3A_6 = arith.constant 0 : index
    %get3A_7 = vector.load %arg1[%get3A_4, %get3A_5, %get3A_6] : memref<2x1000x128xf32, #tpu.memory_space<vmem>>, vector<1x1000x128xf32>
    %get3A_8 = vector.shape_cast %get3A_7 : vector<1x1000x128xf32> to vector<1000x128xf32>
    %add3A = arith.addf %get3A_3, %get3A_8 : vector<1000x128xf32>
    %get3A_9 = arith.constant 0 : index
    %get3A_10 = arith.constant 0 : index
    %get3A_11 = arith.constant 0 : index
    %get3A_12 = vector.load %arg2[%get3A_9, %get3A_10, %get3A_11] : memref<2x1000x128xf32, #tpu.memory_space<vmem>>, vector<1x1000x1xf32>
    %get3A_13 = vector.shape_cast %get3A_12 : vector<1x1000x1xf32> to vector<1000x1xf32>
    %get3A_14 = arith.constant 1 : index
    %get3A_15 = arith.constant 0 : index
    %get3A_16 = arith.constant 0 : index
    %get3A_17 = vector.load %arg2[%get3A_14, %get3A_15, %get3A_16] : memref<2x1000x128xf32, #tpu.memory_space<vmem>>, vector<1x1000x1xf32>
    %get3A_18 = vector.shape_cast %get3A_17 : vector<1x1000x1xf32> to vector<1000x1xf32>
    %add3A_19 = arith.addf %get3A_13, %get3A_18 : vector<1000x1xf32>
    %max3A = arith.constant 1.000000e+00 : f32
    %max3A_20 = vector.broadcast %max3A : f32 to vector<1000x1xf32>
    %max3A_21 = arith.maximumf %add3A_19, %max3A_20 : vector<1000x1xf32>
    %div3A = vector.broadcast %max3A_21 : vector<1000x1xf32> to vector<1000x128xf32>
    %div3A_22 = arith.divf %add3A, %div3A : vector<1000x128xf32>
    %get3A_23 = arith.constant 0 : index
    %get3A_24 = arith.constant 0 : index
    %get3A_25 = vector.load %arg4[%get3A_23, %get3A_24] : memref<128x128xf32, #tpu.memory_space<vmem>>, vector<128x128xf32>
    %dot_general3A = arith.constant dense<0.000000e+00> : vector<1000x128xf32>
    %dot_general3A_26 = tpu.matmul %div3A_22, %get3A_25, %dot_general3A {dimension_numbers = #tpu.dot_dimension_numbers<[1], [0], [0], [1], [0, 0, 1, 1], [], []>, transpose_lhs_hint = false} : vector<1000x128xf32>, vector<128x128xf32>, vector<1000x128xf32> -> vector<1000x128xf32>
    %get3A_27 = arith.constant 0 : index
    %get3A_28 = arith.constant 0 : index
    %get3A_29 = vector.load %arg3[%get3A_27, %get3A_28] : memref<1000x128xf32, #tpu.memory_space<vmem>>, vector<1000x128xf32>
    %get3A_30 = arith.constant 0 : index
    %get3A_31 = arith.constant 0 : index
    %get3A_32 = vector.load %arg5[%get3A_30, %get3A_31] : memref<128x128xf32, #tpu.memory_space<vmem>>, vector<128x128xf32>
    %dot_general3A_33 = arith.constant dense<0.000000e+00> : vector<1000x128xf32>
    %dot_general3A_34 = tpu.matmul %get3A_29, %get3A_32, %dot_general3A_33 {dimension_numbers = #tpu.dot_dimension_numbers<[1], [0], [0], [1], [0, 0, 1, 1], [], []>, transpose_lhs_hint = false} : vector<1000x128xf32>, vector<128x128xf32>, vector<1000x128xf32> -> vector<1000x128xf32>
    %add3A_35 = arith.addf %dot_general3A_26, %dot_general3A_34 : vector<1000x128xf32>
    %get3A_36 = arith.constant 0 : index
    %get3A_37 = arith.constant 0 : index
    %get3A_38 = vector.load %arg6[%get3A_36, %get3A_37] : memref<1x128xf32, #tpu.memory_space<vmem>>, vector<1x128xf32>
    %add3A_39 = vector.broadcast %get3A_38 : vector<1x128xf32> to vector<1000x128xf32>
    %add3A_40 = arith.addf %add3A_35, %add3A_39 : vector<1000x128xf32>
    %swap3A = arith.constant 0 : index
    %swap3A_41 = arith.constant 0 : index
    %swap3A_42 = vector.load %arg7[%swap3A, %swap3A_41] : memref<1000x128xf32, #tpu.memory_space<vmem>>, vector<1000x128xf32>
    tpu.vector_store %arg7[%swap3A, %swap3A_41], %add3A_40 {strides = array<i32>} : memref<1000x128xf32, #tpu.memory_space<vmem>>, vector<1000x128xf32>,
    return
  }
  func.func @transform_0(%arg0: i32) -> (i32, i32, i32) {
    %c0_i32 = arith.constant 0 : i32
    %c0_i32_0 = arith.constant 0 : i32
    %c0_i32_1 = arith.constant 0 : i32
    return %c0_i32, %arg0, %c0_i32_0 : i32, i32, i32
  }
  func.func @transform_1(%arg0: i32) -> (i32, i32, i32) {
    %c0_i32 = arith.constant 0 : i32
    %c0_i32_0 = arith.constant 0 : i32
    %c0_i32_1 = arith.constant 0 : i32
    return %c0_i32, %arg0, %c0_i32_0 : i32, i32, i32
  }
  func.func @transform_2(%arg0: i32) -> (i32, i32) {
    %c0_i32 = arith.constant 0 : i32
    %c0_i32_0 = arith.constant 0 : i32
    return %arg0, %c0_i32 : i32, i32
  }
  func.func @transform_3(%arg0: i32) -> (i32, i32) {
    %c0_i32 = arith.constant 0 : i32
    %c0_i32_0 = arith.constant 0 : i32
    %c0_i32_1 = arith.constant 0 : i32
    return %c0_i32, %c0_i32_0 : i32, i32
  }
  func.func @transform_4(%arg0: i32) -> (i32, i32) {
    %c0_i32 = arith.constant 0 : i32
    %c0_i32_0 = arith.constant 0 : i32
    %c0_i32_1 = arith.constant 0 : i32
    return %c0_i32, %c0_i32_0 : i32, i32
  }
  func.func @transform_5(%arg0: i32) -> (i32, i32) {
    %c0_i32 = arith.constant 0 : i32
    %c0_i32_0 = arith.constant 0 : i32
    %c0_i32_1 = arith.constant 0 : i32
    return %c0_i32, %c0_i32_0 : i32, i32
  }
  func.func @transform_6(%arg0: i32) -> (i32, i32) {
    %c0_i32 = arith.constant 0 : i32
    %c0_i32_0 = arith.constant 0 : i32
    return %arg0, %c0_i32 : i32, i32
  }
}

</mosaic_0001>

<sc_bundles>
// kernel: kernel.10.cloned.1.call-start
scs
__scs_entry_jumppad:
0x0: {  	(pc) =	sbr.rel $0x88, $3  }
0x1: {  	(tag) =	ssettag $0x0;
	lr =	simm.s32 $0x1  }
0x2: {  	[smem:$0x3F99] =	sst lr;
	_ =	strace $0xD0000000  }
0x3: {  	_ = 	snop  }
0x4: {  	_ = 	snop  }
0x5: {  	_ = 	snop  }
0x6: {  	_ = 	snop  }
0x7: {  	_ = 	snop  }
__scs_overlays_trampoline_lowered:
0x8: {  	[smem:$0x3FA8] =	sst s0  }
0x9: {  	[smem:$0x3FA9] =	sst s1  }
0xa: {  	[smem:$0x3FAA] =	sst s2  }
0xb: {  	[smem:$0x3FAB] =	sst s3  }
0xc: {  	[smem:$0x3FAC] =	sst s4  }
0xd: {  	[smem:$0x3FAD] =	sst s5  }
0xe: {  	[smem:$0x3FAE] =	sst s6  }
0xf: {  	[smem:$0x3FAF] =	sst s7  }
0x10: {  	[smem:$0x3FB0] =	sst s8  }
0x11: {  	[smem:$0x3FB1] =	sst s9;
	s0 =	simm.s32 @!p0 $0x0  }
0x12: {  	s1 =	sld [smem:$0x3F97];
	s0 =	simm.s32 @p0 $0x1  }
0x13: {  	[smem:$0x3FB2] =	sst s0;
	s0 =	simm.s32 @!p1 $0x0  }
0x14: {  	s2 =	sld [smem:$0x3F96];
	s0 =	simm.s32 @p1 $0x1  }
0x15: {  	[smem:$0x3FB3] =	sst s0;
	s0 =	simm.s32 @!p2 $0x0  }
0x16: {  	s3 =	sld [smem:$0x3FDB];
	s0 =	simm.s32 @p2 $0x1  }
0x17: {  	s4 =	simm.s32 $0x1BF5;
	[smem:$0x3FB5] =	sst s0  }
0x18: {  	s0 =	sld [smem:$0x3F98];
	_ =	swait.ge [sflag:s4], $0x0  }
0x19: {  	s7 =	sld [smem:$0x3F99]  }
0x1a: {  	s8 =	sadd.s32 $0xFFFFE003, lr  }
0x1b: {  	s9 =	sadd.s32 $0xFFFFFEF7, lr;
	s5 =	simm.s32 $0xFFFFFFFF;
	p2 =	slt.u32 s8, $0xFFFFF086  }
0x1c: {  	p1 =	slt.u32 s9, $0xF7A;
	s5 =	simm.s32 @!p2 $0x0  }
0x1d: {  	s5 =	simm.s32 @p1 $0x1;
	p0 =	seq.s32 s7, s2  }
0x1e: {  	s7 =	smul.u32 @!p0 $0xF7A, s2;
	p2 =	seq.s32 @!p0 s5, $0x0  }
0x1f: {  	s9 =	smul.u32 $0xF7A, s1;
	s8 =	simm.s32 @!p0 $0x1BF5;
	p2 =	por !p2, p0  }
0x20: {  	[sflag:s8] =	ssyncset.s32 @!p0 $0xFFFFF086;
	s6 =	sadd.s32 @!p0 s3, s7;
	s7 =	simm.s32 @!p0 $0x108  }
0x21: {  	s3 =	sadd.s32 s3, s9;
	s6 =	sadd.s32 @!p0 $0x88, s6;
	s7 =	simm.s32 @p2 $0x1082  }
0x22: {  	[simem:s7], [sflag:s8] =	dma.local @!p0 [hbm:s6], $0xF7A  }
0x23: {  	s9 =	sor.u32 $0xD0000000, s2;
	s6 =	simm.s32 $0x108;
	_ =	swait.ge @!p0 [sflag:s8], $0x0  }
0x24: {  	s3 =	sadd.s32 $0x88, s3;
	s6 =	simm.s32 @!p1 $0x1082;
	[sflag:s4] =	ssyncset.s32 $0xFFFFF086  }
0x25: {  	[simem:s6], [sflag:s4] =	dma.local [hbm:s3], $0xF7A  }
0x26: {  	[smem:$0x3F99] =	sst s1;
	(tag) =	ssettag s2;
	_ =	strace s9  }
0x27: {  	s1 =	sld [smem:$0x3FA9]  }
0x28: {  	s2 =	sld [smem:$0x3FAA]  }
0x29: {  	s4 =	sld [smem:$0x3FAC]  }
0x2a: {  	p0 =	seq.s32 s5, $0x0;
	s5 =	sld [smem:$0x3FAD]  }
0x2b: {  	s6 =	sld [smem:$0x3FAE]  }
0x2c: {  	s7 =	sld [smem:$0x3FAF]  }
0x2d: {  	s3 =	simm.s32 $0x108;
	s8 =	sld [smem:$0x3FB0]  }
0x2e: {  	s3 =	simm.s32 @!p0 $0x1082;
	s9 =	sld [smem:$0x3FB1]  }
0x2f: {  	lr =	sadd.s32 s0, s3;
	s0 =	sld [smem:$0x3FA8]  }
0x30: {  	s3 =	sld [smem:$0x3FAB]  }
0x31: {  	[smem:$0x3FB4] =	sst s10  }
0x32: {  	s10 =	sld [smem:$0x3FB2];
	_ =	sdelay $0x3  }
0x33: {  	p0 =	seq.s32 s10, $0x1;
	s10 =	sld [smem:$0x3FB4];
	_ =	sdelay $0x3  }
0x34: {  	[smem:$0x3FB4] =	sst s10  }
0x35: {  	s10 =	sld [smem:$0x3FB3];
	_ =	sdelay $0x3  }
0x36: {  	p1 =	seq.s32 s10, $0x1;
	s10 =	sld [smem:$0x3FB4];
	_ =	sdelay $0x3  }
0x37: {  	[smem:$0x3FB4] =	sst s10  }
0x38: {  	s10 =	sld [smem:$0x3FB5]  }
0x39: {  	_ = 	snop;
	(pc) =	sbr.ind lr, $3  }
0x3a: {  	_ = 	snop  }
0x3b: {  	_ = 	snop  }
0x3c: {  	p2 =	seq.s32 s10, $0x1;
	s10 =	sld [smem:$0x3FB4]  }
0x3d: {  	_ =	shalt  }
0x3e: {  	_ =	shalt  }
0x3f: {  	_ =	shalt  }
0x40: {  	_ =	shalt  }
0x41: {  	_ =	shalt  }
0x42: {  	_ =	shalt  }
0x43: {  	_ =	shalt  }
0x44: {  	_ =	shalt  }
0x45: {  	_ =	shalt  }
0x46: {  	_ =	shalt  }
0x47: {  	_ =	shalt  }
0x48: {  	_ =	shalt  }
0x49: {  	_ =	shalt  }
0x4a: {  	_ =	shalt  }
0x4b: {  	_ =	shalt  }
0x4c: {  	_ =	shalt  }
0x4d: {  	_ =	shalt  }
0x4e: {  	_ =	shalt  }
0x4f: {  	_ =	shalt  }
0x50: {  	_ =	shalt  }
0x51: {  	_ =	shalt  }
0x52: {  	_ =	shalt  }
0x53: {  	_ =	shalt  }
0x54: {  	_ =	shalt  }
0x55: {  	_ =	shalt  }
0x56: {  	_ =	shalt  }
0x57: {  	_ =	shalt  }
0x58: {  	_ =	shalt  }
0x59: {  	_ =	shalt  }
0x5a: {  	_ =	shalt  }
0x5b: {  	_ =	shalt  }
0x5c: {  	_ =	shalt  }
0x5d: {  	_ =	shalt  }
0x5e: {  	_ =	shalt  }
0x5f: {  	_ =	shalt  }
0x60: {  	_ =	shalt  }
0x61: {  	_ =	shalt  }
0x62: {  	_ =	shalt  }
0x63: {  	_ =	shalt  }
0x64: {  	_ =	shalt  }
0x65: {  	_ =	shalt  }
0x66: {  	_ =	shalt  }
0x67: {  	_ =	shalt  }
0x68: {  	_ =	shalt  }
0x69: {  	_ =	shalt  }
0x6a: {  	_ =	shalt  }
0x6b: {  	_ =	shalt  }
0x6c: {  	_ =	shalt  }
0x6d: {  	_ =	shalt  }
0x6e: {  	_ =	shalt  }
0x6f: {  	_ =	shalt  }
0x70: {  	_ =	shalt  }
0x71: {  	_ =	shalt  }
0x72: {  	_ =	shalt  }
0x73: {  	_ =	shalt  }
0x74: {  	_ =	shalt  }
0x75: {  	_ =	shalt  }
0x76: {  	_ =	shalt  }
0x77: {  	_ =	shalt  }
0x78: {  	_ =	shalt  }
0x79: {  	_ =	shalt  }
0x7a: {  	_ =	shalt  }
0x7b: {  	_ =	shalt  }
0x7c: {  	_ =	shalt  }
0x7d: {  	_ =	shalt  }
0x7e: {  	_ =	shalt  }
0x7f: {  	_ =	shalt  }
0x80: {  	_ =	shalt  }
0x81: {  	_ =	shalt  }
0x82: {  	_ =	shalt  }
0x83: {  	_ =	shalt  }
0x84: {  	_ =	shalt  }
0x85: {  	_ =	shalt  }
0x86: {  	_ =	shalt  }
0x87: {  	_ =	shalt  }
.Lfunc_end0:
.L_simem_size_0:
called_computation.1_lowered:
.L_overlay_start_0:
0x88: {  	s2 =	sld [smem:$0x3FD9]  }
0x89: {  	s3 =	sld [smem:$0x3FFE];
	_ =	sdelay $0x1  }
0x8a: {  	s1 =	srdreg.scid  }
0x8b: {  	s0 =	sand.u32 $0x1, s1  }
0x8c: {  	s17 =	sshll.u32 s0, $0xA;
	s2 =	sadd.s32 s3, s2  }
0x8d: {  	s2 =	sadd.s32 s2, s17  }
0x8e: {  	[smem:$0x3FC0] =	sst s2  }
0x8f: {  	_ = 	snop  }
0x90: {  	s18 =	sld [smem:$0x3FC9];
	(tm) =	ssettm $0x1  }
0x91: {  	s19 =	sld [smem:$0x3FFB];
	_ =	sdelay $0x3  }
0x92: {  	_ =	strace s19  }
0x93: {  	s2 =	sld [smem:$0x3FFC];
	_ =	sdelay $0x3  }
0x94: {  	_ =	strace s2  }
0x95: {  	s2 =	sld [smem:$0x3FFD];
	_ =	sdelay $0x3  }
0x96: {  	_ =	strace s2  }
0x97: {  	_ =	strace $0x8FFFFFFF  }
0x98: {  	s20 =	sld [smem:$0x3FDB];
	_ =	sdelay $0x1  }
0x99: {  	s4 =	simm.s32 $_scs_section_size  }
0x9a: {  	s5 =	simm.s32 $_size__tile_overlayer_lowered;
	s6 =	simm.s32 $_tile_overlayer_lowered  }
0x9b: {  	s7 =	simm.s32 $0x1BFF;
	s21 =	sshll.u32 s6, $0x1;
	s4 =	sadd.s32 s4, s20  }
0x9c: {  	s22 =	simm.s32 $0x0;
	s5 =	sshll.u32 s5, $0x1;
	s6 =	sadd.s32 s21, s4  }
0x9d: {  	[timem:s22], [sflag:s7] =	dma.local [hbm:s6], s5  }
0x9e: {  	_ =	swait.ge [sflag:s7], s5  }
0x9f: {  	s5 =	ssub.s32 $0x0, s5;
	[sflag:s7] =	ssyncset.done $0x0  }
0xa0: {  	[sflag:s7] =	ssyncadd.s32 s5;
	_ =	sdelay $0x1  }
0xa1: {  	s23 =	simm.s32 $0x1B8B  }
0xa2: {  	_ =	swait.ge [sflag:s23], $0x1  }
0xa3: {  	[sflag:s23] =	ssyncset.done $0x0  }
0xa4: {  	[sflag:s23] =	ssyncadd.s32 $0xFFFFFFFF  }
0xa5: {  	s5 =	sld [smem:$0x0]  }
0xa6: {  	s6 =	sand.u32 $0xFFFFFFFE, s1  }
0xa7: {  	p0 =	sne.s32 s1, s6  }
0xa8: {  	s6 =	sshll.u32 @p0 s6, $0xE  }
0xa9: {  	s6 =	sadd.s32 @p0 $0x11B8D, s6;
	s7 =	sshll.u32 @p0 s5, $0x11  }
0xaa: {  	s6 =	sor.u32 @p0 s7, s6  }
0xab: {  	[sflag:s6] =	ssyncadd.remote.s32 @p0 $0x1;
	_ =	sdelay $0x1  }
0xac: {  	s6 =	simm.s32 @p0 $0x1B8D  }
0xad: {  	_ =	swait.eq @p0 [sflag:s6], $0x1  }
0xae: {  	[sflag:s6] =	ssyncadd.s32 @p0 $0xFFFFFFFF  }
0xaf: {  	s7 =	sshll.u32 @!p0 s1, $0xE  }
0xb0: {  	s7 =	sor.u32 @!p0 $0x4000, s7;
	s6 =	simm.s32 @!p0 $0x1B8D  }
0xb1: {  	s5 =	sshll.u32 @!p0 s5, $0x11;
	s7 =	sadd.s32 @!p0 $0x11B8D, s7;
	_ =	swait.eq @!p0 [sflag:s6], $0x1  }
0xb2: {  	s5 =	sor.u32 @!p0 s5, s7;
	[sflag:s6] =	ssyncadd.s32 @!p0 $0xFFFFFFFF  }
0xb3: {  	s25 =	simm.s32 $0x1B8E;
	s24 =	sld [smem:$0x3FFE];
	[sflag:s5] =	ssyncadd.remote.s32 @!p0 $0x1  }
0xb4: {  	s26 =	simm.s32 $execute0_lowered;
	[smem:$0x3FD2] =	sst s25  }
0xb5: {  	s6 =	sshll.u32 s26, $0x1;
	_ =	strace $0x80000049;
	[dreg:$0x1] =	wrdreg $0xFFFFFFFF  }
0xb6: {  	s28 =	simm.s32 $_size_execute0_lowered;
	s4 =	sadd.s32 s4, s6;
	[dreg:$0x0] =	wrdreg $0x0  }
0xb7: {  	s6 =	sshll.u32 s28, $0x1;
	[dreg:$0x2] =	wrdreg s4  }
0xb8: {  	[dreg:$0x3] =	wrdreg s6  }
0xb9: {  	[dreg:$0x4] =	wrdreg $0xC0  }
0xba: {  	_ =	task [dreg:s22], $0x5FFFF  }
0xbb: {  	[dreg:$0x1] =	wrdreg $0xFFFFFFFF  }
0xbc: {  	[dreg:$0x0] =	wrdreg $0x60  }
0xbd: {  	[dreg:$0x2] =	wrdreg s18  }
0xbe: {  	[dreg:$0x3] =	wrdreg s24  }
0xbf: {  	[dreg:$0x4] =	wrdreg $0xAA000  }
0xc0: {  	[dreg:$0x5] =	wrdreg $0xA  }
0xc1: {  	_ =	task.clear_ibuf [dreg:s22], $0x6FFFF;
	_ =	strace $0x90000049  }
0xc2: {  	s29 =	simm.s32 $0xA;
	_ =	strace $0x8000004B  }
0xc3: {  	_ =	swait.ge [sflag:s29], $0x1  }
0xc4: {  	[sflag:s29] =	ssyncadd.s32 $0xFFFFFFFF  }
0xc5: {  	_ =	strace $0x9000004B  }
0xc6: {  	_ =	sfence  }
0xc7: {  	s30 =	sld [smem:$0x0];
	_ =	sdelay $0x2  }
0xc8: {  	s31 =	sshll.u32 s1, $0xD;
	s1 =	sshrl.u32 s1, $0x2  }
0xc9: {  	s4 =	sand.u32 $0x4000, s31;
	s1 =	sadd.s32 s1, s30  }
0xca: {  	s0 =	sor.u32 s4, s0;
	s1 =	sshll.u32 s1, $0x11  }
0xcb: {  	s0 =	sor.u32 s1, s0  }
0xcc: {  	s0 =	sadd.s32 $0x8F2B, s0  }
0xcd: {  	[sflag:s0] =	ssyncadd.remote.s32 $0x1  }
0xce: {  	_ =	sfence.sel $0xFFFF  }
0xcf: {  	[dreg:$0x0] =	wrdreg $0xFFFFFFFF;
	(pc) =	sbr.abs _section_cstart, $3  }
0xd0: {  	[dreg:$0x1] =	wrdreg $0xFFFFFFFF  }
0xd1: {  	_ =	task.clear_ibuf [dreg:s22], $0x2FFFF;
	_ =	strace $0x9FFFFFFF  }
0xd2: {  	(tm) =	ssettm $0x7FFFFFFF  }
0xd3: {  	_ =	shalt  }
tec
execute0_lowered:
.L_overlay_start_1:
0x0: {  	(tag) =	ssettag $0x1  }
0x1: {  	s1 =	rddreg [dreg:$0x0]  }
0x2: {  	s0 =	srdreg.scid;
	s7 =	rddreg [dreg:$0x1]  }
0x3: {  	s3 =	rddreg [dreg:$0x2];
	s4 =	simm.s32 $0x0;
	s17 =	simm.s32 $0x2A00  }
0x4: {  	s18 =	simm.s32 $0x2880;
	s19 =	simm.s32 $0x6A00;
	s20 =	simm.s32 $0x1  }
0x5: {  	s21 =	simm.s32 $0x80;
	s22 =	simm.s32 $0x2900;
	s6 =	sand.u32 $0x1, s0  }
0x6: {  	s23 =	simm.s32 $0x2;
	s0 =	stileid.u32;
	s8 =	smul.u32 $0x140000, s6  }
0x7: {  	s24 =	simm.s32 $0x2980;
	s25 =	simm.s32 $0x0;
	s9 =	smul.u32 $0x14000, s0  }
0x8: {  	[smem:$0x7FF] =	sst s4;
	s2 =	sshll.u32 s6, $0x4;
	s29 =	smul.u32 $0x50000, s0  }
0x9: {  	s6 =	ssub.s32 $0x2, s6;
	s31 =	sshll.u32 s0, $0x6;
	s2 =	sor.u32 s0, s2  }
0xa: {  	s30 =	sshrl.u32 s6, $0x1;
	s5 =	smul.u32 $0x500, s2;
	s2 =	rddreg [dreg:$0x3]  }
0xb: {  	_ =	strace $0x8000004A;
	s8 =	sadd.s32 s9, s8;
	s9 =	sshrl.u32 s29, $0x2  }
0xc: {  	s11 =	ssub.s32 s6, s30;
	s6 =	sor.u32 $0x1C03, s31;
	s8 =	sshrl.u32 s8, $0x3  }
0xd: {  	s12 =	sadd.s32 s9, s3;
	s9 =	smax.u32 s11, $0x1;
	s11 =	simm.s32 $0x3  }
0xe: {  	s10 =	sadd.s32 s5, s7;
	s5 =	sadd.s32 $0xC200, s7;
	s8 =	sadd.s32 s8, s7  }
0xf: {  	s13 =	sadd.s32 $0x4000, s12;
	s14 =	sadd.s32 $0x8000, s12;
	s15 =	sadd.s32 $0xC000, s12  }
0x10: {  	s16 =	sadd.s32 $0x10000, s12;
	s7 =	sadd.s32 $0x2200, s10;
	s8 =	sadd.s32 $0x5CA00, s8  }
0x11: {  	s10 =	sshrl.u32 s12, $0x3;
	s12 =	sshrl.u32 s13, $0x3;
	s13 =	sshrl.u32 s14, $0x3  }
0x12: {  	s14 =	sshrl.u32 s15, $0x3;
	s15 =	sshrl.u32 s16, $0x3;
	s16 =	simm.s32 $0x2800  }
.LBB2_1:
0x13: {  	[spmem:s10], [sflag:s6] =	dma.local [hbm:s5], $0x800  }
0x14: {  	_ =	swait.ge [sflag:s11], $0x800  }
0x15: {  	[sflag:s11] =	ssyncset.done $0x0  }
0x16: {  	[sflag:s11] =	ssyncadd.s32 $0xFFFFF800  }
0x17: {  	[spmem:s12], [sflag:s6] =	dma.local [hbm:s5], $0x800  }
0x18: {  	_ =	swait.ge [sflag:s11], $0x800  }
0x19: {  	[sflag:s11] =	ssyncset.done $0x0  }
0x1a: {  	[sflag:s11] =	ssyncadd.s32 $0xFFFFF800  }
0x1b: {  	[spmem:s13], [sflag:s6] =	dma.local [hbm:s5], $0x800  }
0x1c: {  	_ =	swait.ge [sflag:s11], $0x800  }
0x1d: {  	[sflag:s11] =	ssyncset.done $0x0  }
0x1e: {  	[sflag:s11] =	ssyncadd.s32 $0xFFFFF800  }
0x1f: {  	[spmem:s14], [sflag:s6] =	dma.local [hbm:s5], $0x800  }
0x20: {  	_ =	swait.ge [sflag:s11], $0x800  }
0x21: {  	[sflag:s11] =	ssyncset.done $0x0  }
0x22: {  	[sflag:s11] =	ssyncadd.s32 $0xFFFFF800  }
0x23: {  	[spmem:s15], [sflag:s6] =	dma.local [hbm:s5], $0x800  }
0x24: {  	_ =	swait.ge [sflag:s11], $0x800  }
0x25: {  	[sflag:s11] =	ssyncset.done $0x0  }
0x26: {  	[sflag:s11] =	ssyncadd.s32 $0xFFFFF800  }
0x27: {  	[tilespmem:s4], [sflag:$0x3] =	stream.linear.gather [hbm4b:s7+s4], $0x2800, $0x38;
	[tilespmem:$0x1EA00] =	vst v63  }
0x28: {  	_ =	swait.ge [sflag:s11], $0x2800  }
0x29: {  	[sflag:s11] =	ssyncset.done $0x0  }
0x2a: {  	[sflag:s11] =	ssyncadd.s32 $0xFFFFD800  }
0x2b: {  	[bflag:$0x0] =	sbarrier.arrive $0xFFFF  }
0x2c: {  	v0 =	vld [tilespmem:$0x0]  }
0x2d: {  	v1 =	vld [tilespmem:$0x10]  }
0x2e: {  	v2 =	vld [tilespmem:$0x20]  }
0x2f: {  	v3 =	vld [tilespmem:$0x30]  }
0x30: {  	v4 =	vld [tilespmem:$0x40]  }
0x31: {  	v5 =	vld [tilespmem:$0x50];
	v0 =	vand.u32 $0x3FFF, v0  }
0x32: {  	v37 =	vld [tilespmem:$0x60];
	v36 =	vand.u32 $0x3FFF, v1;
	[tilespmem:$0x2800] =	vst v0  }
0x33: {  	v39 =	vld [tilespmem:$0x70];
	v38 =	vand.u32 $0x3FFF, v2;
	[tilespmem:$0x2810] =	vst v36  }
0x34: {  	v40 =	vand.u32 $0x3FFF, v3;
	[tilespmem:$0x2820] =	vst v38  }
0x35: {  	v41 =	vand.u32 $0x3FFF, v4;
	[tilespmem:$0x2830] =	vst v40  }
0x36: {  	v42 =	vand.u32 $0x3FFF, v5;
	[tilespmem:$0x2840] =	vst v41  }
0x37: {  	v43 =	vand.u32 $0x3FFF, v37;
	[tilespmem:$0x2850] =	vst v42  }
0x38: {  	v44 =	vand.u32 $0x3FFF, v39;
	[tilespmem:$0x2860] =	vst v43  }
0x39: {  	[tilespmem:$0x2870] =	vst v44  }
0x3a: {  	[tilespmem:s17], [sflag:$0x1] =	stream.indirect.gather [hbm4b:s1+s21], $0x80, s16, s21, $0xb8;
	[tilespmem:$0x1EA00] =	vst v63  }
0x3b: {  	v45 =	vld [tilespmem:$0x80]  }
0x3c: {  	v46 =	vld [tilespmem:$0x90]  }
0x3d: {  	v47 =	vld [tilespmem:$0xA0]  }
0x3e: {  	v48 =	vld [tilespmem:$0xB0]  }
0x3f: {  	v49 =	vld [tilespmem:$0xC0]  }
0x40: {  	v50 =	vld [tilespmem:$0xD0];
	v0 =	vand.u32 $0x3FFF, v45  }
0x41: {  	v52 =	vld [tilespmem:$0xE0];
	v51 =	vand.u32 $0x3FFF, v46;
	[tilespmem:$0x2880] =	vst v0  }
0x42: {  	v54 =	vld [tilespmem:$0xF0];
	v53 =	vand.u32 $0x3FFF, v47;
	[tilespmem:$0x2890] =	vst v51  }
0x43: {  	v55 =	vand.u32 $0x3FFF, v48;
	[tilespmem:$0x28A0] =	vst v53  }
0x44: {  	v56 =	vand.u32 $0x3FFF, v49;
	[tilespmem:$0x28B0] =	vst v55  }
0x45: {  	v57 =	vand.u32 $0x3FFF, v50;
	[tilespmem:$0x28C0] =	vst v56  }
0x46: {  	v58 =	vand.u32 $0x3FFF, v52;
	[tilespmem:$0x28D0] =	vst v57  }
0x47: {  	v59 =	vand.u32 $0x3FFF, v54;
	[tilespmem:$0x28E0] =	vst v58  }
0x48: {  	[tilespmem:$0x28F0] =	vst v59  }
0x49: {  	[tilespmem:s19], [sflag:$0x2] =	stream.indirect.gather [hbm4b:s1+s21], $0x80, s18, s21, $0xb8;
	[tilespmem:$0x1EA00] =	vst v63  }
0x4a: {  	_ =	swait.ge [sflag:s20], $0x4000  }
0x4b: {  	[sflag:s20] =	ssyncset.done $0x0  }
0x4c: {  	[sflag:s20] =	ssyncadd.s32 $0xFFFFC000  }
0x4d: {  	v60 =	vld [tilespmem:s21+$0xFFFFFF80];
	_ =	sdelay $0x4  }
0x4e: {  	v0 =	vshrl.u32 v60, $0xE  }
0x4f: {  	[tilespmem:$0x2900] =	vst v0  }
0x50: {  	v0 =	vld [tilespmem:s21+$0xFFFFFF90];
	_ =	sdelay $0x4  }
0x51: {  	v0 =	vshrl.u32 v0, $0xE  }
0x52: {  	[tilespmem:$0x2910] =	vst v0  }
0x53: {  	v0 =	vld [tilespmem:s21+$0xFFFFFFA0];
	_ =	sdelay $0x4  }
0x54: {  	v0 =	vshrl.u32 v0, $0xE  }
0x55: {  	[tilespmem:$0x2920] =	vst v0  }
0x56: {  	v0 =	vld [tilespmem:s21+$0xFFFFFFB0];
	_ =	sdelay $0x4  }
0x57: {  	v0 =	vshrl.u32 v0, $0xE  }
0x58: {  	[tilespmem:$0x2930] =	vst v0  }
0x59: {  	v0 =	vld [tilespmem:s21+$0xFFFFFFC0];
	_ =	sdelay $0x4  }
0x5a: {  	v0 =	vshrl.u32 v0, $0xE  }
0x5b: {  	[tilespmem:$0x2940] =	vst v0  }
0x5c: {  	v0 =	vld [tilespmem:s21+$0xFFFFFFD0];
	_ =	sdelay $0x4  }
0x5d: {  	v0 =	vshrl.u32 v0, $0xE  }
0x5e: {  	[tilespmem:$0x2950] =	vst v0  }
0x5f: {  	v0 =	vld [tilespmem:s21+$0xFFFFFFE0];
	_ =	sdelay $0x4  }
0x60: {  	v0 =	vshrl.u32 v0, $0xE  }
0x61: {  	[tilespmem:$0x2960] =	vst v0  }
0x62: {  	v0 =	vld [tilespmem:s21+$0xFFFFFFF0];
	_ =	sdelay $0x4  }
0x63: {  	v0 =	vshrl.u32 v0, $0xE  }
0x64: {  	[tilespmem:$0x2970] =	vst v0  }
0x65: {  	[spmem:s3] =	stream.indirect.scatter.add.f32 [tilespmem:s17], [sflag:$0x3], $0x80, s22, s21, $0xb8;
	[tilespmem:$0x1EA00] =	vst v63  }
0x66: {  	_ =	swait.ge [sflag:s11], $0x4000  }
0x67: {  	p0 =	por $0x0, $0x0;
	s26 =	simm.s32 $0x100;
	[sflag:s11] =	ssyncset.done $0x0  }
0x68: {  	s26 =	simm.s32 @p0 $0x0;
	[sflag:s11] =	ssyncadd.s32 $0xFFFFC000  }
0x69: {  	v61 =	vld [tilespmem:s26+$0x0];
	_ =	sdelay $0x4  }
0x6a: {  	v0 =	vand.u32 $0x3FFF, v61  }
0x6b: {  	[tilespmem:$0x2800] =	vst v0  }
0x6c: {  	v0 =	vld [tilespmem:s26+$0x10];
	_ =	sdelay $0x4  }
0x6d: {  	v0 =	vand.u32 $0x3FFF, v0  }
0x6e: {  	[tilespmem:$0x2810] =	vst v0  }
0x6f: {  	v0 =	vld [tilespmem:s26+$0x20];
	_ =	sdelay $0x4  }
0x70: {  	v0 =	vand.u32 $0x3FFF, v0  }
0x71: {  	[tilespmem:$0x2820] =	vst v0  }
0x72: {  	v0 =	vld [tilespmem:s26+$0x30];
	_ =	sdelay $0x4  }
0x73: {  	v0 =	vand.u32 $0x3FFF, v0  }
0x74: {  	[tilespmem:$0x2830] =	vst v0  }
0x75: {  	v0 =	vld [tilespmem:s26+$0x40];
	_ =	sdelay $0x4  }
0x76: {  	v0 =	vand.u32 $0x3FFF, v0  }
0x77: {  	[tilespmem:$0x2840] =	vst v0  }
0x78: {  	v0 =	vld [tilespmem:s26+$0x50];
	_ =	sdelay $0x4  }
0x79: {  	v0 =	vand.u32 $0x3FFF, v0  }
0x7a: {  	[tilespmem:$0x2850] =	vst v0  }
0x7b: {  	v0 =	vld [tilespmem:s26+$0x60];
	_ =	sdelay $0x4  }
0x7c: {  	v0 =	vand.u32 $0x3FFF, v0  }
0x7d: {  	[tilespmem:$0x2860] =	vst v0  }
0x7e: {  	v0 =	vld [tilespmem:s26+$0x70];
	_ =	sdelay $0x4  }
0x7f: {  	v0 =	vand.u32 $0x3FFF, v0  }
0x80: {  	[tilespmem:$0x2870] =	vst v0  }
0x81: {  	[tilespmem:s17], [sflag:$0x1] =	stream.indirect.gather [hbm4b:s1+s21], $0x80, s16, s21, $0xb8;
	[tilespmem:$0x1EA00] =	vst v63  }
0x82: {  	_ =	swait.ge [sflag:s23], $0x4000  }
0x83: {  	[sflag:s23] =	ssyncset.done $0x0  }
0x84: {  	[sflag:s23] =	ssyncadd.s32 $0xFFFFC000  }
0x85: {  	v62 =	vld [tilespmem:s21+$0x0];
	_ =	sdelay $0x4  }
0x86: {  	v0 =	vshrl.u32 v62, $0xE  }
0x87: {  	[tilespmem:$0x2980] =	vst v0  }
0x88: {  	v0 =	vld [tilespmem:s21+$0x10];
	_ =	sdelay $0x4  }
0x89: {  	v0 =	vshrl.u32 v0, $0xE  }
0x8a: {  	[tilespmem:$0x2990] =	vst v0  }
0x8b: {  	v0 =	vld [tilespmem:s21+$0x20];
	_ =	sdelay $0x4  }
0x8c: {  	v0 =	vshrl.u32 v0, $0xE  }
0x8d: {  	[tilespmem:$0x29A0] =	vst v0  }
0x8e: {  	v0 =	vld [tilespmem:s21+$0x30];
	_ =	sdelay $0x4  }
0x8f: {  	v0 =	vshrl.u32 v0, $0xE  }
0x90: {  	[tilespmem:$0x29B0] =	vst v0  }
0x91: {  	v0 =	vld [tilespmem:s21+$0x40];
	_ =	sdelay $0x4  }
0x92: {  	v0 =	vshrl.u32 v0, $0xE  }
0x93: {  	[tilespmem:$0x29C0] =	vst v0  }
0x94: {  	v0 =	vld [tilespmem:s21+$0x50];
	_ =	sdelay $0x4  }
0x95: {  	v0 =	vshrl.u32 v0, $0xE  }
0x96: {  	[tilespmem:$0x29D0] =	vst v0  }
0x97: {  	v0 =	vld [tilespmem:s21+$0x60];
	_ =	sdelay $0x4  }
0x98: {  	v0 =	vshrl.u32 v0, $0xE  }
0x99: {  	[tilespmem:$0x29E0] =	vst v0  }
0x9a: {  	v0 =	vld [tilespmem:s21+$0x70];
	_ =	sdelay $0x4  }
0x9b: {  	v0 =	vshrl.u32 v0, $0xE  }
0x9c: {  	[tilespmem:$0x29F0] =	vst v0  }
0x9d: {  	[spmem:s3] =	stream.indirect.scatter.add.f32 [tilespmem:s19], [sflag:$0x3], $0x80, s24, s21, $0xb8;
	[tilespmem:$0x1EA00] =	vst v63  }
0x9e: {  	_ =	swait.ge [sflag:s11], $0x4000  }
0x9f: {  	s26 =	simm.s32 $0x180;
	[sflag:s11] =	ssyncset.done $0x0  }
0xa0: {  	s26 =	simm.s32 @p0 $0x80;
	[sflag:s11] =	ssyncadd.s32 $0xFFFFC000  }
0xa1: {  	v63 =	vld [tilespmem:s26+$0x0];
	_ =	sdelay $0x4  }
0xa2: {  	v0 =	vand.u32 $0x3FFF, v63  }
0xa3: {  	[tilespmem:$0x2880] =	vst v0  }
0xa4: {  	v0 =	vld [tilespmem:s26+$0x10];
	_ =	sdelay $0x4  }
0xa5: {  	v0 =	vand.u32 $0x3FFF, v0  }
0xa6: {  	[tilespmem:$0x2890] =	vst v0  }
0xa7: {  	v0 =	vld [tilespmem:s26+$0x20];
	_ =	sdelay $0x4  }
0xa8: {  	v0 =	vand.u32 $0x3FFF, v0  }
0xa9: {  	[tilespmem:$0x28A0] =	vst v0  }
0xaa: {  	v0 =	vld [tilespmem:s26+$0x30];
	_ =	sdelay $0x4  }
0xab: {  	v0 =	vand.u32 $0x3FFF, v0  }
0xac: {  	[tilespmem:$0x28B0] =	vst v0  }
0xad: {  	v0 =	vld [tilespmem:s26+$0x40];
	_ =	sdelay $0x4  }
0xae: {  	v0 =	vand.u32 $0x3FFF, v0  }
0xaf: {  	[tilespmem:$0x28C0] =	vst v0  }
0xb0: {  	v0 =	vld [tilespmem:s26+$0x50];
	_ =	sdelay $0x4  }
0xb1: {  	v0 =	vand.u32 $0x3FFF, v0  }
0xb2: {  	[tilespmem:$0x28D0] =	vst v0  }
0xb3: {  	v0 =	vld [tilespmem:s26+$0x60];
	_ =	sdelay $0x4  }
0xb4: {  	v0 =	vand.u32 $0x3FFF, v0  }
0xb5: {  	[tilespmem:$0x28E0] =	vst v0  }
0xb6: {  	v0 =	vld [tilespmem:s26+$0x70];
	_ =	sdelay $0x4  }
0xb7: {  	v0 =	vand.u32 $0x3FFF, v0  }
0xb8: {  	s28 =	simm.s32 $0x180;
	s26 =	simm.s32 $0x280;
	[tilespmem:$0x28F0] =	vst v0  }
.LBB2_2:
0xb9: {  	[tilespmem:s19], [sflag:$0x2] =	stream.indirect.gather [hbm4b:s1+s21], $0x80, s18, s21, $0xb8;
	[tilespmem:$0x1EA00] =	vst v63  }
0xba: {  	s29 =	smov.u32 s26  }
0xbb: {  	p0 =	sne.s32 s26, $0x2880;
	s26 =	sadd.s32 $0x100, s26;
	_ =	swait.ge [sflag:s20], $0x4000  }
0xbc: {  	[sflag:s20] =	ssyncset.done $0x0  }
0xbd: {  	[sflag:s20] =	ssyncadd.s32 $0xFFFFC000  }
0xbe: {  	v0 =	vld [tilespmem:s28+$0xFFFFFF80];
	_ =	sdelay $0x4  }
0xbf: {  	v0 =	vshrl.u32 v0, $0xE  }
0xc0: {  	[tilespmem:$0x2900] =	vst v0  }
0xc1: {  	v0 =	vld [tilespmem:s28+$0xFFFFFF90];
	_ =	sdelay $0x4  }
0xc2: {  	v0 =	vshrl.u32 v0, $0xE  }
0xc3: {  	[tilespmem:$0x2910] =	vst v0  }
0xc4: {  	v0 =	vld [tilespmem:s28+$0xFFFFFFA0];
	_ =	sdelay $0x4  }
0xc5: {  	v0 =	vshrl.u32 v0, $0xE  }
0xc6: {  	[tilespmem:$0x2920] =	vst v0  }
0xc7: {  	v0 =	vld [tilespmem:s28+$0xFFFFFFB0];
	_ =	sdelay $0x4  }
0xc8: {  	v0 =	vshrl.u32 v0, $0xE  }
0xc9: {  	[tilespmem:$0x2930] =	vst v0  }
0xca: {  	v0 =	vld [tilespmem:s28+$0xFFFFFFC0];
	_ =	sdelay $0x4  }
0xcb: {  	v0 =	vshrl.u32 v0, $0xE  }
0xcc: {  	[tilespmem:$0x2940] =	vst v0  }
0xcd: {  	v0 =	vld [tilespmem:s28+$0xFFFFFFD0];
	_ =	sdelay $0x4  }
0xce: {  	v0 =	vshrl.u32 v0, $0xE  }
0xcf: {  	[tilespmem:$0x2950] =	vst v0  }
0xd0: {  	v0 =	vld [tilespmem:s28+$0xFFFFFFE0];
	_ =	sdelay $0x4  }
0xd1: {  	v0 =	vshrl.u32 v0, $0xE  }
0xd2: {  	[tilespmem:$0x2960] =	vst v0  }
0xd3: {  	v0 =	vld [tilespmem:s28+$0xFFFFFFF0];
	_ =	sdelay $0x4  }
0xd4: {  	v0 =	vshrl.u32 v0, $0xE  }
0xd5: {  	[tilespmem:$0x2970] =	vst v0  }
0xd6: {  	[spmem:s3] =	stream.indirect.scatter.add.f32 [tilespmem:s17], [sflag:$0x3], $0x80, s22, s21, $0xb8;
	[tilespmem:$0x1EA00] =	vst v63  }
0xd7: {  	_ =	swait.ge [sflag:s11], $0x4000  }
0xd8: {  	p1 =	seq.s32 s29, $0x2880;
	s30 =	sadd.s32 $0xFFFFFF80, s29;
	[sflag:s11] =	ssyncset.done $0x0  }
0xd9: {  	s30 =	simm.s32 @p1 $0x0;
	[sflag:s11] =	ssyncadd.s32 $0xFFFFC000  }
0xda: {  	v0 =	vld [tilespmem:s30+$0x0];
	_ =	sdelay $0x4  }
0xdb: {  	v0 =	vand.u32 $0x3FFF, v0  }
0xdc: {  	[tilespmem:$0x2800] =	vst v0  }
0xdd: {  	v0 =	vld [tilespmem:s30+$0x10];
	_ =	sdelay $0x4  }
0xde: {  	v0 =	vand.u32 $0x3FFF, v0  }
0xdf: {  	[tilespmem:$0x2810] =	vst v0  }
0xe0: {  	v0 =	vld [tilespmem:s30+$0x20];
	_ =	sdelay $0x4  }
0xe1: {  	v0 =	vand.u32 $0x3FFF, v0  }
0xe2: {  	[tilespmem:$0x2820] =	vst v0  }
0xe3: {  	v0 =	vld [tilespmem:s30+$0x30];
	_ =	sdelay $0x4  }
0xe4: {  	v0 =	vand.u32 $0x3FFF, v0  }
0xe5: {  	[tilespmem:$0x2830] =	vst v0  }
0xe6: {  	v0 =	vld [tilespmem:s30+$0x40];
	_ =	sdelay $0x4  }
0xe7: {  	v0 =	vand.u32 $0x3FFF, v0  }
0xe8: {  	[tilespmem:$0x2840] =	vst v0  }
0xe9: {  	v0 =	vld [tilespmem:s30+$0x50];
	_ =	sdelay $0x4  }
0xea: {  	v0 =	vand.u32 $0x3FFF, v0  }
0xeb: {  	[tilespmem:$0x2850] =	vst v0  }
0xec: {  	v0 =	vld [tilespmem:s30+$0x60];
	_ =	sdelay $0x4  }
0xed: {  	v0 =	vand.u32 $0x3FFF, v0  }
0xee: {  	[tilespmem:$0x2860] =	vst v0  }
0xef: {  	v0 =	vld [tilespmem:s30+$0x70];
	_ =	sdelay $0x4  }
0xf0: {  	v0 =	vand.u32 $0x3FFF, v0  }
0xf1: {  	[tilespmem:$0x2870] =	vst v0  }
0xf2: {  	[tilespmem:s17], [sflag:$0x1] =	stream.indirect.gather [hbm4b:s1+s21], $0x80, s16, s21, $0xb8;
	[tilespmem:$0x1EA00] =	vst v63  }
0xf3: {  	_ =	swait.ge [sflag:s23], $0x4000  }
0xf4: {  	[sflag:s23] =	ssyncset.done $0x0  }
0xf5: {  	[sflag:s23] =	ssyncadd.s32 $0xFFFFC000  }
0xf6: {  	v0 =	vld [tilespmem:s28+$0x0];
	_ =	sdelay $0x4  }
0xf7: {  	v0 =	vshrl.u32 v0, $0xE  }
0xf8: {  	[tilespmem:$0x2980] =	vst v0  }
0xf9: {  	v0 =	vld [tilespmem:s28+$0x10];
	_ =	sdelay $0x4  }
0xfa: {  	v0 =	vshrl.u32 v0, $0xE  }
0xfb: {  	[tilespmem:$0x2990] =	vst v0  }
0xfc: {  	v0 =	vld [tilespmem:s28+$0x20];
	_ =	sdelay $0x4  }
0xfd: {  	v0 =	vshrl.u32 v0, $0xE  }
0xfe: {  	[tilespmem:$0x29A0] =	vst v0  }
0xff: {  	v0 =	vld [tilespmem:s28+$0x30];
	_ =	sdelay $0x4  }
0x100: {  	v0 =	vshrl.u32 v0, $0xE  }
0x101: {  	[tilespmem:$0x29B0] =	vst v0  }
0x102: {  	v0 =	vld [tilespmem:s28+$0x40];
	_ =	sdelay $0x4  }
0x103: {  	v0 =	vshrl.u32 v0, $0xE  }
0x104: {  	[tilespmem:$0x29C0] =	vst v0  }
0x105: {  	v0 =	vld [tilespmem:s28+$0x50];
	_ =	sdelay $0x4  }
0x106: {  	v0 =	vshrl.u32 v0, $0xE  }
0x107: {  	[tilespmem:$0x29D0] =	vst v0  }
0x108: {  	v0 =	vld [tilespmem:s28+$0x60];
	_ =	sdelay $0x4  }
0x109: {  	v0 =	vshrl.u32 v0, $0xE  }
0x10a: {  	[tilespmem:$0x29E0] =	vst v0  }
0x10b: {  	v0 =	vld [tilespmem:s28+$0x70];
	_ =	sdelay $0x4  }
0x10c: {  	v0 =	vshrl.u32 v0, $0xE  }
0x10d: {  	[tilespmem:$0x29F0] =	vst v0  }
0x10e: {  	[spmem:s3] =	stream.indirect.scatter.add.f32 [tilespmem:s19], [sflag:$0x3], $0x80, s24, s21, $0xb8;
	[tilespmem:$0x1EA00] =	vst v63  }
0x10f: {  	_ =	swait.ge [sflag:s11], $0x4000  }
0x110: {  	[sflag:s11] =	ssyncset.done $0x0  }
0x111: {  	s29 =	simm.s32 @p1 $0x80;
	[sflag:s11] =	ssyncadd.s32 $0xFFFFC000  }
0x112: {  	v0 =	vld [tilespmem:s29+$0x0];
	_ =	sdelay $0x4  }
0x113: {  	v0 =	vand.u32 $0x3FFF, v0  }
0x114: {  	[tilespmem:$0x2880] =	vst v0  }
0x115: {  	v0 =	vld [tilespmem:s29+$0x10];
	_ =	sdelay $0x4  }
0x116: {  	v0 =	vand.u32 $0x3FFF, v0  }
0x117: {  	[tilespmem:$0x2890] =	vst v0  }
0x118: {  	v0 =	vld [tilespmem:s29+$0x20];
	_ =	sdelay $0x4  }
0x119: {  	v0 =	vand.u32 $0x3FFF, v0  }
0x11a: {  	[tilespmem:$0x28A0] =	vst v0  }
0x11b: {  	v0 =	vld [tilespmem:s29+$0x30];
	_ =	sdelay $0x4  }
0x11c: {  	v0 =	vand.u32 $0x3FFF, v0  }
0x11d: {  	[tilespmem:$0x28B0] =	vst v0  }
0x11e: {  	v0 =	vld [tilespmem:s29+$0x40];
	_ =	sdelay $0x4  }
0x11f: {  	v0 =	vand.u32 $0x3FFF, v0  }
0x120: {  	[tilespmem:$0x28C0] =	vst v0  }
0x121: {  	v0 =	vld [tilespmem:s29+$0x50];
	_ =	sdelay $0x4  }
0x122: {  	v0 =	vand.u32 $0x3FFF, v0  }
0x123: {  	[tilespmem:$0x28D0] =	vst v0  }
0x124: {  	v0 =	vld [tilespmem:s29+$0x60];
	_ =	sdelay $0x4  }
0x125: {  	v0 =	vand.u32 $0x3FFF, v0  }
0x126: {  	[tilespmem:$0x28E0] =	vst v0  }
0x127: {  	v0 =	vld [tilespmem:s29+$0x70];
	_ =	sdelay $0x1  }
.Ltmp0:
0x128: {  	(pc) =	sbr.rel @p0 .LBB2_2-.Ltmp0, $3  }
0x129: {  	_ =	sdelay $0x1  }
0x12a: {  	v0 =	vand.u32 $0x3FFF, v0  }
0x12b: {  	s28 =	sadd.s32 $0x100, s28;
	[tilespmem:$0x28F0] =	vst v0  }
0x12c: {  	[tilespmem:s19], [sflag:$0x2] =	stream.indirect.gather [hbm4b:s1+s21], $0x80, s18, s21, $0xb8;
	[tilespmem:$0x1EA00] =	vst v63  }
0x12d: {  	_ =	swait.ge [sflag:s20], $0x4000  }
0x12e: {  	[sflag:s20] =	ssyncset.done $0x0  }
0x12f: {  	[sflag:s20] =	ssyncadd.s32 $0xFFFFC000  }
0x130: {  	_ =	swait.ge [sflag:s23], $0x4000  }
0x131: {  	s25 =	sadd.s32 $0x1, s25;
	[sflag:s23] =	ssyncset.done $0x0  }
0x132: {  	p0 =	sne.s32 s25, s9;
	[sflag:s23] =	ssyncadd.s32 $0xFFFFC000  }
.Ltmp1:
0x133: {  	[bflag:$0x0] =	sbarrier.arrive $0xFFFF;
	(pc) =	sbr.rel @p0 .LBB2_1-.Ltmp1, $4  }
0x134: {  	[hbm:s8], [sflag:s6] =	dma.local [spmem:s10], $0x2800  }
0x135: {  	_ =	swait.ge [sflag:s11], $0x2800  }
0x136: {  	[sflag:s11] =	ssyncset.done $0x0  }
0x137: {  	[sflag:s11] =	ssyncadd.s32 $0xFFFFD800  }
0x138: {  	_ =	sfence.sel $0x180000  }
0x139: {  	[bflag:$0x0] =	sbarrier.arrive $0xFFFF  }
0x13a: {  	p0 =	sne.s32 s0, $0x0;
	_ =	strace $0x9000004A  }
0x13b: {  	s0 =	sadd.s32 @!p0 $0x100000, s2;
	[bflag:$0x2] =	sbarrier.arrive $0xFFFF  }
0x13c: {  	[sflag:s0] =	ssyncadd.tile.s32 @!p0 $0x1;
	_ =	shalt  }
.Lfunc_end2:
_tile_overlayer_lowered:
.L_overlay_start_2:
0x13d: {  	(tag) =	ssettag $0x2  }
0x13e: {  	s0 =	rddreg [dreg:$0x0];
	s2 =	stileid.u32  }
0x13f: {  	s1 =	rddreg [dreg:$0x1];
	p0 =	sne.s32 s2, $0x0  }
0x140: {  	s3 =	rddreg [dreg:$0x2];
	[bflag:$0x3] =	sbarrier.arrive $0xFFFF;
	s2 =	simm.s32 @!p0 $0x1C03  }
0x141: {  	[timem:s3], [sflag:s2] =	dma.local @!p0 [hbm:s0], s1  }
0x142: {  	s0 =	simm.s32 @!p0 $0x3  }
0x143: {  	_ =	swait.ge @!p0 [sflag:s0], s1  }
0x144: {  	s1 =	ssub.s32 @!p0 $0x0, s1;
	[sflag:s0] =	ssyncset.done @!p0 $0x0  }
0x145: {  	[sflag:s0] =	ssyncadd.s32 @!p0 s1  }
0x146: {  	[bflag:$0x3] =	sbarrier.arrive $0xFFFF  }
0x147: {  	_ =	shalt  }

// kernel: kernel.13.cloned.1.call-start
scs
__scs_entry_jumppad:
0x0: {  	(pc) =	sbr.rel $0x88, $3  }
0x1: {  	(tag) =	ssettag $0x0;
	lr =	simm.s32 $0x1  }
0x2: {  	[smem:$0x3F99] =	sst lr;
	_ =	strace $0xD0000000  }
0x3: {  	_ = 	snop  }
0x4: {  	_ = 	snop  }
0x5: {  	_ = 	snop  }
0x6: {  	_ = 	snop  }
0x7: {  	_ = 	snop  }
__scs_overlays_trampoline_lowered:
0x8: {  	[smem:$0x3FA8] =	sst s0  }
0x9: {  	[smem:$0x3FA9] =	sst s1  }
0xa: {  	[smem:$0x3FAA] =	sst s2  }
0xb: {  	[smem:$0x3FAB] =	sst s3  }
0xc: {  	[smem:$0x3FAC] =	sst s4  }
0xd: {  	[smem:$0x3FAD] =	sst s5  }
0xe: {  	[smem:$0x3FAE] =	sst s6  }
0xf: {  	[smem:$0x3FAF] =	sst s7  }
0x10: {  	[smem:$0x3FB0] =	sst s8  }
0x11: {  	[smem:$0x3FB1] =	sst s9;
	s0 =	simm.s32 @!p0 $0x0  }
0x12: {  	s1 =	sld [smem:$0x3F97];
	s0 =	simm.s32 @p0 $0x1  }
0x13: {  	[smem:$0x3FB2] =	sst s0;
	s0 =	simm.s32 @!p1 $0x0  }
0x14: {  	s2 =	sld [smem:$0x3F96];
	s0 =	simm.s32 @p1 $0x1  }
0x15: {  	[smem:$0x3FB3] =	sst s0;
	s0 =	simm.s32 @!p2 $0x0  }
0x16: {  	s3 =	sld [smem:$0x3FDB];
	s0 =	simm.s32 @p2 $0x1  }
0x17: {  	s4 =	simm.s32 $0x1BF5;
	[smem:$0x3FB5] =	sst s0  }
0x18: {  	s0 =	sld [smem:$0x3F98];
	_ =	swait.ge [sflag:s4], $0x0  }
0x19: {  	s7 =	sld [smem:$0x3F99]  }
0x1a: {  	s8 =	sadd.s32 $0xFFFFE003, lr  }
0x1b: {  	s9 =	sadd.s32 $0xFFFFFEF7, lr;
	s5 =	simm.s32 $0xFFFFFFFF;
	p2 =	slt.u32 s8, $0xFFFFF086  }
0x1c: {  	p1 =	slt.u32 s9, $0xF7A;
	s5 =	simm.s32 @!p2 $0x0  }
0x1d: {  	s5 =	simm.s32 @p1 $0x1;
	p0 =	seq.s32 s7, s2  }
0x1e: {  	s7 =	smul.u32 @!p0 $0xF7A, s2;
	p2 =	seq.s32 @!p0 s5, $0x0  }
0x1f: {  	s9 =	smul.u32 $0xF7A, s1;
	s8 =	simm.s32 @!p0 $0x1BF5;
	p2 =	por !p2, p0  }
0x20: {  	[sflag:s8] =	ssyncset.s32 @!p0 $0xFFFFF086;
	s6 =	sadd.s32 @!p0 s3, s7;
	s7 =	simm.s32 @!p0 $0x108  }
0x21: {  	s3 =	sadd.s32 s3, s9;
	s6 =	sadd.s32 @!p0 $0x88, s6;
	s7 =	simm.s32 @p2 $0x1082  }
0x22: {  	[simem:s7], [sflag:s8] =	dma.local @!p0 [hbm:s6], $0xF7A  }
0x23: {  	s9 =	sor.u32 $0xD0000000, s2;
	s6 =	simm.s32 $0x108;
	_ =	swait.ge @!p0 [sflag:s8], $0x0  }
0x24: {  	s3 =	sadd.s32 $0x88, s3;
	s6 =	simm.s32 @!p1 $0x1082;
	[sflag:s4] =	ssyncset.s32 $0xFFFFF086  }
0x25: {  	[simem:s6], [sflag:s4] =	dma.local [hbm:s3], $0xF7A  }
0x26: {  	[smem:$0x3F99] =	sst s1;
	(tag) =	ssettag s2;
	_ =	strace s9  }
0x27: {  	s1 =	sld [smem:$0x3FA9]  }
0x28: {  	s2 =	sld [smem:$0x3FAA]  }
0x29: {  	s4 =	sld [smem:$0x3FAC]  }
0x2a: {  	p0 =	seq.s32 s5, $0x0;
	s5 =	sld [smem:$0x3FAD]  }
0x2b: {  	s6 =	sld [smem:$0x3FAE]  }
0x2c: {  	s7 =	sld [smem:$0x3FAF]  }
0x2d: {  	s3 =	simm.s32 $0x108;
	s8 =	sld [smem:$0x3FB0]  }
0x2e: {  	s3 =	simm.s32 @!p0 $0x1082;
	s9 =	sld [smem:$0x3FB1]  }
0x2f: {  	lr =	sadd.s32 s0, s3;
	s0 =	sld [smem:$0x3FA8]  }
0x30: {  	s3 =	sld [smem:$0x3FAB]  }
0x31: {  	[smem:$0x3FB4] =	sst s10  }
0x32: {  	s10 =	sld [smem:$0x3FB2];
	_ =	sdelay $0x3  }
0x33: {  	p0 =	seq.s32 s10, $0x1;
	s10 =	sld [smem:$0x3FB4];
	_ =	sdelay $0x3  }
0x34: {  	[smem:$0x3FB4] =	sst s10  }
0x35: {  	s10 =	sld [smem:$0x3FB3];
	_ =	sdelay $0x3  }
0x36: {  	p1 =	seq.s32 s10, $0x1;
	s10 =	sld [smem:$0x3FB4];
	_ =	sdelay $0x3  }
0x37: {  	[smem:$0x3FB4] =	sst s10  }
0x38: {  	s10 =	sld [smem:$0x3FB5]  }
0x39: {  	_ = 	snop;
	(pc) =	sbr.ind lr, $3  }
0x3a: {  	_ = 	snop  }
0x3b: {  	_ = 	snop  }
0x3c: {  	p2 =	seq.s32 s10, $0x1;
	s10 =	sld [smem:$0x3FB4]  }
0x3d: {  	_ =	shalt  }
0x3e: {  	_ =	shalt  }
0x3f: {  	_ =	shalt  }
0x40: {  	_ =	shalt  }
0x41: {  	_ =	shalt  }
0x42: {  	_ =	shalt  }
0x43: {  	_ =	shalt  }
0x44: {  	_ =	shalt  }
0x45: {  	_ =	shalt  }
0x46: {  	_ =	shalt  }
0x47: {  	_ =	shalt  }
0x48: {  	_ =	shalt  }
0x49: {  	_ =	shalt  }
0x4a: {  	_ =	shalt  }
0x4b: {  	_ =	shalt  }
0x4c: {  	_ =	shalt  }
0x4d: {  	_ =	shalt  }
0x4e: {  	_ =	shalt  }
0x4f: {  	_ =	shalt  }
0x50: {  	_ =	shalt  }
0x51: {  	_ =	shalt  }
0x52: {  	_ =	shalt  }
0x53: {  	_ =	shalt  }
0x54: {  	_ =	shalt  }
0x55: {  	_ =	shalt  }
0x56: {  	_ =	shalt  }
0x57: {  	_ =	shalt  }
0x58: {  	_ =	shalt  }
0x59: {  	_ =	shalt  }
0x5a: {  	_ =	shalt  }
0x5b: {  	_ =	shalt  }
0x5c: {  	_ =	shalt  }
0x5d: {  	_ =	shalt  }
0x5e: {  	_ =	shalt  }
0x5f: {  	_ =	shalt  }
0x60: {  	_ =	shalt  }
0x61: {  	_ =	shalt  }
0x62: {  	_ =	shalt  }
0x63: {  	_ =	shalt  }
0x64: {  	_ =	shalt  }
0x65: {  	_ =	shalt  }
0x66: {  	_ =	shalt  }
0x67: {  	_ =	shalt  }
0x68: {  	_ =	shalt  }
0x69: {  	_ =	shalt  }
0x6a: {  	_ =	shalt  }
0x6b: {  	_ =	shalt  }
0x6c: {  	_ =	shalt  }
0x6d: {  	_ =	shalt  }
0x6e: {  	_ =	shalt  }
0x6f: {  	_ =	shalt  }
0x70: {  	_ =	shalt  }
0x71: {  	_ =	shalt  }
0x72: {  	_ =	shalt  }
0x73: {  	_ =	shalt  }
0x74: {  	_ =	shalt  }
0x75: {  	_ =	shalt  }
0x76: {  	_ =	shalt  }
0x77: {  	_ =	shalt  }
0x78: {  	_ =	shalt  }
0x79: {  	_ =	shalt  }
0x7a: {  	_ =	shalt  }
0x7b: {  	_ =	shalt  }
0x7c: {  	_ =	shalt  }
0x7d: {  	_ =	shalt  }
0x7e: {  	_ =	shalt  }
0x7f: {  	_ =	shalt  }
0x80: {  	_ =	shalt  }
0x81: {  	_ =	shalt  }
0x82: {  	_ =	shalt  }
0x83: {  	_ =	shalt  }
0x84: {  	_ =	shalt  }
0x85: {  	_ =	shalt  }
0x86: {  	_ =	shalt  }
0x87: {  	_ =	shalt  }
.Lfunc_end0:
.L_simem_size_0:
called_computation.2_lowered:
.L_overlay_start_0:
0x88: {  	s2 =	sld [smem:$0x3FD9]  }
0x89: {  	s3 =	sld [smem:$0x3FFE];
	_ =	sdelay $0x1  }
0x8a: {  	s1 =	srdreg.scid  }
0x8b: {  	s0 =	sand.u32 $0x1, s1  }
0x8c: {  	s17 =	sshll.u32 s0, $0xA;
	s2 =	sadd.s32 s3, s2  }
0x8d: {  	s2 =	sadd.s32 s2, s17  }
0x8e: {  	[smem:$0x3FC0] =	sst s2  }
0x8f: {  	_ = 	snop  }
0x90: {  	s2 =	sld [smem:$0x3FD0];
	(tm) =	ssettm $0x1  }
0x91: {  	s18 =	sld [smem:$0x3FFB];
	_ =	sdelay $0x3  }
0x92: {  	_ =	strace s18  }
0x93: {  	s3 =	sld [smem:$0x3FFC];
	_ =	sdelay $0x3  }
0x94: {  	_ =	strace s3  }
0x95: {  	s3 =	sld [smem:$0x3FFD];
	_ =	sdelay $0x3  }
0x96: {  	_ =	strace s3  }
0x97: {  	_ =	strace $0x8FFFFFFF  }
0x98: {  	s19 =	sld [smem:$0x3FDB];
	_ =	sdelay $0x1  }
0x99: {  	s4 =	simm.s32 $_scs_section_size  }
0x9a: {  	s5 =	simm.s32 $_size__tile_overlayer_lowered;
	s6 =	simm.s32 $_tile_overlayer_lowered  }
0x9b: {  	s22 =	simm.s32 $0x1BFF;
	s21 =	sshll.u32 s6, $0x1;
	s3 =	sadd.s32 s4, s19  }
0x9c: {  	s7 =	simm.s32 $0x0;
	s20 =	sshll.u32 s5, $0x1;
	s5 =	sadd.s32 s21, s3  }
0x9d: {  	[timem:s7], [sflag:s22] =	dma.local [hbm:s5], s20  }
0x9e: {  	_ =	swait.ge [sflag:s22], s20  }
0x9f: {  	s4 =	ssub.s32 $0x0, s20;
	[sflag:s22] =	ssyncset.done $0x0  }
0xa0: {  	[sflag:s22] =	ssyncadd.s32 s4;
	_ =	sdelay $0x1  }
0xa1: {  	s23 =	simm.s32 $0x1B8B  }
0xa2: {  	_ =	swait.ge [sflag:s23], $0x1  }
0xa3: {  	[sflag:s23] =	ssyncset.done $0x0  }
0xa4: {  	s25 =	simm.s32 $0x1B8E;
	s24 =	sld [smem:$0x3FFE];
	[sflag:s23] =	ssyncadd.s32 $0xFFFFFFFF  }
0xa5: {  	s26 =	simm.s32 $execute0_lowered;
	[smem:$0x3FD2] =	sst s25  }
0xa6: {  	s5 =	sshll.u32 s26, $0x1;
	_ =	strace $0x8000004C;
	[dreg:$0x1] =	wrdreg $0xFFFFFFFF  }
0xa7: {  	s28 =	simm.s32 $_size_execute0_lowered;
	s3 =	sadd.s32 s3, s5;
	[dreg:$0x0] =	wrdreg $0x0  }
0xa8: {  	s5 =	sshll.u32 s28, $0x1;
	[dreg:$0x2] =	wrdreg s3  }
0xa9: {  	[dreg:$0x3] =	wrdreg s5  }
0xaa: {  	[dreg:$0x4] =	wrdreg $0xC0  }
0xab: {  	_ =	task [dreg:s7], $0x5FFFF  }
0xac: {  	[dreg:$0x1] =	wrdreg $0xFFFFFFFF  }
0xad: {  	[dreg:$0x0] =	wrdreg $0x60  }
0xae: {  	[dreg:$0x2] =	wrdreg s2  }
0xaf: {  	[dreg:$0x3] =	wrdreg s24  }
0xb0: {  	[dreg:$0x4] =	wrdreg $0xAA000  }
0xb1: {  	[dreg:$0x5] =	wrdreg $0x9  }
0xb2: {  	_ =	task.clear_ibuf [dreg:s7], $0x6FFFF;
	_ =	strace $0x9000004C  }
0xb3: {  	s29 =	simm.s32 $0x9;
	_ =	strace $0x8000004E  }
0xb4: {  	_ =	swait.ge [sflag:s29], $0x1  }
0xb5: {  	[sflag:s29] =	ssyncadd.s32 $0xFFFFFFFF  }
0xb6: {  	_ =	strace $0x9000004E  }
0xb7: {  	_ =	sfence  }
0xb8: {  	s30 =	sld [smem:$0x0];
	_ =	sdelay $0x2  }
0xb9: {  	s31 =	sshll.u32 s1, $0xD;
	s1 =	sshrl.u32 s1, $0x2  }
0xba: {  	s3 =	sand.u32 $0x4000, s31;
	s1 =	sadd.s32 s1, s30  }
0xbb: {  	s0 =	sor.u32 s3, s0;
	s1 =	sshll.u32 s1, $0x11  }
0xbc: {  	s0 =	sor.u32 s1, s0  }
0xbd: {  	s0 =	sadd.s32 $0x8F2B, s0  }
0xbe: {  	[sflag:s0] =	ssyncadd.remote.s32 $0x1  }
0xbf: {  	_ =	sfence.sel $0xFFFF  }
0xc0: {  	[dreg:$0x0] =	wrdreg $0xFFFFFFFF;
	(pc) =	sbr.abs _section_cstart, $3  }
0xc1: {  	[dreg:$0x1] =	wrdreg $0xFFFFFFFF  }
0xc2: {  	_ =	task.clear_ibuf [dreg:s7], $0x2FFFF;
	_ =	strace $0x9FFFFFFF  }
0xc3: {  	(tm) =	ssettm $0x7FFFFFFF  }
tec
execute0_lowered:
.L_overlay_start_1:
0x0: {  	(tag) =	ssettag $0x1  }
0x1: {  	s1 =	rddreg [dreg:$0x0]  }
0x2: {  	s0 =	srdreg.scid;
	s7 =	rddreg [dreg:$0x1]  }
0x3: {  	s3 =	rddreg [dreg:$0x2];
	s4 =	simm.s32 $0x0;
	s17 =	simm.s32 $0x2A00  }
0x4: {  	s18 =	simm.s32 $0x2880;
	s19 =	simm.s32 $0x6A00;
	s20 =	simm.s32 $0x1  }
0x5: {  	s21 =	simm.s32 $0x80;
	s22 =	simm.s32 $0x2900;
	s6 =	sand.u32 $0x1, s0  }
0x6: {  	s23 =	simm.s32 $0x2;
	s0 =	stileid.u32;
	s8 =	smul.u32 $0x140000, s6  }
0x7: {  	s24 =	simm.s32 $0x2980;
	s25 =	simm.s32 $0x0;
	s9 =	smul.u32 $0x14000, s0  }
0x8: {  	[smem:$0x7FF] =	sst s4;
	s2 =	sshll.u32 s6, $0x4;
	s29 =	smul.u32 $0x50000, s0  }
0x9: {  	s6 =	ssub.s32 $0x2, s6;
	s31 =	sshll.u32 s0, $0x6;
	s2 =	sor.u32 s0, s2  }
0xa: {  	s30 =	sshrl.u32 s6, $0x1;
	s5 =	smul.u32 $0x500, s2;
	s2 =	rddreg [dreg:$0x3]  }
0xb: {  	_ =	strace $0x8000004D;
	s8 =	sadd.s32 s9, s8;
	s9 =	sshrl.u32 s29, $0x2  }
0xc: {  	s11 =	ssub.s32 s6, s30;
	s6 =	sor.u32 $0x1C03, s31;
	s8 =	sshrl.u32 s8, $0x3  }
0xd: {  	s12 =	sadd.s32 s9, s3;
	s9 =	smax.u32 s11, $0x1;
	s11 =	simm.s32 $0x3  }
0xe: {  	s10 =	sadd.s32 s5, s7;
	s5 =	sadd.s32 $0xC200, s7;
	s8 =	sadd.s32 s8, s7  }
0xf: {  	s13 =	sadd.s32 $0x4000, s12;
	s14 =	sadd.s32 $0x8000, s12;
	s15 =	sadd.s32 $0xC000, s12  }
0x10: {  	s16 =	sadd.s32 $0x10000, s12;
	s7 =	sadd.s32 $0x2200, s10;
	s8 =	sadd.s32 $0x5CA00, s8  }
0x11: {  	s10 =	sshrl.u32 s12, $0x3;
	s12 =	sshrl.u32 s13, $0x3;
	s13 =	sshrl.u32 s14, $0x3  }
0x12: {  	s14 =	sshrl.u32 s15, $0x3;
	s15 =	sshrl.u32 s16, $0x3;
	s16 =	simm.s32 $0x2800  }
.LBB2_1:
0x13: {  	[spmem:s10], [sflag:s6] =	dma.local [hbm:s5], $0x800  }
0x14: {  	_ =	swait.ge [sflag:s11], $0x800  }
0x15: {  	[sflag:s11] =	ssyncset.done $0x0  }
0x16: {  	[sflag:s11] =	ssyncadd.s32 $0xFFFFF800  }
0x17: {  	[spmem:s12], [sflag:s6] =	dma.local [hbm:s5], $0x800  }
0x18: {  	_ =	swait.ge [sflag:s11], $0x800  }
0x19: {  	[sflag:s11] =	ssyncset.done $0x0  }
0x1a: {  	[sflag:s11] =	ssyncadd.s32 $0xFFFFF800  }
0x1b: {  	[spmem:s13], [sflag:s6] =	dma.local [hbm:s5], $0x800  }
0x1c: {  	_ =	swait.ge [sflag:s11], $0x800  }
0x1d: {  	[sflag:s11] =	ssyncset.done $0x0  }
0x1e: {  	[sflag:s11] =	ssyncadd.s32 $0xFFFFF800  }
0x1f: {  	[spmem:s14], [sflag:s6] =	dma.local [hbm:s5], $0x800  }
0x20: {  	_ =	swait.ge [sflag:s11], $0x800  }
0x21: {  	[sflag:s11] =	ssyncset.done $0x0  }
0x22: {  	[sflag:s11] =	ssyncadd.s32 $0xFFFFF800  }
0x23: {  	[spmem:s15], [sflag:s6] =	dma.local [hbm:s5], $0x800  }
0x24: {  	_ =	swait.ge [sflag:s11], $0x800  }
0x25: {  	[sflag:s11] =	ssyncset.done $0x0  }
0x26: {  	[sflag:s11] =	ssyncadd.s32 $0xFFFFF800  }
0x27: {  	[tilespmem:s4], [sflag:$0x3] =	stream.linear.gather [hbm4b:s7+s4], $0x2800, $0x38;
	[tilespmem:$0x1EA00] =	vst v63  }
0x28: {  	_ =	swait.ge [sflag:s11], $0x2800  }
0x29: {  	[sflag:s11] =	ssyncset.done $0x0  }
0x2a: {  	[sflag:s11] =	ssyncadd.s32 $0xFFFFD800  }
0x2b: {  	[bflag:$0x0] =	sbarrier.arrive $0xFFFF  }
0x2c: {  	v0 =	vld [tilespmem:$0x0]  }
0x2d: {  	v1 =	vld [tilespmem:$0x10]  }
0x2e: {  	v2 =	vld [tilespmem:$0x20]  }
0x2f: {  	v3 =	vld [tilespmem:$0x30]  }
0x30: {  	v4 =	vld [tilespmem:$0x40]  }
0x31: {  	v5 =	vld [tilespmem:$0x50];
	v0 =	vand.u32 $0x3FFF, v0  }
0x32: {  	v37 =	vld [tilespmem:$0x60];
	v36 =	vand.u32 $0x3FFF, v1;
	[tilespmem:$0x2800] =	vst v0  }
0x33: {  	v39 =	vld [tilespmem:$0x70];
	v38 =	vand.u32 $0x3FFF, v2;
	[tilespmem:$0x2810] =	vst v36  }
0x34: {  	v40 =	vand.u32 $0x3FFF, v3;
	[tilespmem:$0x2820] =	vst v38  }
0x35: {  	v41 =	vand.u32 $0x3FFF, v4;
	[tilespmem:$0x2830] =	vst v40  }
0x36: {  	v42 =	vand.u32 $0x3FFF, v5;
	[tilespmem:$0x2840] =	vst v41  }
0x37: {  	v43 =	vand.u32 $0x3FFF, v37;
	[tilespmem:$0x2850] =	vst v42  }
0x38: {  	v44 =	vand.u32 $0x3FFF, v39;
	[tilespmem:$0x2860] =	vst v43  }
0x39: {  	[tilespmem:$0x2870] =	vst v44  }
0x3a: {  	[tilespmem:s17], [sflag:$0x1] =	stream.indirect.gather [hbm4b:s1+s21], $0x80, s16, s21, $0xb8;
	[tilespmem:$0x1EA00] =	vst v63  }
0x3b: {  	v45 =	vld [tilespmem:$0x80]  }
0x3c: {  	v46 =	vld [tilespmem:$0x90]  }
0x3d: {  	v47 =	vld [tilespmem:$0xA0]  }
0x3e: {  	v48 =	vld [tilespmem:$0xB0]  }
0x3f: {  	v49 =	vld [tilespmem:$0xC0]  }
0x40: {  	v50 =	vld [tilespmem:$0xD0];
	v0 =	vand.u32 $0x3FFF, v45  }
0x41: {  	v52 =	vld [tilespmem:$0xE0];
	v51 =	vand.u32 $0x3FFF, v46;
	[tilespmem:$0x2880] =	vst v0  }
0x42: {  	v54 =	vld [tilespmem:$0xF0];
	v53 =	vand.u32 $0x3FFF, v47;
	[tilespmem:$0x2890] =	vst v51  }
0x43: {  	v55 =	vand.u32 $0x3FFF, v48;
	[tilespmem:$0x28A0] =	vst v53  }
0x44: {  	v56 =	vand.u32 $0x3FFF, v49;
	[tilespmem:$0x28B0] =	vst v55  }
0x45: {  	v57 =	vand.u32 $0x3FFF, v50;
	[tilespmem:$0x28C0] =	vst v56  }
0x46: {  	v58 =	vand.u32 $0x3FFF, v52;
	[tilespmem:$0x28D0] =	vst v57  }
0x47: {  	v59 =	vand.u32 $0x3FFF, v54;
	[tilespmem:$0x28E0] =	vst v58  }
0x48: {  	[tilespmem:$0x28F0] =	vst v59  }
0x49: {  	[tilespmem:s19], [sflag:$0x2] =	stream.indirect.gather [hbm4b:s1+s21], $0x80, s18, s21, $0xb8;
	[tilespmem:$0x1EA00] =	vst v63  }
0x4a: {  	_ =	swait.ge [sflag:s20], $0x4000  }
0x4b: {  	[sflag:s20] =	ssyncset.done $0x0  }
0x4c: {  	[sflag:s20] =	ssyncadd.s32 $0xFFFFC000  }
0x4d: {  	v60 =	vld [tilespmem:s21+$0xFFFFFF80];
	_ =	sdelay $0x4  }
0x4e: {  	v0 =	vshrl.u32 v60, $0xE  }
0x4f: {  	[tilespmem:$0x2900] =	vst v0  }
0x50: {  	v0 =	vld [tilespmem:s21+$0xFFFFFF90];
	_ =	sdelay $0x4  }
0x51: {  	v0 =	vshrl.u32 v0, $0xE  }
0x52: {  	[tilespmem:$0x2910] =	vst v0  }
0x53: {  	v0 =	vld [tilespmem:s21+$0xFFFFFFA0];
	_ =	sdelay $0x4  }
0x54: {  	v0 =	vshrl.u32 v0, $0xE  }
0x55: {  	[tilespmem:$0x2920] =	vst v0  }
0x56: {  	v0 =	vld [tilespmem:s21+$0xFFFFFFB0];
	_ =	sdelay $0x4  }
0x57: {  	v0 =	vshrl.u32 v0, $0xE  }
0x58: {  	[tilespmem:$0x2930] =	vst v0  }
0x59: {  	v0 =	vld [tilespmem:s21+$0xFFFFFFC0];
	_ =	sdelay $0x4  }
0x5a: {  	v0 =	vshrl.u32 v0, $0xE  }
0x5b: {  	[tilespmem:$0x2940] =	vst v0  }
0x5c: {  	v0 =	vld [tilespmem:s21+$0xFFFFFFD0];
	_ =	sdelay $0x4  }
0x5d: {  	v0 =	vshrl.u32 v0, $0xE  }
0x5e: {  	[tilespmem:$0x2950] =	vst v0  }
0x5f: {  	v0 =	vld [tilespmem:s21+$0xFFFFFFE0];
	_ =	sdelay $0x4  }
0x60: {  	v0 =	vshrl.u32 v0, $0xE  }
0x61: {  	[tilespmem:$0x2960] =	vst v0  }
0x62: {  	v0 =	vld [tilespmem:s21+$0xFFFFFFF0];
	_ =	sdelay $0x4  }
0x63: {  	v0 =	vshrl.u32 v0, $0xE  }
0x64: {  	[tilespmem:$0x2970] =	vst v0  }
0x65: {  	[spmem:s3] =	stream.indirect.scatter.add.f32 [tilespmem:s17], [sflag:$0x3], $0x80, s22, s21, $0xb8;
	[tilespmem:$0x1EA00] =	vst v63  }
0x66: {  	_ =	swait.ge [sflag:s11], $0x4000  }
0x67: {  	p0 =	por $0x0, $0x0;
	s26 =	simm.s32 $0x100;
	[sflag:s11] =	ssyncset.done $0x0  }
0x68: {  	s26 =	simm.s32 @p0 $0x0;
	[sflag:s11] =	ssyncadd.s32 $0xFFFFC000  }
0x69: {  	v61 =	vld [tilespmem:s26+$0x0];
	_ =	sdelay $0x4  }
0x6a: {  	v0 =	vand.u32 $0x3FFF, v61  }
0x6b: {  	[tilespmem:$0x2800] =	vst v0  }
0x6c: {  	v0 =	vld [tilespmem:s26+$0x10];
	_ =	sdelay $0x4  }
0x6d: {  	v0 =	vand.u32 $0x3FFF, v0  }
0x6e: {  	[tilespmem:$0x2810] =	vst v0  }
0x6f: {  	v0 =	vld [tilespmem:s26+$0x20];
	_ =	sdelay $0x4  }
0x70: {  	v0 =	vand.u32 $0x3FFF, v0  }
0x71: {  	[tilespmem:$0x2820] =	vst v0  }
0x72: {  	v0 =	vld [tilespmem:s26+$0x30];
	_ =	sdelay $0x4  }
0x73: {  	v0 =	vand.u32 $0x3FFF, v0  }
0x74: {  	[tilespmem:$0x2830] =	vst v0  }
0x75: {  	v0 =	vld [tilespmem:s26+$0x40];
	_ =	sdelay $0x4  }
0x76: {  	v0 =	vand.u32 $0x3FFF, v0  }
0x77: {  	[tilespmem:$0x2840] =	vst v0  }
0x78: {  	v0 =	vld [tilespmem:s26+$0x50];
	_ =	sdelay $0x4  }
0x79: {  	v0 =	vand.u32 $0x3FFF, v0  }
0x7a: {  	[tilespmem:$0x2850] =	vst v0  }
0x7b: {  	v0 =	vld [tilespmem:s26+$0x60];
	_ =	sdelay $0x4  }
0x7c: {  	v0 =	vand.u32 $0x3FFF, v0  }
0x7d: {  	[tilespmem:$0x2860] =	vst v0  }
0x7e: {  	v0 =	vld [tilespmem:s26+$0x70];
	_ =	sdelay $0x4  }
0x7f: {  	v0 =	vand.u32 $0x3FFF, v0  }
0x80: {  	[tilespmem:$0x2870] =	vst v0  }
0x81: {  	[tilespmem:s17], [sflag:$0x1] =	stream.indirect.gather [hbm4b:s1+s21], $0x80, s16, s21, $0xb8;
	[tilespmem:$0x1EA00] =	vst v63  }
0x82: {  	_ =	swait.ge [sflag:s23], $0x4000  }
0x83: {  	[sflag:s23] =	ssyncset.done $0x0  }
0x84: {  	[sflag:s23] =	ssyncadd.s32 $0xFFFFC000  }
0x85: {  	v62 =	vld [tilespmem:s21+$0x0];
	_ =	sdelay $0x4  }
0x86: {  	v0 =	vshrl.u32 v62, $0xE  }
0x87: {  	[tilespmem:$0x2980] =	vst v0  }
0x88: {  	v0 =	vld [tilespmem:s21+$0x10];
	_ =	sdelay $0x4  }
0x89: {  	v0 =	vshrl.u32 v0, $0xE  }
0x8a: {  	[tilespmem:$0x2990] =	vst v0  }
0x8b: {  	v0 =	vld [tilespmem:s21+$0x20];
	_ =	sdelay $0x4  }
0x8c: {  	v0 =	vshrl.u32 v0, $0xE  }
0x8d: {  	[tilespmem:$0x29A0] =	vst v0  }
0x8e: {  	v0 =	vld [tilespmem:s21+$0x30];
	_ =	sdelay $0x4  }
0x8f: {  	v0 =	vshrl.u32 v0, $0xE  }
0x90: {  	[tilespmem:$0x29B0] =	vst v0  }
0x91: {  	v0 =	vld [tilespmem:s21+$0x40];
	_ =	sdelay $0x4  }
0x92: {  	v0 =	vshrl.u32 v0, $0xE  }
0x93: {  	[tilespmem:$0x29C0] =	vst v0  }
0x94: {  	v0 =	vld [tilespmem:s21+$0x50];
	_ =	sdelay $0x4  }
0x95: {  	v0 =	vshrl.u32 v0, $0xE  }
0x96: {  	[tilespmem:$0x29D0] =	vst v0  }
0x97: {  	v0 =	vld [tilespmem:s21+$0x60];
	_ =	sdelay $0x4  }
0x98: {  	v0 =	vshrl.u32 v0, $0xE  }
0x99: {  	[tilespmem:$0x29E0] =	vst v0  }
0x9a: {  	v0 =	vld [tilespmem:s21+$0x70];
	_ =	sdelay $0x4  }
0x9b: {  	v0 =	vshrl.u32 v0, $0xE  }
0x9c: {  	[tilespmem:$0x29F0] =	vst v0  }
0x9d: {  	[spmem:s3] =	stream.indirect.scatter.add.f32 [tilespmem:s19], [sflag:$0x3], $0x80, s24, s21, $0xb8;
	[tilespmem:$0x1EA00] =	vst v63  }
0x9e: {  	_ =	swait.ge [sflag:s11], $0x4000  }
0x9f: {  	s26 =	simm.s32 $0x180;
	[sflag:s11] =	ssyncset.done $0x0  }
0xa0: {  	s26 =	simm.s32 @p0 $0x80;
	[sflag:s11] =	ssyncadd.s32 $0xFFFFC000  }
0xa1: {  	v63 =	vld [tilespmem:s26+$0x0];
	_ =	sdelay $0x4  }
0xa2: {  	v0 =	vand.u32 $0x3FFF, v63  }
0xa3: {  	[tilespmem:$0x2880] =	vst v0  }
0xa4: {  	v0 =	vld [tilespmem:s26+$0x10];
	_ =	sdelay $0x4  }
0xa5: {  	v0 =	vand.u32 $0x3FFF, v0  }
0xa6: {  	[tilespmem:$0x2890] =	vst v0  }
0xa7: {  	v0 =	vld [tilespmem:s26+$0x20];
	_ =	sdelay $0x4  }
0xa8: {  	v0 =	vand.u32 $0x3FFF, v0  }
0xa9: {  	[tilespmem:$0x28A0] =	vst v0  }
0xaa: {  	v0 =	vld [tilespmem:s26+$0x30];
	_ =	sdelay $0x4  }
0xab: {  	v0 =	vand.u32 $0x3FFF, v0  }
0xac: {  	[tilespmem:$0x28B0] =	vst v0  }
0xad: {  	v0 =	vld [tilespmem:s26+$0x40];
	_ =	sdelay $0x4  }
0xae: {  	v0 =	vand.u32 $0x3FFF, v0  }
0xaf: {  	[tilespmem:$0x28C0] =	vst v0  }
0xb0: {  	v0 =	vld [tilespmem:s26+$0x50];
	_ =	sdelay $0x4  }
0xb1: {  	v0 =	vand.u32 $0x3FFF, v0  }
0xb2: {  	[tilespmem:$0x28D0] =	vst v0  }
0xb3: {  	v0 =	vld [tilespmem:s26+$0x60];
	_ =	sdelay $0x4  }
0xb4: {  	v0 =	vand.u32 $0x3FFF, v0  }
0xb5: {  	[tilespmem:$0x28E0] =	vst v0  }
0xb6: {  	v0 =	vld [tilespmem:s26+$0x70];
	_ =	sdelay $0x4  }
0xb7: {  	v0 =	vand.u32 $0x3FFF, v0  }
0xb8: {  	s28 =	simm.s32 $0x180;
	s26 =	simm.s32 $0x280;
	[tilespmem:$0x28F0] =	vst v0  }
.LBB2_2:
0xb9: {  	[tilespmem:s19], [sflag:$0x2] =	stream.indirect.gather [hbm4b:s1+s21], $0x80, s18, s21, $0xb8;
	[tilespmem:$0x1EA00] =	vst v63  }
0xba: {  	s29 =	smov.u32 s26  }
0xbb: {  	p0 =	sne.s32 s26, $0x2880;
	s26 =	sadd.s32 $0x100, s26;
	_ =	swait.ge [sflag:s20], $0x4000  }
0xbc: {  	[sflag:s20] =	ssyncset.done $0x0  }
0xbd: {  	[sflag:s20] =	ssyncadd.s32 $0xFFFFC000  }
0xbe: {  	v0 =	vld [tilespmem:s28+$0xFFFFFF80];
	_ =	sdelay $0x4  }
0xbf: {  	v0 =	vshrl.u32 v0, $0xE  }
0xc0: {  	[tilespmem:$0x2900] =	vst v0  }
0xc1: {  	v0 =	vld [tilespmem:s28+$0xFFFFFF90];
	_ =	sdelay $0x4  }
0xc2: {  	v0 =	vshrl.u32 v0, $0xE  }
0xc3: {  	[tilespmem:$0x2910] =	vst v0  }
0xc4: {  	v0 =	vld [tilespmem:s28+$0xFFFFFFA0];
	_ =	sdelay $0x4  }
0xc5: {  	v0 =	vshrl.u32 v0, $0xE  }
0xc6: {  	[tilespmem:$0x2920] =	vst v0  }
0xc7: {  	v0 =	vld [tilespmem:s28+$0xFFFFFFB0];
	_ =	sdelay $0x4  }
0xc8: {  	v0 =	vshrl.u32 v0, $0xE  }
0xc9: {  	[tilespmem:$0x2930] =	vst v0  }
0xca: {  	v0 =	vld [tilespmem:s28+$0xFFFFFFC0];
	_ =	sdelay $0x4  }
0xcb: {  	v0 =	vshrl.u32 v0, $0xE  }
0xcc: {  	[tilespmem:$0x2940] =	vst v0  }
0xcd: {  	v0 =	vld [tilespmem:s28+$0xFFFFFFD0];
	_ =	sdelay $0x4  }
0xce: {  	v0 =	vshrl.u32 v0, $0xE  }
0xcf: {  	[tilespmem:$0x2950] =	vst v0  }
0xd0: {  	v0 =	vld [tilespmem:s28+$0xFFFFFFE0];
	_ =	sdelay $0x4  }
0xd1: {  	v0 =	vshrl.u32 v0, $0xE  }
0xd2: {  	[tilespmem:$0x2960] =	vst v0  }
0xd3: {  	v0 =	vld [tilespmem:s28+$0xFFFFFFF0];
	_ =	sdelay $0x4  }
0xd4: {  	v0 =	vshrl.u32 v0, $0xE  }
0xd5: {  	[tilespmem:$0x2970] =	vst v0  }
0xd6: {  	[spmem:s3] =	stream.indirect.scatter.add.f32 [tilespmem:s17], [sflag:$0x3], $0x80, s22, s21, $0xb8;
	[tilespmem:$0x1EA00] =	vst v63  }
0xd7: {  	_ =	swait.ge [sflag:s11], $0x4000  }
0xd8: {  	p1 =	seq.s32 s29, $0x2880;
	s30 =	sadd.s32 $0xFFFFFF80, s29;
	[sflag:s11] =	ssyncset.done $0x0  }
0xd9: {  	s30 =	simm.s32 @p1 $0x0;
	[sflag:s11] =	ssyncadd.s32 $0xFFFFC000  }
0xda: {  	v0 =	vld [tilespmem:s30+$0x0];
	_ =	sdelay $0x4  }
0xdb: {  	v0 =	vand.u32 $0x3FFF, v0  }
0xdc: {  	[tilespmem:$0x2800] =	vst v0  }
0xdd: {  	v0 =	vld [tilespmem:s30+$0x10];
	_ =	sdelay $0x4  }
0xde: {  	v0 =	vand.u32 $0x3FFF, v0  }
0xdf: {  	[tilespmem:$0x2810] =	vst v0  }
0xe0: {  	v0 =	vld [tilespmem:s30+$0x20];
	_ =	sdelay $0x4  }
0xe1: {  	v0 =	vand.u32 $0x3FFF, v0  }
0xe2: {  	[tilespmem:$0x2820] =	vst v0  }
0xe3: {  	v0 =	vld [tilespmem:s30+$0x30];
	_ =	sdelay $0x4  }
0xe4: {  	v0 =	vand.u32 $0x3FFF, v0  }
0xe5: {  	[tilespmem:$0x2830] =	vst v0  }
0xe6: {  	v0 =	vld [tilespmem:s30+$0x40];
	_ =	sdelay $0x4  }
0xe7: {  	v0 =	vand.u32 $0x3FFF, v0  }
0xe8: {  	[tilespmem:$0x2840] =	vst v0  }
0xe9: {  	v0 =	vld [tilespmem:s30+$0x50];
	_ =	sdelay $0x4  }
0xea: {  	v0 =	vand.u32 $0x3FFF, v0  }
0xeb: {  	[tilespmem:$0x2850] =	vst v0  }
0xec: {  	v0 =	vld [tilespmem:s30+$0x60];
	_ =	sdelay $0x4  }
0xed: {  	v0 =	vand.u32 $0x3FFF, v0  }
0xee: {  	[tilespmem:$0x2860] =	vst v0  }
0xef: {  	v0 =	vld [tilespmem:s30+$0x70];
	_ =	sdelay $0x4  }
0xf0: {  	v0 =	vand.u32 $0x3FFF, v0  }
0xf1: {  	[tilespmem:$0x2870] =	vst v0  }
0xf2: {  	[tilespmem:s17], [sflag:$0x1] =	stream.indirect.gather [hbm4b:s1+s21], $0x80, s16, s21, $0xb8;
	[tilespmem:$0x1EA00] =	vst v63  }
0xf3: {  	_ =	swait.ge [sflag:s23], $0x4000  }
0xf4: {  	[sflag:s23] =	ssyncset.done $0x0  }
0xf5: {  	[sflag:s23] =	ssyncadd.s32 $0xFFFFC000  }
0xf6: {  	v0 =	vld [tilespmem:s28+$0x0];
	_ =	sdelay $0x4  }
0xf7: {  	v0 =	vshrl.u32 v0, $0xE  }
0xf8: {  	[tilespmem:$0x2980] =	vst v0  }
0xf9: {  	v0 =	vld [tilespmem:s28+$0x10];
	_ =	sdelay $0x4  }
0xfa: {  	v0 =	vshrl.u32 v0, $0xE  }
0xfb: {  	[tilespmem:$0x2990] =	vst v0  }
0xfc: {  	v0 =	vld [tilespmem:s28+$0x20];
	_ =	sdelay $0x4  }
0xfd: {  	v0 =	vshrl.u32 v0, $0xE  }
0xfe: {  	[tilespmem:$0x29A0] =	vst v0  }
0xff: {  	v0 =	vld [tilespmem:s28+$0x30];
	_ =	sdelay $0x4  }
0x100: {  	v0 =	vshrl.u32 v0, $0xE  }
0x101: {  	[tilespmem:$0x29B0] =	vst v0  }
0x102: {  	v0 =	vld [tilespmem:s28+$0x40];
	_ =	sdelay $0x4  }
0x103: {  	v0 =	vshrl.u32 v0, $0xE  }
0x104: {  	[tilespmem:$0x29C0] =	vst v0  }
0x105: {  	v0 =	vld [tilespmem:s28+$0x50];
	_ =	sdelay $0x4  }
0x106: {  	v0 =	vshrl.u32 v0, $0xE  }
0x107: {  	[tilespmem:$0x29D0] =	vst v0  }
0x108: {  	v0 =	vld [tilespmem:s28+$0x60];
	_ =	sdelay $0x4  }
0x109: {  	v0 =	vshrl.u32 v0, $0xE  }
0x10a: {  	[tilespmem:$0x29E0] =	vst v0  }
0x10b: {  	v0 =	vld [tilespmem:s28+$0x70];
	_ =	sdelay $0x4  }
0x10c: {  	v0 =	vshrl.u32 v0, $0xE  }
0x10d: {  	[tilespmem:$0x29F0] =	vst v0  }
0x10e: {  	[spmem:s3] =	stream.indirect.scatter.add.f32 [tilespmem:s19], [sflag:$0x3], $0x80, s24, s21, $0xb8;
	[tilespmem:$0x1EA00] =	vst v63  }
0x10f: {  	_ =	swait.ge [sflag:s11], $0x4000  }
0x110: {  	[sflag:s11] =	ssyncset.done $0x0  }
0x111: {  	s29 =	simm.s32 @p1 $0x80;
	[sflag:s11] =	ssyncadd.s32 $0xFFFFC000  }
0x112: {  	v0 =	vld [tilespmem:s29+$0x0];
	_ =	sdelay $0x4  }
0x113: {  	v0 =	vand.u32 $0x3FFF, v0  }
0x114: {  	[tilespmem:$0x2880] =	vst v0  }
0x115: {  	v0 =	vld [tilespmem:s29+$0x10];
	_ =	sdelay $0x4  }
0x116: {  	v0 =	vand.u32 $0x3FFF, v0  }
0x117: {  	[tilespmem:$0x2890] =	vst v0  }
0x118: {  	v0 =	vld [tilespmem:s29+$0x20];
	_ =	sdelay $0x4  }
0x119: {  	v0 =	vand.u32 $0x3FFF, v0  }
0x11a: {  	[tilespmem:$0x28A0] =	vst v0  }
0x11b: {  	v0 =	vld [tilespmem:s29+$0x30];
	_ =	sdelay $0x4  }
0x11c: {  	v0 =	vand.u32 $0x3FFF, v0  }
0x11d: {  	[tilespmem:$0x28B0] =	vst v0  }
0x11e: {  	v0 =	vld [tilespmem:s29+$0x40];
	_ =	sdelay $0x4  }
0x11f: {  	v0 =	vand.u32 $0x3FFF, v0  }
0x120: {  	[tilespmem:$0x28C0] =	vst v0  }
0x121: {  	v0 =	vld [tilespmem:s29+$0x50];
	_ =	sdelay $0x4  }
0x122: {  	v0 =	vand.u32 $0x3FFF, v0  }
0x123: {  	[tilespmem:$0x28D0] =	vst v0  }
0x124: {  	v0 =	vld [tilespmem:s29+$0x60];
	_ =	sdelay $0x4  }
0x125: {  	v0 =	vand.u32 $0x3FFF, v0  }
0x126: {  	[tilespmem:$0x28E0] =	vst v0  }
0x127: {  	v0 =	vld [tilespmem:s29+$0x70];
	_ =	sdelay $0x1  }
.Ltmp0:
0x128: {  	(pc) =	sbr.rel @p0 .LBB2_2-.Ltmp0, $3  }
0x129: {  	_ =	sdelay $0x1  }
0x12a: {  	v0 =	vand.u32 $0x3FFF, v0  }
0x12b: {  	s28 =	sadd.s32 $0x100, s28;
	[tilespmem:$0x28F0] =	vst v0  }
0x12c: {  	[tilespmem:s19], [sflag:$0x2] =	stream.indirect.gather [hbm4b:s1+s21], $0x80, s18, s21, $0xb8;
	[tilespmem:$0x1EA00] =	vst v63  }
0x12d: {  	_ =	swait.ge [sflag:s20], $0x4000  }
0x12e: {  	[sflag:s20] =	ssyncset.done $0x0  }
0x12f: {  	[sflag:s20] =	ssyncadd.s32 $0xFFFFC000  }
0x130: {  	_ =	swait.ge [sflag:s23], $0x4000  }
0x131: {  	s25 =	sadd.s32 $0x1, s25;
	[sflag:s23] =	ssyncset.done $0x0  }
0x132: {  	p0 =	sne.s32 s25, s9;
	[sflag:s23] =	ssyncadd.s32 $0xFFFFC000  }
.Ltmp1:
0x133: {  	[bflag:$0x0] =	sbarrier.arrive $0xFFFF;
	(pc) =	sbr.rel @p0 .LBB2_1-.Ltmp1, $4  }
0x134: {  	[hbm:s8], [sflag:s6] =	dma.local [spmem:s10], $0x2800  }
0x135: {  	_ =	swait.ge [sflag:s11], $0x2800  }
0x136: {  	[sflag:s11] =	ssyncset.done $0x0  }
0x137: {  	[sflag:s11] =	ssyncadd.s32 $0xFFFFD800  }
0x138: {  	_ =	sfence.sel $0x180000  }
0x139: {  	[bflag:$0x0] =	sbarrier.arrive $0xFFFF  }
0x13a: {  	p0 =	sne.s32 s0, $0x0;
	_ =	strace $0x9000004D  }
0x13b: {  	s0 =	sadd.s32 @!p0 $0x100000, s2;
	[bflag:$0x2] =	sbarrier.arrive $0xFFFF  }
0x13c: {  	[sflag:s0] =	ssyncadd.tile.s32 @!p0 $0x1;
	_ =	shalt  }
.Lfunc_end2:
_tile_overlayer_lowered:
.L_overlay_start_2:
0x13d: {  	(tag) =	ssettag $0x2  }
0x13e: {  	s0 =	rddreg [dreg:$0x0];
	s2 =	stileid.u32  }
0x13f: {  	s1 =	rddreg [dreg:$0x1];
	p0 =	sne.s32 s2, $0x0  }
0x140: {  	s3 =	rddreg [dreg:$0x2];
	[bflag:$0x3] =	sbarrier.arrive $0xFFFF;
	s2 =	simm.s32 @!p0 $0x1C03  }
0x141: {  	[timem:s3], [sflag:s2] =	dma.local @!p0 [hbm:s0], s1  }
0x142: {  	s0 =	simm.s32 @!p0 $0x3  }
0x143: {  	_ =	swait.ge @!p0 [sflag:s0], s1  }
0x144: {  	s1 =	ssub.s32 @!p0 $0x0, s1;
	[sflag:s0] =	ssyncset.done @!p0 $0x0  }
0x145: {  	[sflag:s0] =	ssyncadd.s32 @!p0 s1  }
0x146: {  	[bflag:$0x3] =	sbarrier.arrive $0xFFFF  }
0x147: {  	_ =	shalt  }

// kernel: kernel.7.cloned.1.call-start
scs
__scs_entry_jumppad:
0x0: {  	(pc) =	sbr.rel $0x88, $3  }
0x1: {  	(tag) =	ssettag $0x0;
	lr =	simm.s32 $0x1  }
0x2: {  	[smem:$0x3F99] =	sst lr;
	_ =	strace $0xD0000000  }
0x3: {  	_ = 	snop  }
0x4: {  	_ = 	snop  }
0x5: {  	_ = 	snop  }
0x6: {  	_ = 	snop  }
0x7: {  	_ = 	snop  }
__scs_overlays_trampoline_lowered:
0x8: {  	[smem:$0x3FA8] =	sst s0  }
0x9: {  	[smem:$0x3FA9] =	sst s1  }
0xa: {  	[smem:$0x3FAA] =	sst s2  }
0xb: {  	[smem:$0x3FAB] =	sst s3  }
0xc: {  	[smem:$0x3FAC] =	sst s4  }
0xd: {  	[smem:$0x3FAD] =	sst s5  }
0xe: {  	[smem:$0x3FAE] =	sst s6  }
0xf: {  	[smem:$0x3FAF] =	sst s7  }
0x10: {  	[smem:$0x3FB0] =	sst s8  }
0x11: {  	[smem:$0x3FB1] =	sst s9;
	s0 =	simm.s32 @!p0 $0x0  }
0x12: {  	s1 =	sld [smem:$0x3F97];
	s0 =	simm.s32 @p0 $0x1  }
0x13: {  	[smem:$0x3FB2] =	sst s0;
	s0 =	simm.s32 @!p1 $0x0  }
0x14: {  	s2 =	sld [smem:$0x3F96];
	s0 =	simm.s32 @p1 $0x1  }
0x15: {  	[smem:$0x3FB3] =	sst s0;
	s0 =	simm.s32 @!p2 $0x0  }
0x16: {  	s3 =	sld [smem:$0x3FDB];
	s0 =	simm.s32 @p2 $0x1  }
0x17: {  	s4 =	simm.s32 $0x1BF5;
	[smem:$0x3FB5] =	sst s0  }
0x18: {  	s0 =	sld [smem:$0x3F98];
	_ =	swait.ge [sflag:s4], $0x0  }
0x19: {  	s7 =	sld [smem:$0x3F99]  }
0x1a: {  	s8 =	sadd.s32 $0xFFFFE003, lr  }
0x1b: {  	s9 =	sadd.s32 $0xFFFFFEF7, lr;
	s5 =	simm.s32 $0xFFFFFFFF;
	p2 =	slt.u32 s8, $0xFFFFF086  }
0x1c: {  	p1 =	slt.u32 s9, $0xF7A;
	s5 =	simm.s32 @!p2 $0x0  }
0x1d: {  	s5 =	simm.s32 @p1 $0x1;
	p0 =	seq.s32 s7, s2  }
0x1e: {  	s7 =	smul.u32 @!p0 $0xF7A, s2;
	p2 =	seq.s32 @!p0 s5, $0x0  }
0x1f: {  	s9 =	smul.u32 $0xF7A, s1;
	s8 =	simm.s32 @!p0 $0x1BF5;
	p2 =	por !p2, p0  }
0x20: {  	[sflag:s8] =	ssyncset.s32 @!p0 $0xFFFFF086;
	s6 =	sadd.s32 @!p0 s3, s7;
	s7 =	simm.s32 @!p0 $0x108  }
0x21: {  	s3 =	sadd.s32 s3, s9;
	s6 =	sadd.s32 @!p0 $0x88, s6;
	s7 =	simm.s32 @p2 $0x1082  }
0x22: {  	[simem:s7], [sflag:s8] =	dma.local @!p0 [hbm:s6], $0xF7A  }
0x23: {  	s9 =	sor.u32 $0xD0000000, s2;
	s6 =	simm.s32 $0x108;
	_ =	swait.ge @!p0 [sflag:s8], $0x0  }
0x24: {  	s3 =	sadd.s32 $0x88, s3;
	s6 =	simm.s32 @!p1 $0x1082;
	[sflag:s4] =	ssyncset.s32 $0xFFFFF086  }
0x25: {  	[simem:s6], [sflag:s4] =	dma.local [hbm:s3], $0xF7A  }
0x26: {  	[smem:$0x3F99] =	sst s1;
	(tag) =	ssettag s2;
	_ =	strace s9  }
0x27: {  	s1 =	sld [smem:$0x3FA9]  }
0x28: {  	s2 =	sld [smem:$0x3FAA]  }
0x29: {  	s4 =	sld [smem:$0x3FAC]  }
0x2a: {  	p0 =	seq.s32 s5, $0x0;
	s5 =	sld [smem:$0x3FAD]  }
0x2b: {  	s6 =	sld [smem:$0x3FAE]  }
0x2c: {  	s7 =	sld [smem:$0x3FAF]  }
0x2d: {  	s3 =	simm.s32 $0x108;
	s8 =	sld [smem:$0x3FB0]  }
0x2e: {  	s3 =	simm.s32 @!p0 $0x1082;
	s9 =	sld [smem:$0x3FB1]  }
0x2f: {  	lr =	sadd.s32 s0, s3;
	s0 =	sld [smem:$0x3FA8]  }
0x30: {  	s3 =	sld [smem:$0x3FAB]  }
0x31: {  	[smem:$0x3FB4] =	sst s10  }
0x32: {  	s10 =	sld [smem:$0x3FB2];
	_ =	sdelay $0x3  }
0x33: {  	p0 =	seq.s32 s10, $0x1;
	s10 =	sld [smem:$0x3FB4];
	_ =	sdelay $0x3  }
0x34: {  	[smem:$0x3FB4] =	sst s10  }
0x35: {  	s10 =	sld [smem:$0x3FB3];
	_ =	sdelay $0x3  }
0x36: {  	p1 =	seq.s32 s10, $0x1;
	s10 =	sld [smem:$0x3FB4];
	_ =	sdelay $0x3  }
0x37: {  	[smem:$0x3FB4] =	sst s10  }
0x38: {  	s10 =	sld [smem:$0x3FB5]  }
0x39: {  	_ = 	snop;
	(pc) =	sbr.ind lr, $3  }
0x3a: {  	_ = 	snop  }
0x3b: {  	_ = 	snop  }
0x3c: {  	p2 =	seq.s32 s10, $0x1;
	s10 =	sld [smem:$0x3FB4]  }
0x3d: {  	_ =	shalt  }
0x3e: {  	_ =	shalt  }
0x3f: {  	_ =	shalt  }
0x40: {  	_ =	shalt  }
0x41: {  	_ =	shalt  }
0x42: {  	_ =	shalt  }
0x43: {  	_ =	shalt  }
0x44: {  	_ =	shalt  }
0x45: {  	_ =	shalt  }
0x46: {  	_ =	shalt  }
0x47: {  	_ =	shalt  }
0x48: {  	_ =	shalt  }
0x49: {  	_ =	shalt  }
0x4a: {  	_ =	shalt  }
0x4b: {  	_ =	shalt  }
0x4c: {  	_ =	shalt  }
0x4d: {  	_ =	shalt  }
0x4e: {  	_ =	shalt  }
0x4f: {  	_ =	shalt  }
0x50: {  	_ =	shalt  }
0x51: {  	_ =	shalt  }
0x52: {  	_ =	shalt  }
0x53: {  	_ =	shalt  }
0x54: {  	_ =	shalt  }
0x55: {  	_ =	shalt  }
0x56: {  	_ =	shalt  }
0x57: {  	_ =	shalt  }
0x58: {  	_ =	shalt  }
0x59: {  	_ =	shalt  }
0x5a: {  	_ =	shalt  }
0x5b: {  	_ =	shalt  }
0x5c: {  	_ =	shalt  }
0x5d: {  	_ =	shalt  }
0x5e: {  	_ =	shalt  }
0x5f: {  	_ =	shalt  }
0x60: {  	_ =	shalt  }
0x61: {  	_ =	shalt  }
0x62: {  	_ =	shalt  }
0x63: {  	_ =	shalt  }
0x64: {  	_ =	shalt  }
0x65: {  	_ =	shalt  }
0x66: {  	_ =	shalt  }
0x67: {  	_ =	shalt  }
0x68: {  	_ =	shalt  }
0x69: {  	_ =	shalt  }
0x6a: {  	_ =	shalt  }
0x6b: {  	_ =	shalt  }
0x6c: {  	_ =	shalt  }
0x6d: {  	_ =	shalt  }
0x6e: {  	_ =	shalt  }
0x6f: {  	_ =	shalt  }
0x70: {  	_ =	shalt  }
0x71: {  	_ =	shalt  }
0x72: {  	_ =	shalt  }
0x73: {  	_ =	shalt  }
0x74: {  	_ =	shalt  }
0x75: {  	_ =	shalt  }
0x76: {  	_ =	shalt  }
0x77: {  	_ =	shalt  }
0x78: {  	_ =	shalt  }
0x79: {  	_ =	shalt  }
0x7a: {  	_ =	shalt  }
0x7b: {  	_ =	shalt  }
0x7c: {  	_ =	shalt  }
0x7d: {  	_ =	shalt  }
0x7e: {  	_ =	shalt  }
0x7f: {  	_ =	shalt  }
0x80: {  	_ =	shalt  }
0x81: {  	_ =	shalt  }
0x82: {  	_ =	shalt  }
0x83: {  	_ =	shalt  }
0x84: {  	_ =	shalt  }
0x85: {  	_ =	shalt  }
0x86: {  	_ =	shalt  }
0x87: {  	_ =	shalt  }
.Lfunc_end0:
.L_simem_size_0:
called_computation_lowered:
.L_overlay_start_0:
0x88: {  	s2 =	sld [smem:$0x3FD9]  }
0x89: {  	s3 =	sld [smem:$0x3FFE];
	_ =	sdelay $0x1  }
0x8a: {  	s1 =	srdreg.scid  }
0x8b: {  	s0 =	sand.u32 $0x1, s1  }
0x8c: {  	s17 =	sshll.u32 s0, $0xA;
	s2 =	sadd.s32 s3, s2  }
0x8d: {  	s2 =	sadd.s32 s2, s17  }
0x8e: {  	[smem:$0x3FC0] =	sst s2  }
0x8f: {  	_ = 	snop  }
0x90: {  	s2 =	sld [smem:$0x3FD0];
	(tm) =	ssettm $0x1  }
0x91: {  	s18 =	sld [smem:$0x3FFB];
	_ =	sdelay $0x3  }
0x92: {  	_ =	strace s18  }
0x93: {  	s3 =	sld [smem:$0x3FFC];
	_ =	sdelay $0x3  }
0x94: {  	_ =	strace s3  }
0x95: {  	s3 =	sld [smem:$0x3FFD];
	_ =	sdelay $0x3  }
0x96: {  	_ =	strace s3  }
0x97: {  	_ =	strace $0x8FFFFFFF  }
0x98: {  	s19 =	sld [smem:$0x3FDB];
	_ =	sdelay $0x1  }
0x99: {  	s4 =	simm.s32 $_scs_section_size  }
0x9a: {  	s5 =	simm.s32 $_size__tile_overlayer_lowered;
	s6 =	simm.s32 $_tile_overlayer_lowered  }
0x9b: {  	s22 =	simm.s32 $0x1BFF;
	s21 =	sshll.u32 s6, $0x1;
	s3 =	sadd.s32 s4, s19  }
0x9c: {  	s7 =	simm.s32 $0x0;
	s20 =	sshll.u32 s5, $0x1;
	s5 =	sadd.s32 s21, s3  }
0x9d: {  	[timem:s7], [sflag:s22] =	dma.local [hbm:s5], s20  }
0x9e: {  	_ =	swait.ge [sflag:s22], s20  }
0x9f: {  	s4 =	ssub.s32 $0x0, s20;
	[sflag:s22] =	ssyncset.done $0x0  }
0xa0: {  	[sflag:s22] =	ssyncadd.s32 s4;
	_ =	sdelay $0x1  }
0xa1: {  	s23 =	simm.s32 $0x1B8B  }
0xa2: {  	_ =	swait.ge [sflag:s23], $0x1  }
0xa3: {  	[sflag:s23] =	ssyncset.done $0x0  }
0xa4: {  	s25 =	simm.s32 $0x1B8E;
	s24 =	sld [smem:$0x3FFE];
	[sflag:s23] =	ssyncadd.s32 $0xFFFFFFFF  }
0xa5: {  	s26 =	simm.s32 $execute0_lowered;
	[smem:$0x3FD2] =	sst s25  }
0xa6: {  	s5 =	sshll.u32 s26, $0x1;
	_ =	strace $0x80000046;
	[dreg:$0x1] =	wrdreg $0xFFFFFFFF  }
0xa7: {  	s28 =	simm.s32 $_size_execute0_lowered;
	s3 =	sadd.s32 s3, s5;
	[dreg:$0x0] =	wrdreg $0x0  }
0xa8: {  	s5 =	sshll.u32 s28, $0x1;
	[dreg:$0x2] =	wrdreg s3  }
0xa9: {  	[dreg:$0x3] =	wrdreg s5  }
0xaa: {  	[dreg:$0x4] =	wrdreg $0xC0  }
0xab: {  	_ =	task [dreg:s7], $0x5FFFF  }
0xac: {  	[dreg:$0x1] =	wrdreg $0xFFFFFFFF  }
0xad: {  	[dreg:$0x0] =	wrdreg $0x60  }
0xae: {  	[dreg:$0x2] =	wrdreg s24  }
0xaf: {  	[dreg:$0x3] =	wrdreg s2  }
0xb0: {  	[dreg:$0x4] =	wrdreg $0x90000  }
0xb1: {  	[dreg:$0x5] =	wrdreg $0x9  }
0xb2: {  	_ =	task.clear_ibuf [dreg:s7], $0x6FFFF;
	_ =	strace $0x90000046  }
0xb3: {  	s29 =	simm.s32 $0x9;
	_ =	strace $0x80000048  }
0xb4: {  	_ =	swait.ge [sflag:s29], $0x1  }
0xb5: {  	[sflag:s29] =	ssyncadd.s32 $0xFFFFFFFF  }
0xb6: {  	_ =	strace $0x90000048  }
0xb7: {  	_ =	sfence  }
0xb8: {  	s30 =	sld [smem:$0x0];
	_ =	sdelay $0x2  }
0xb9: {  	s31 =	sshll.u32 s1, $0xD;
	s1 =	sshrl.u32 s1, $0x2  }
0xba: {  	s3 =	sand.u32 $0x4000, s31;
	s1 =	sadd.s32 s1, s30  }
0xbb: {  	s0 =	sor.u32 s3, s0;
	s1 =	sshll.u32 s1, $0x11  }
0xbc: {  	s0 =	sor.u32 s1, s0  }
0xbd: {  	s0 =	sadd.s32 $0x8F2B, s0  }
0xbe: {  	[sflag:s0] =	ssyncadd.remote.s32 $0x1  }
0xbf: {  	_ =	sfence.sel $0xFFFF  }
0xc0: {  	[dreg:$0x0] =	wrdreg $0xFFFFFFFF;
	(pc) =	sbr.abs _section_cstart, $3  }
0xc1: {  	[dreg:$0x1] =	wrdreg $0xFFFFFFFF  }
0xc2: {  	_ =	task.clear_ibuf [dreg:s7], $0x2FFFF;
	_ =	strace $0x9FFFFFFF  }
0xc3: {  	(tm) =	ssettm $0x7FFFFFFF  }
tec
execute0_lowered:
.L_overlay_start_1:
0x0: {  	(tag) =	ssettag $0x1  }
0x1: {  	s6 =	rddreg [dreg:$0x0]  }
0x2: {  	s1 =	rddreg [dreg:$0x1]  }
0x3: {  	s3 =	rddreg [dreg:$0x2]  }
0x4: {  	s2 =	srdreg.scid;
	s0 =	rddreg [dreg:$0x3]  }
0x5: {  	s4 =	simm.s32 $0x0;
	s16 =	simm.s32 $0x5000;
	s7 =	sand.u32 $0x1, s2  }
0x6: {  	s17 =	simm.s32 $0x80;
	s2 =	stileid.u32;
	s8 =	smul.u32 $0x140000, s7  }
0x7: {  	s18 =	simm.s32 $0x0;
	[smem:$0x7FF] =	sst s4;
	s9 =	smul.u32 $0x14000, s2  }
0x8: {  	s5 =	sshll.u32 s7, $0x4;
	_ =	strace $0x80000047;
	s26 =	smul.u32 $0x50000, s2  }
0x9: {  	s28 =	ssub.s32 $0x2, s7;
	s31 =	sshll.u32 s2, $0x6;
	s5 =	sor.u32 s2, s5  }
0xa: {  	s30 =	sshrl.u32 s28, $0x1;
	s5 =	smul.u32 $0x500, s5;
	s8 =	sadd.s32 s9, s8  }
0xb: {  	s29 =	sshrl.u32 s26, $0x2;
	s9 =	ssub.s32 s28, s30;
	s8 =	sshrl.u32 s8, $0x3  }
0xc: {  	s11 =	sadd.s32 s29, s3;
	s9 =	smax.u32 s9, $0x1;
	s10 =	sadd.s32 s5, s6  }
0xd: {  	s5 =	sadd.s32 $0xC200, s6;
	s8 =	sadd.s32 s8, s6;
	s6 =	sor.u32 $0x1C01, s31  }
0xe: {  	s12 =	sadd.s32 $0x4000, s11;
	s13 =	sadd.s32 $0x8000, s11;
	s14 =	sadd.s32 $0xC000, s11  }
0xf: {  	s15 =	sadd.s32 $0x10000, s11;
	s7 =	sadd.s32 $0x2200, s10;
	s8 =	sadd.s32 $0xCA00, s8  }
0x10: {  	s10 =	sshrl.u32 s11, $0x3;
	s11 =	simm.s32 $0x1;
	s12 =	sshrl.u32 s12, $0x3  }
0x11: {  	s13 =	sshrl.u32 s13, $0x3;
	s14 =	sshrl.u32 s14, $0x3;
	s15 =	sshrl.u32 s15, $0x3  }
.LBB2_1:
0x12: {  	[spmem:s10], [sflag:s6] =	dma.local [hbm:s5], $0x800  }
0x13: {  	_ =	swait.ge [sflag:s11], $0x800  }
0x14: {  	[sflag:s11] =	ssyncset.done $0x0  }
0x15: {  	[sflag:s11] =	ssyncadd.s32 $0xFFFFF800  }
0x16: {  	[spmem:s12], [sflag:s6] =	dma.local [hbm:s5], $0x800  }
0x17: {  	_ =	swait.ge [sflag:s11], $0x800  }
0x18: {  	[sflag:s11] =	ssyncset.done $0x0  }
0x19: {  	[sflag:s11] =	ssyncadd.s32 $0xFFFFF800  }
0x1a: {  	[spmem:s13], [sflag:s6] =	dma.local [hbm:s5], $0x800  }
0x1b: {  	_ =	swait.ge [sflag:s11], $0x800  }
0x1c: {  	[sflag:s11] =	ssyncset.done $0x0  }
0x1d: {  	[sflag:s11] =	ssyncadd.s32 $0xFFFFF800  }
0x1e: {  	[spmem:s14], [sflag:s6] =	dma.local [hbm:s5], $0x800  }
0x1f: {  	_ =	swait.ge [sflag:s11], $0x800  }
0x20: {  	[sflag:s11] =	ssyncset.done $0x0  }
0x21: {  	[sflag:s11] =	ssyncadd.s32 $0xFFFFF800  }
0x22: {  	[spmem:s15], [sflag:s6] =	dma.local [hbm:s5], $0x800  }
0x23: {  	_ =	swait.ge [sflag:s11], $0x800  }
0x24: {  	[sflag:s11] =	ssyncset.done $0x0  }
0x25: {  	[sflag:s11] =	ssyncadd.s32 $0xFFFFF800  }
0x26: {  	[tilespmem:s16], [sflag:$0x1] =	stream.linear.gather [hbm4b:s1+s4], $0x4000, $0x38;
	[tilespmem:$0x1D000] =	vst v63  }
0x27: {  	_ =	swait.ge [sflag:s11], $0x4000  }
0x28: {  	[sflag:s11] =	ssyncset.done $0x0  }
0x29: {  	[sflag:s11] =	ssyncadd.s32 $0xFFFFC000  }
0x2a: {  	[tilespmem:s4], [sflag:$0x1] =	stream.linear.gather [hbm4b:s7+s4], $0x2800, $0x38;
	[tilespmem:$0x1D000] =	vst v63  }
0x2b: {  	_ =	swait.ge [sflag:s11], $0x2800  }
0x2c: {  	[sflag:s11] =	ssyncset.done $0x0  }
0x2d: {  	s20 =	simm.s32 $0x0;
	[sflag:s11] =	ssyncadd.s32 $0xFFFFD800  }
0x2e: {  	v1 =	vld [tilespmem:s20+$0x70]  }
0x2f: {  	v4 =	vld [tilespmem:s20+$0x0]  }
0x30: {  	v5 =	vld [tilespmem:s20+$0x10]  }
0x31: {  	v3 =	vld [tilespmem:s20+$0x20]  }
0x32: {  	v2 =	vld [tilespmem:s20+$0x30]  }
0x33: {  	v0 =	vld [tilespmem:s20+$0x40];
	v6 =	vshrl.u32 v1, $0xE  }
0x34: {  	v1 =	vld [tilespmem:s20+$0x50];
	v4 =	vshrl.u32 v4, $0xE;
	[tilespmem:s20+$0x2870] =	vst v6  }
0x35: {  	s19 =	simm.s32 $0x80;
	s21 =	simm.s32 $0x400;
	v5 =	vshrl.u32 v5, $0xE;
	[tilespmem:s20+$0x2800] =	vst v4;
	v4 =	vld [tilespmem:s20+$0x60]  }
.LBB2_2:
0x36: {  	p0 =	sne.s32 s21, $0x9E00;
	v6 =	vld [tilespmem:s19+$0x70];
	[tilespmem:s20+$0x2810] =	vst v5;
	v3 =	vshrl.u32 v3, $0xE  }
0x37: {  	v5 =	vld [tilespmem:s19+$0x0];
	[tilespmem:s20+$0x2820] =	vst v3;
	v2 =	vshrl.u32 v2, $0xE  }
0x38: {  	v7 =	vld [tilespmem:s19+$0x10];
	[tilespmem:s20+$0x2830] =	vst v2;
	v0 =	vshrl.u32 v0, $0xE  }
.Ltmp0:
0x39: {  	v3 =	vld [tilespmem:s19+$0x20];
	[tilespmem:s20+$0x2840] =	vst v0;
	v0 =	vshrl.u32 v1, $0xE;
	(pc) =	sbr.rel @p0 .LBB2_2-.Ltmp0, $4  }
0x3a: {  	v2 =	vld [tilespmem:s19+$0x30];
	[tilespmem:s20+$0x2850] =	vst v0;
	v1 =	vshrl.u32 v4, $0xE  }
0x3b: {  	v0 =	vld [tilespmem:s19+$0x40];
	v4 =	vshrl.u32 v6, $0xE;
	[tilespmem:s20+$0x2860] =	vst v1;
	s20 =	smov.u32 s19  }
0x3c: {  	v5 =	vshrl.u32 v5, $0xE;
	v1 =	vld [tilespmem:s20+$0x50];
	[tilespmem:s20+$0x2870] =	vst v4  }
0x3d: {  	s19 =	sshra.s32 s21, $0x2;
	s21 =	sadd.s32 $0x200, s21;
	[tilespmem:s20+$0x2800] =	vst v5;
	v5 =	vshrl.u32 v7, $0xE;
	v4 =	vld [tilespmem:s20+$0x60]  }
0x3e: {  	v6 =	vld [tilespmem:s19+$0x70];
	[tilespmem:s20+$0x2810] =	vst v5;
	v3 =	vshrl.u32 v3, $0xE  }
0x3f: {  	v5 =	vld [tilespmem:s19+$0x0];
	[tilespmem:s20+$0x2820] =	vst v3;
	v2 =	vshrl.u32 v2, $0xE  }
0x40: {  	v3 =	vld [tilespmem:s19+$0x10];
	[tilespmem:s20+$0x2830] =	vst v2;
	v0 =	vshrl.u32 v0, $0xE  }
0x41: {  	v2 =	vld [tilespmem:s19+$0x20];
	[tilespmem:s20+$0x2840] =	vst v0;
	v51 =	vshrl.u32 v1, $0xE  }
0x42: {  	v52 =	vld [tilespmem:s19+$0x30];
	[tilespmem:s20+$0x2850] =	vst v51;
	v53 =	vshrl.u32 v4, $0xE  }
0x43: {  	v54 =	vld [tilespmem:s19+$0x40];
	[tilespmem:s20+$0x2860] =	vst v53;
	v55 =	vshrl.u32 v6, $0xE  }
0x44: {  	v56 =	vld [tilespmem:s19+$0x50];
	v5 =	vshrl.u32 v5, $0xE;
	[tilespmem:s19+$0x2870] =	vst v55  }
0x45: {  	v58 =	vld [tilespmem:s19+$0x60];
	[tilespmem:s19+$0x2800] =	vst v5;
	v57 =	vshrl.u32 v3, $0xE  }
0x46: {  	[tilespmem:s19+$0x2810] =	vst v57;
	v59 =	vshrl.u32 v2, $0xE  }
0x47: {  	[tilespmem:s19+$0x2820] =	vst v59;
	v60 =	vshrl.u32 v52, $0xE  }
0x48: {  	[tilespmem:s19+$0x2830] =	vst v60;
	v61 =	vshrl.u32 v54, $0xE  }
0x49: {  	[tilespmem:s19+$0x2840] =	vst v61;
	v62 =	vshrl.u32 v56, $0xE  }
0x4a: {  	v63 =	vshrl.u32 v58, $0xE;
	[tilespmem:s19+$0x2850] =	vst v62  }
0x4b: {  	[tilespmem:s19+$0x2860] =	vst v63  }
0x4c: {  	s31 =	simm.s32 $0x2800;
	[bflag:$0x0] =	sbarrier.arrive $0xFFFF  }
0x4d: {  	[spmem:s3] =	stream.indirect.scatter.add.f32 [tilespmem:s16], [sflag:$0x1], $0x80, s31, s17, $0xb8;
	[tilespmem:$0x1D000] =	vst v63  }
0x4e: {  	s19 =	simm.s32 $0x200;
	_ =	swait.ge [sflag:s11], $0x4000  }
.LBB2_4:
0x4f: {  	s20 =	sshra.s32 s19, $0x2;
	[sflag:s11] =	ssyncset.done $0x0;
	p0 =	sne.s32 s19, $0x9E00  }
.Ltmp1:
0x50: {  	s20 =	sadd.s32 $0x2800, s20;
	[sflag:s11] =	ssyncadd.s32 $0xFFFFC000;
	(pc) =	sbr.rel @p0 .LBB2_4-.Ltmp1, $3  }
0x51: {  	[spmem:s3] =	stream.indirect.scatter.add.f32 [tilespmem:s16], [sflag:$0x1], $0x80, s20, s17, $0xb8;
	[tilespmem:$0x1D000] =	vst v63  }
0x52: {  	s19 =	sadd.s32 $0x200, s19;
	_ =	sdelay $0x1  }
0x53: {  	_ =	swait.ge [sflag:s11], $0x4000  }
0x54: {  	[sflag:s11] =	ssyncset.done $0x0;
	s18 =	sadd.s32 $0x1, s18  }
0x55: {  	[sflag:s11] =	ssyncadd.s32 $0xFFFFC000;
	p0 =	sne.s32 s18, s9  }
.Ltmp2:
0x56: {  	[bflag:$0x0] =	sbarrier.arrive $0xFFFF;
	(pc) =	sbr.rel @p0 .LBB2_1-.Ltmp2, $4  }
0x57: {  	[hbm:s8], [sflag:s6] =	dma.local [spmem:s10], $0x2800  }
0x58: {  	_ =	swait.ge [sflag:s11], $0x2800  }
0x59: {  	[sflag:s11] =	ssyncset.done $0x0  }
0x5a: {  	[sflag:s11] =	ssyncadd.s32 $0xFFFFD800  }
0x5b: {  	_ =	sfence.sel $0x180000  }
0x5c: {  	[bflag:$0x0] =	sbarrier.arrive $0xFFFF  }
0x5d: {  	p0 =	sne.s32 s2, $0x0;
	_ =	strace $0x90000047  }
0x5e: {  	s0 =	sadd.s32 @!p0 $0x100000, s0;
	[bflag:$0x2] =	sbarrier.arrive $0xFFFF  }
0x5f: {  	[sflag:s0] =	ssyncadd.tile.s32 @!p0 $0x1;
	_ =	shalt  }
.Lfunc_end2:
_tile_overlayer_lowered:
.L_overlay_start_2:
0x60: {  	(tag) =	ssettag $0x2  }
0x61: {  	s0 =	rddreg [dreg:$0x0];
	s2 =	stileid.u32  }
0x62: {  	s1 =	rddreg [dreg:$0x1];
	p0 =	sne.s32 s2, $0x0  }
0x63: {  	s3 =	rddreg [dreg:$0x2];
	[bflag:$0x3] =	sbarrier.arrive $0xFFFF;
	s2 =	simm.s32 @!p0 $0x1C01  }
0x64: {  	[timem:s3], [sflag:s2] =	dma.local @!p0 [hbm:s0], s1  }
0x65: {  	s0 =	simm.s32 @!p0 $0x1  }
0x66: {  	_ =	swait.ge @!p0 [sflag:s0], s1  }
0x67: {  	s1 =	ssub.s32 @!p0 $0x0, s1;
	[sflag:s0] =	ssyncset.done @!p0 $0x0  }
0x68: {  	[sflag:s0] =	ssyncadd.s32 @!p0 s1  }
0x69: {  	[bflag:$0x3] =	sbarrier.arrive $0xFFFF  }
0x6a: {  	_ =	shalt  }

</sc_bundles>
